<compile_context>
chip_gen: v7x
topology: tpu7x:2x2x1
jax: 0.10.2.dev20260603
libtpu: 0.0.44.dev20260713+nightly
codegen_flags: <defaults>
</compile_context>

<pallas_src>
import functools

import jax
import jax.numpy as jnp
from jax import lax
from jax.experimental import pallas as pl
from jax.experimental.pallas import tpu as pltpu
from jax.experimental.pallas import tpu_sc as plsc

N_BINS = 256
D = 32
B = 16384
S = 200
SP = S + 4
K = 5

NC, NS = 2, 16
NW = NC * NS
ROWS_W = B // NW
R = 4
CHUNKS = ROWS_W // R
PCH = R * S
IV = PCH // 16

G = S // 8
BR = 128


def _sc_gather(x_flat, binsext, table, zeros2):
    mesh = plsc.VectorSubcoreMesh(core_axis_name="c", subcore_axis_name="s")

    @functools.partial(
        pl.kernel,
        mesh=mesh,
        compiler_params=pltpu.CompilerParams(
            needs_layout_passes=False, use_tc_tiling_on_sc=False),
        out_type=jax.ShapeDtypeStruct((B * SP, D), jnp.float32),
        scratch_types=[
            pltpu.VMEM((2, PCH), jnp.float32),
            pltpu.VMEM((2, PCH), jnp.int32),
            pltpu.VMEM((2, R, SP, D), jnp.float32),
            pltpu.VMEM((N_BINS,), jnp.float32),
            pltpu.SemaphoreType.DMA,
            pltpu.SemaphoreType.DMA,
            pltpu.SemaphoreType.DMA,
            pltpu.SemaphoreType.DMA,
            pltpu.SemaphoreType.DMA,
            pltpu.SemaphoreType.DMA,
        ],
    )
    def k(x_hbm, be_hbm, tab_hbm, z_hbm, out_hbm, xb, idxb, stag, be,
          sx0, sx1, sg0, sg1, so0, so1):
        wid = lax.axis_index("s") * NC + lax.axis_index("c")
        sx = (sx0, sx1)
        sg = (sg0, sg1)
        so = (so0, so1)
        pltpu.sync_copy(be_hbm, be)

        for p in range(2):
            for r in range(R):
                pltpu.sync_copy(z_hbm, stag.at[p, r, pl.ds(0, 2)])
                pltpu.sync_copy(z_hbm, stag.at[p, r, pl.ds(SP - 2, 2)])

        def xbase(ci):
            return wid * (ROWS_W * S) + ci * PCH

        def fire_x(ci, p):
            pltpu.async_copy(
                x_hbm.at[pl.ds(xbase(ci), PCH)], xb.at[p], sx[p])

        def wait_x(p):
            pltpu.make_async_copy(
                x_hbm.at[pl.ds(0, PCH)], xb.at[p], sx[p]).wait()

        def fire_gathers(ci, p):
            for r in range(R):
                pltpu.async_copy(
                    tab_hbm.at[idxb.at[p, pl.ds(r * S, S)]],
                    stag.at[p, r, pl.ds(2, S)],
                    sg[p],
                )

        def wait_gathers(p):
            for r in range(R):
                pltpu.make_async_copy(
                    tab_hbm.at[idxb.at[p, pl.ds(r * S, S)]],
                    stag.at[p, r, pl.ds(2, S)],
                    sg[p],
                ).wait()

        def fire_out(ci, p):
            row0 = wid * ROWS_W + ci * R
            for r in range(R):
                pltpu.async_copy(
                    stag.at[p, r], out_hbm.at[pl.ds((row0 + r) * SP, SP)],
                    so[p])

        def wait_out(p):
            for r in range(R):
                pltpu.make_async_copy(
                    stag.at[p, r], out_hbm.at[pl.ds(0, SP)], so[p]).wait()

        def idx_compute(p):
            def iv_body(i, c2):
                off = pl.multiple_of(i * 16, 16)
                y = xb[p, pl.ds(off, 16)]
                t = y * jnp.float32(N_BINS - 2)
                c = t.astype(jnp.int32)
                c = c + jnp.where(c.astype(jnp.float32) < t, 1, 0)
                c = jnp.clip(c, 0, N_BINS - 2)
                lo = plsc.load_gather(be, [c])
                hi = plsc.load_gather(be, [c + 1])
                c = c + jnp.where(y > hi, 1, 0) - jnp.where(y <= lo, 1, 0)
                idxb[p, pl.ds(off, 16)] = jnp.clip(c, 0, N_BINS - 1)
                return c2

            lax.fori_loop(0, IV, iv_body, 0)

        fire_x(0, 0)
        fire_x(1, 1)

        def chunk_body(ci2, carry):
            for p in range(2):
                ci = 2 * ci2 + p
                wait_x(p)
                idx_compute(p)

                @pl.when(ci2 >= 1)
                def _():
                    wait_out(p)

                fire_gathers(ci, p)

                @pl.when(ci2 < CHUNKS // 2 - 1)
                def _():
                    fire_x(ci + 2, p)

                if p == 0:
                    @pl.when(ci2 >= 1)
                    def _():
                        wait_gathers(1)
                        fire_out(2 * ci2 - 1, 1)
                else:
                    wait_gathers(0)
                    fire_out(2 * ci2, 0)
            return carry

        lax.fori_loop(0, CHUNKS // 2, chunk_body, 0)

        wait_gathers(1)
        fire_out(CHUNKS - 1, 1)
        wait_out(0)
        wait_out(1)

    return k(x_flat, binsext, table, zeros2)


def _tc_conv_body(e_ref, w_ref, b_ref, o_ref):
    w = w_ref[...]
    bb = b_ref[...]
    for g in range(G):
        win = e_ref[:, 256 * g: 256 * g + 384]
        acc = lax.dot_general(
            win.astype(jnp.bfloat16), w,
            (((1,), (0,)), ((), ())),
            preferred_element_type=jnp.float32,
        )
        o_ref[:, 256 * g: 256 * g + 256] = jnp.tanh(acc + bb)


def _tc_conv(emb_flat, wbig, bias):
    return pl.pallas_call(
        _tc_conv_body,
        grid=(B // BR,),
        in_specs=[
            pl.BlockSpec((BR, SP * D), lambda i: (i, 0)),
            pl.BlockSpec((12 * D, 8 * D), lambda i: (0, 0)),
            pl.BlockSpec((1, 8 * D), lambda i: (0, 0)),
        ],
        out_specs=pl.BlockSpec((BR, S * D), lambda i: (i, 0)),
        out_shape=jax.ShapeDtypeStruct((B, S * D), jnp.float32),
    )(emb_flat, wbig, bias)


def _fold_weights(conv_w):
    wb = jnp.zeros((12, D, 8, D), dtype=jnp.float32)
    for r in range(8):
        for t in range(K):
            wb = wb.at[r + t, :, r, :].set(conv_w[:, :, t].T)
    return wb.reshape(12 * D, 8 * D).astype(jnp.bfloat16)


def kernel(x, table, conv_w, conv_b):
    bins = jnp.linspace(0.0, 1.0, N_BINS - 1)
    binsext = jnp.concatenate(
        [jnp.full((1,), -1e30, jnp.float32), bins.astype(jnp.float32)])
    wbig = _fold_weights(conv_w)
    bias = jnp.tile(conv_b, 8).reshape(1, 8 * D)

    zeros2 = jnp.zeros((2, D), jnp.float32)
    emb_pad = _sc_gather(x.reshape(B * S), binsext, table, zeros2)
    out = _tc_conv(emb_pad.reshape(B, SP * D), wbig, bias)
    return out.reshape(B, S, D)

# --- scband reference (transcript-rebuilt; emitter-appended) ---
"""Pipeline reference for scband-variance-embedding-73916387164510 (READ-ONLY COPY).

The authoritative reference and input builder live on the scoring server;
editing this copy changes nothing except your own understanding.
"""

import jax, jax.numpy as jnp
import numpy as np

N_BINS = 256
EMB_DIM = 32
V_MIN, V_MAX = 0.0, 1.0


def setup_inputs(seed: int = 0) -> dict:
    key = jax.random.key(seed)
    k1, k2, k3, k4 = jax.random.split(key, 4)
    x = jax.random.uniform(k1, (16384, 200), dtype=jnp.float32)
    table = jax.random.normal(k2, (N_BINS, EMB_DIM), dtype=jnp.float32)
    conv_w = jax.random.normal(k3, (EMB_DIM, EMB_DIM, 5), dtype=jnp.float32) * 0.1
    conv_b = jax.random.normal(k4, (EMB_DIM,), dtype=jnp.float32) * 0.01
    return {"x": x, "table": table, "conv_w": conv_w, "conv_b": conv_b}


def reference(x, table, conv_w, conv_b):
    # bins = torch.linspace(v_min, v_max, n_bins - 1)
    bins = jnp.linspace(V_MIN, V_MAX, N_BINS - 1)
    # log_scale=False -> y = x
    y = x
    # torch.bucketize(y, bins, right=False) == searchsorted side='left'
    idx = jnp.searchsorted(bins, y, side="left")
    # embedding lookup: [B, S, emb_dim]
    emb = jnp.take(table, idx, axis=0)
    # with_postprocessing: conv1d(emb.transpose(1,2)) then tanh(transpose back)
    lhs = jnp.transpose(emb, (0, 2, 1))  # [B, C, S]
    conv_out = jax.lax.conv_general_dilated(
        lhs, conv_w,
        window_strides=(1,),
        padding=[(2, 2)],
        dimension_numbers=("NCH", "OIH", "NCH"),
    ) + conv_b[None, :, None]
    out = jnp.tanh(jnp.transpose(conv_out, (0, 2, 1)))  # [B, S, emb_dim]
    # .squeeze(1) is a no-op unless dim 1 has size 1 (torch semantics)
    if out.shape[1] == 1:
        out = out[:, 0]
    return out

if __name__ == "__main__":
    import jax
    _d = setup_inputs()
    print(jax.jit(kernel)(*tuple(_d.values())))

</pallas_src>

<mosaic_0001>
#map = affine_map<(d0, d1) -> (0)>
#map1 = affine_map<(d0, d1) -> (0, 0)>
module attributes {stable_mosaic.version = 14 : i64} {
  func.func @k(%arg0: i32, %arg1: i32, %arg2: memref<3276800xf32, #tpu.memory_space<hbm>>, %arg3: memref<256xf32, #tpu.memory_space<hbm>>, %arg4: memref<256x32xf32, #tpu.memory_space<hbm>>, %arg5: memref<2x32xf32, #tpu.memory_space<hbm>>, %arg6: memref<3342336x32xf32, #tpu.memory_space<hbm>>, %arg7: memref<2x800xf32, #tpu.memory_space<vmem>>, %arg8: memref<2x800xi32, #tpu.memory_space<vmem>>, %arg9: memref<2x4x204x32xf32, #tpu.memory_space<vmem>>, %arg10: memref<256xf32, #tpu.memory_space<vmem>>, %arg11: memref<!tpu.dma_semaphore, #tpu.memory_space<semaphore_mem>>, %arg12: memref<!tpu.dma_semaphore, #tpu.memory_space<semaphore_mem>>, %arg13: memref<!tpu.dma_semaphore, #tpu.memory_space<semaphore_mem>>, %arg14: memref<!tpu.dma_semaphore, #tpu.memory_space<semaphore_mem>>, %arg15: memref<!tpu.dma_semaphore, #tpu.memory_space<semaphore_mem>>, %arg16: memref<!tpu.dma_semaphore, #tpu.memory_space<semaphore_mem>>) attributes {dimension_semantics = [#tpu.dimension_semantics<core_parallel>, #tpu.dimension_semantics<subcore_parallel>], iteration_bounds = array<i64: 2, 16>, scalar_prefetch = 0 : i64, scratch_operands = 10 : i64, tpu.core_type = #tpu.core_type<sc_vector_subcore>, window_params = [{transform_indices = #map}, {transform_indices = #map}, {transform_indices = #map1}, {transform_indices = #map1}, {transform_indices = #map1}]} {
    %mul3A = arith.constant 2 : i32
    %mul3A_0 = arith.muli %arg1, %mul3A : i32
    %add3A = arith.addi %mul3A_0, %arg0 : i32
    "tpu.region"() ({
      %run_scoped3A_317 = tpu.sem_alloc : memref<!tpu.dma_semaphore, #tpu.memory_space<semaphore_mem>>
      tpu.enqueue_dma source(%arg3 : memref<256xf32, #tpu.memory_space<hbm>>) target(%arg10 : memref<256xf32, #tpu.memory_space<vmem>>) target_semaphore(%run_scoped3A_317 : memref<!tpu.dma_semaphore, #tpu.memory_space<semaphore_mem>>)
      tpu.wait_dma2 semaphore(%run_scoped3A_317 : memref<!tpu.dma_semaphore, #tpu.memory_space<semaphore_mem>>) src(%arg3 : memref<256xf32, #tpu.memory_space<hbm>>) dst(%arg10 : memref<256xf32, #tpu.memory_space<vmem>>)
      tpu.yield
    }) : () -> ()
    %run_scoped3A = arith.constant 0 : i32
    %run_scoped3A_1 = arith.constant 0 : i32
    "tpu.region"() ({
      %run_scoped3A_317 = tpu.sem_alloc : memref<!tpu.dma_semaphore, #tpu.memory_space<semaphore_mem>>
      %dma_start3A_318 = arith.constant 0 : i32
      %dma_start3A_319 = arith.constant 0 : i32
      %dma_start3A_320 = tpu.memref_slice %arg9[%run_scoped3A, %run_scoped3A_1, %dma_start3A_318, %dma_start3A_319] : memref<2x4x204x32xf32, #tpu.memory_space<vmem>> -> memref<1x1x2x32xf32, #tpu.memory_space<vmem>>
      %dma_start3A_321 = tpu.memref_squeeze %dma_start3A_320 : memref<1x1x2x32xf32, #tpu.memory_space<vmem>> -> memref<2x32xf32, #tpu.memory_space<vmem>>
      %dma_start3A_322 = arith.constant 0 : i32
      %dma_start3A_323 = arith.constant 0 : i32
      %dma_start3A_324 = tpu.memref_slice %arg9[%run_scoped3A, %run_scoped3A_1, %dma_start3A_322, %dma_start3A_323] : memref<2x4x204x32xf32, #tpu.memory_space<vmem>> -> memref<1x1x2x32xf32, #tpu.memory_space<vmem>>
      %dma_start3A_325 = tpu.memref_squeeze %dma_start3A_324 : memref<1x1x2x32xf32, #tpu.memory_space<vmem>> -> memref<2x32xf32, #tpu.memory_space<vmem>>
      tpu.enqueue_dma source(%arg5 : memref<2x32xf32, #tpu.memory_space<hbm>>) target(%dma_start3A_325 : memref<2x32xf32, #tpu.memory_space<vmem>>) target_semaphore(%run_scoped3A_317 : memref<!tpu.dma_semaphore, #tpu.memory_space<semaphore_mem>>)
      %dma_wait3A_326 = arith.constant 0 : i32
      %dma_wait3A_327 = arith.constant 0 : i32
      %dma_wait3A_328 = tpu.memref_slice %arg9[%run_scoped3A, %run_scoped3A_1, %dma_wait3A_326, %dma_wait3A_327] : memref<2x4x204x32xf32, #tpu.memory_space<vmem>> -> memref<1x1x2x32xf32, #tpu.memory_space<vmem>>
      %dma_wait3A_329 = tpu.memref_squeeze %dma_wait3A_328 : memref<1x1x2x32xf32, #tpu.memory_space<vmem>> -> memref<2x32xf32, #tpu.memory_space<vmem>>
      %dma_wait3A_330 = arith.constant 0 : i32
      %dma_wait3A_331 = arith.constant 0 : i32
      %dma_wait3A_332 = tpu.memref_slice %arg9[%run_scoped3A, %run_scoped3A_1, %dma_wait3A_330, %dma_wait3A_331] : memref<2x4x204x32xf32, #tpu.memory_space<vmem>> -> memref<1x1x2x32xf32, #tpu.memory_space<vmem>>
      %dma_wait3A_333 = tpu.memref_squeeze %dma_wait3A_332 : memref<1x1x2x32xf32, #tpu.memory_space<vmem>> -> memref<2x32xf32, #tpu.memory_space<vmem>>
      tpu.wait_dma2 semaphore(%run_scoped3A_317 : memref<!tpu.dma_semaphore, #tpu.memory_space<semaphore_mem>>) src(%arg5 : memref<2x32xf32, #tpu.memory_space<hbm>>) dst(%dma_wait3A_333 : memref<2x32xf32, #tpu.memory_space<vmem>>)
      tpu.yield
    }) : () -> ()
    %run_scoped3A_2 = arith.constant 0 : i32
    %run_scoped3A_3 = arith.constant 0 : i32
    "tpu.region"() ({
      %run_scoped3A_317 = tpu.sem_alloc : memref<!tpu.dma_semaphore, #tpu.memory_space<semaphore_mem>>
      %dma_start3A_318 = arith.constant 202 : i32
      %dma_start3A_319 = arith.constant 0 : i32
      %dma_start3A_320 = tpu.memref_slice %arg9[%run_scoped3A_2, %run_scoped3A_3, %dma_start3A_318, %dma_start3A_319] : memref<2x4x204x32xf32, #tpu.memory_space<vmem>> -> memref<1x1x2x32xf32, #tpu.memory_space<vmem>>
      %dma_start3A_321 = tpu.memref_squeeze %dma_start3A_320 : memref<1x1x2x32xf32, #tpu.memory_space<vmem>> -> memref<2x32xf32, #tpu.memory_space<vmem>>
      %dma_start3A_322 = arith.constant 202 : i32
      %dma_start3A_323 = arith.constant 0 : i32
      %dma_start3A_324 = tpu.memref_slice %arg9[%run_scoped3A_2, %run_scoped3A_3, %dma_start3A_322, %dma_start3A_323] : memref<2x4x204x32xf32, #tpu.memory_space<vmem>> -> memref<1x1x2x32xf32, #tpu.memory_space<vmem>>
      %dma_start3A_325 = tpu.memref_squeeze %dma_start3A_324 : memref<1x1x2x32xf32, #tpu.memory_space<vmem>> -> memref<2x32xf32, #tpu.memory_space<vmem>>
      tpu.enqueue_dma source(%arg5 : memref<2x32xf32, #tpu.memory_space<hbm>>) target(%dma_start3A_325 : memref<2x32xf32, #tpu.memory_space<vmem>>) target_semaphore(%run_scoped3A_317 : memref<!tpu.dma_semaphore, #tpu.memory_space<semaphore_mem>>)
      %dma_wait3A_326 = arith.constant 202 : i32
      %dma_wait3A_327 = arith.constant 0 : i32
      %dma_wait3A_328 = tpu.memref_slice %arg9[%run_scoped3A_2, %run_scoped3A_3, %dma_wait3A_326, %dma_wait3A_327] : memref<2x4x204x32xf32, #tpu.memory_space<vmem>> -> memref<1x1x2x32xf32, #tpu.memory_space<vmem>>
      %dma_wait3A_329 = tpu.memref_squeeze %dma_wait3A_328 : memref<1x1x2x32xf32, #tpu.memory_space<vmem>> -> memref<2x32xf32, #tpu.memory_space<vmem>>
      %dma_wait3A_330 = arith.constant 202 : i32
      %dma_wait3A_331 = arith.constant 0 : i32
      %dma_wait3A_332 = tpu.memref_slice %arg9[%run_scoped3A_2, %run_scoped3A_3, %dma_wait3A_330, %dma_wait3A_331] : memref<2x4x204x32xf32, #tpu.memory_space<vmem>> -> memref<1x1x2x32xf32, #tpu.memory_space<vmem>>
      %dma_wait3A_333 = tpu.memref_squeeze %dma_wait3A_332 : memref<1x1x2x32xf32, #tpu.memory_space<vmem>> -> memref<2x32xf32, #tpu.memory_space<vmem>>
      tpu.wait_dma2 semaphore(%run_scoped3A_317 : memref<!tpu.dma_semaphore, #tpu.memory_space<semaphore_mem>>) src(%arg5 : memref<2x32xf32, #tpu.memory_space<hbm>>) dst(%dma_wait3A_333 : memref<2x32xf32, #tpu.memory_space<vmem>>)
      tpu.yield
    }) : () -> ()
    %run_scoped3A_4 = arith.constant 0 : i32
    %run_scoped3A_5 = arith.constant 1 : i32
    "tpu.region"() ({
      %run_scoped3A_317 = tpu.sem_alloc : memref<!tpu.dma_semaphore, #tpu.memory_space<semaphore_mem>>
      %dma_start3A_318 = arith.constant 0 : i32
      %dma_start3A_319 = arith.constant 0 : i32
      %dma_start3A_320 = tpu.memref_slice %arg9[%run_scoped3A_4, %run_scoped3A_5, %dma_start3A_318, %dma_start3A_319] : memref<2x4x204x32xf32, #tpu.memory_space<vmem>> -> memref<1x1x2x32xf32, #tpu.memory_space<vmem>>
      %dma_start3A_321 = tpu.memref_squeeze %dma_start3A_320 : memref<1x1x2x32xf32, #tpu.memory_space<vmem>> -> memref<2x32xf32, #tpu.memory_space<vmem>>
      %dma_start3A_322 = arith.constant 0 : i32
      %dma_start3A_323 = arith.constant 0 : i32
      %dma_start3A_324 = tpu.memref_slice %arg9[%run_scoped3A_4, %run_scoped3A_5, %dma_start3A_322, %dma_start3A_323] : memref<2x4x204x32xf32, #tpu.memory_space<vmem>> -> memref<1x1x2x32xf32, #tpu.memory_space<vmem>>
      %dma_start3A_325 = tpu.memref_squeeze %dma_start3A_324 : memref<1x1x2x32xf32, #tpu.memory_space<vmem>> -> memref<2x32xf32, #tpu.memory_space<vmem>>
      tpu.enqueue_dma source(%arg5 : memref<2x32xf32, #tpu.memory_space<hbm>>) target(%dma_start3A_325 : memref<2x32xf32, #tpu.memory_space<vmem>>) target_semaphore(%run_scoped3A_317 : memref<!tpu.dma_semaphore, #tpu.memory_space<semaphore_mem>>)
      %dma_wait3A_326 = arith.constant 0 : i32
      %dma_wait3A_327 = arith.constant 0 : i32
      %dma_wait3A_328 = tpu.memref_slice %arg9[%run_scoped3A_4, %run_scoped3A_5, %dma_wait3A_326, %dma_wait3A_327] : memref<2x4x204x32xf32, #tpu.memory_space<vmem>> -> memref<1x1x2x32xf32, #tpu.memory_space<vmem>>
      %dma_wait3A_329 = tpu.memref_squeeze %dma_wait3A_328 : memref<1x1x2x32xf32, #tpu.memory_space<vmem>> -> memref<2x32xf32, #tpu.memory_space<vmem>>
      %dma_wait3A_330 = arith.constant 0 : i32
      %dma_wait3A_331 = arith.constant 0 : i32
      %dma_wait3A_332 = tpu.memref_slice %arg9[%run_scoped3A_4, %run_scoped3A_5, %dma_wait3A_330, %dma_wait3A_331] : memref<2x4x204x32xf32, #tpu.memory_space<vmem>> -> memref<1x1x2x32xf32, #tpu.memory_space<vmem>>
      %dma_wait3A_333 = tpu.memref_squeeze %dma_wait3A_332 : memref<1x1x2x32xf32, #tpu.memory_space<vmem>> -> memref<2x32xf32, #tpu.memory_space<vmem>>
      tpu.wait_dma2 semaphore(%run_scoped3A_317 : memref<!tpu.dma_semaphore, #tpu.memory_space<semaphore_mem>>) src(%arg5 : memref<2x32xf32, #tpu.memory_space<hbm>>) dst(%dma_wait3A_333 : memref<2x32xf32, #tpu.memory_space<vmem>>)
      tpu.yield
    }) : () -> ()
    %run_scoped3A_6 = arith.constant 0 : i32
    %run_scoped3A_7 = arith.constant 1 : i32
    "tpu.region"() ({
      %run_scoped3A_317 = tpu.sem_alloc : memref<!tpu.dma_semaphore, #tpu.memory_space<semaphore_mem>>
      %dma_start3A_318 = arith.constant 202 : i32
      %dma_start3A_319 = arith.constant 0 : i32
      %dma_start3A_320 = tpu.memref_slice %arg9[%run_scoped3A_6, %run_scoped3A_7, %dma_start3A_318, %dma_start3A_319] : memref<2x4x204x32xf32, #tpu.memory_space<vmem>> -> memref<1x1x2x32xf32, #tpu.memory_space<vmem>>
      %dma_start3A_321 = tpu.memref_squeeze %dma_start3A_320 : memref<1x1x2x32xf32, #tpu.memory_space<vmem>> -> memref<2x32xf32, #tpu.memory_space<vmem>>
      %dma_start3A_322 = arith.constant 202 : i32
      %dma_start3A_323 = arith.constant 0 : i32
      %dma_start3A_324 = tpu.memref_slice %arg9[%run_scoped3A_6, %run_scoped3A_7, %dma_start3A_322, %dma_start3A_323] : memref<2x4x204x32xf32, #tpu.memory_space<vmem>> -> memref<1x1x2x32xf32, #tpu.memory_space<vmem>>
      %dma_start3A_325 = tpu.memref_squeeze %dma_start3A_324 : memref<1x1x2x32xf32, #tpu.memory_space<vmem>> -> memref<2x32xf32, #tpu.memory_space<vmem>>
      tpu.enqueue_dma source(%arg5 : memref<2x32xf32, #tpu.memory_space<hbm>>) target(%dma_start3A_325 : memref<2x32xf32, #tpu.memory_space<vmem>>) target_semaphore(%run_scoped3A_317 : memref<!tpu.dma_semaphore, #tpu.memory_space<semaphore_mem>>)
      %dma_wait3A_326 = arith.constant 202 : i32
      %dma_wait3A_327 = arith.constant 0 : i32
      %dma_wait3A_328 = tpu.memref_slice %arg9[%run_scoped3A_6, %run_scoped3A_7, %dma_wait3A_326, %dma_wait3A_327] : memref<2x4x204x32xf32, #tpu.memory_space<vmem>> -> memref<1x1x2x32xf32, #tpu.memory_space<vmem>>
      %dma_wait3A_329 = tpu.memref_squeeze %dma_wait3A_328 : memref<1x1x2x32xf32, #tpu.memory_space<vmem>> -> memref<2x32xf32, #tpu.memory_space<vmem>>
      %dma_wait3A_330 = arith.constant 202 : i32
      %dma_wait3A_331 = arith.constant 0 : i32
      %dma_wait3A_332 = tpu.memref_slice %arg9[%run_scoped3A_6, %run_scoped3A_7, %dma_wait3A_330, %dma_wait3A_331] : memref<2x4x204x32xf32, #tpu.memory_space<vmem>> -> memref<1x1x2x32xf32, #tpu.memory_space<vmem>>
      %dma_wait3A_333 = tpu.memref_squeeze %dma_wait3A_332 : memref<1x1x2x32xf32, #tpu.memory_space<vmem>> -> memref<2x32xf32, #tpu.memory_space<vmem>>
      tpu.wait_dma2 semaphore(%run_scoped3A_317 : memref<!tpu.dma_semaphore, #tpu.memory_space<semaphore_mem>>) src(%arg5 : memref<2x32xf32, #tpu.memory_space<hbm>>) dst(%dma_wait3A_333 : memref<2x32xf32, #tpu.memory_space<vmem>>)
      tpu.yield
    }) : () -> ()
    %run_scoped3A_8 = arith.constant 0 : i32
    %run_scoped3A_9 = arith.constant 2 : i32
    "tpu.region"() ({
      %run_scoped3A_317 = tpu.sem_alloc : memref<!tpu.dma_semaphore, #tpu.memory_space<semaphore_mem>>
      %dma_start3A_318 = arith.constant 0 : i32
      %dma_start3A_319 = arith.constant 0 : i32
      %dma_start3A_320 = tpu.memref_slice %arg9[%run_scoped3A_8, %run_scoped3A_9, %dma_start3A_318, %dma_start3A_319] : memref<2x4x204x32xf32, #tpu.memory_space<vmem>> -> memref<1x1x2x32xf32, #tpu.memory_space<vmem>>
      %dma_start3A_321 = tpu.memref_squeeze %dma_start3A_320 : memref<1x1x2x32xf32, #tpu.memory_space<vmem>> -> memref<2x32xf32, #tpu.memory_space<vmem>>
      %dma_start3A_322 = arith.constant 0 : i32
      %dma_start3A_323 = arith.constant 0 : i32
      %dma_start3A_324 = tpu.memref_slice %arg9[%run_scoped3A_8, %run_scoped3A_9, %dma_start3A_322, %dma_start3A_323] : memref<2x4x204x32xf32, #tpu.memory_space<vmem>> -> memref<1x1x2x32xf32, #tpu.memory_space<vmem>>
      %dma_start3A_325 = tpu.memref_squeeze %dma_start3A_324 : memref<1x1x2x32xf32, #tpu.memory_space<vmem>> -> memref<2x32xf32, #tpu.memory_space<vmem>>
      tpu.enqueue_dma source(%arg5 : memref<2x32xf32, #tpu.memory_space<hbm>>) target(%dma_start3A_325 : memref<2x32xf32, #tpu.memory_space<vmem>>) target_semaphore(%run_scoped3A_317 : memref<!tpu.dma_semaphore, #tpu.memory_space<semaphore_mem>>)
      %dma_wait3A_326 = arith.constant 0 : i32
      %dma_wait3A_327 = arith.constant 0 : i32
      %dma_wait3A_328 = tpu.memref_slice %arg9[%run_scoped3A_8, %run_scoped3A_9, %dma_wait3A_326, %dma_wait3A_327] : memref<2x4x204x32xf32, #tpu.memory_space<vmem>> -> memref<1x1x2x32xf32, #tpu.memory_space<vmem>>
      %dma_wait3A_329 = tpu.memref_squeeze %dma_wait3A_328 : memref<1x1x2x32xf32, #tpu.memory_space<vmem>> -> memref<2x32xf32, #tpu.memory_space<vmem>>
      %dma_wait3A_330 = arith.constant 0 : i32
      %dma_wait3A_331 = arith.constant 0 : i32
      %dma_wait3A_332 = tpu.memref_slice %arg9[%run_scoped3A_8, %run_scoped3A_9, %dma_wait3A_330, %dma_wait3A_331] : memref<2x4x204x32xf32, #tpu.memory_space<vmem>> -> memref<1x1x2x32xf32, #tpu.memory_space<vmem>>
      %dma_wait3A_333 = tpu.memref_squeeze %dma_wait3A_332 : memref<1x1x2x32xf32, #tpu.memory_space<vmem>> -> memref<2x32xf32, #tpu.memory_space<vmem>>
      tpu.wait_dma2 semaphore(%run_scoped3A_317 : memref<!tpu.dma_semaphore, #tpu.memory_space<semaphore_mem>>) src(%arg5 : memref<2x32xf32, #tpu.memory_space<hbm>>) dst(%dma_wait3A_333 : memref<2x32xf32, #tpu.memory_space<vmem>>)
      tpu.yield
    }) : () -> ()
    %run_scoped3A_10 = arith.constant 0 : i32
    %run_scoped3A_11 = arith.constant 2 : i32
    "tpu.region"() ({
      %run_scoped3A_317 = tpu.sem_alloc : memref<!tpu.dma_semaphore, #tpu.memory_space<semaphore_mem>>
      %dma_start3A_318 = arith.constant 202 : i32
      %dma_start3A_319 = arith.constant 0 : i32
      %dma_start3A_320 = tpu.memref_slice %arg9[%run_scoped3A_10, %run_scoped3A_11, %dma_start3A_318, %dma_start3A_319] : memref<2x4x204x32xf32, #tpu.memory_space<vmem>> -> memref<1x1x2x32xf32, #tpu.memory_space<vmem>>
      %dma_start3A_321 = tpu.memref_squeeze %dma_start3A_320 : memref<1x1x2x32xf32, #tpu.memory_space<vmem>> -> memref<2x32xf32, #tpu.memory_space<vmem>>
      %dma_start3A_322 = arith.constant 202 : i32
      %dma_start3A_323 = arith.constant 0 : i32
      %dma_start3A_324 = tpu.memref_slice %arg9[%run_scoped3A_10, %run_scoped3A_11, %dma_start3A_322, %dma_start3A_323] : memref<2x4x204x32xf32, #tpu.memory_space<vmem>> -> memref<1x1x2x32xf32, #tpu.memory_space<vmem>>
      %dma_start3A_325 = tpu.memref_squeeze %dma_start3A_324 : memref<1x1x2x32xf32, #tpu.memory_space<vmem>> -> memref<2x32xf32, #tpu.memory_space<vmem>>
      tpu.enqueue_dma source(%arg5 : memref<2x32xf32, #tpu.memory_space<hbm>>) target(%dma_start3A_325 : memref<2x32xf32, #tpu.memory_space<vmem>>) target_semaphore(%run_scoped3A_317 : memref<!tpu.dma_semaphore, #tpu.memory_space<semaphore_mem>>)
      %dma_wait3A_326 = arith.constant 202 : i32
      %dma_wait3A_327 = arith.constant 0 : i32
      %dma_wait3A_328 = tpu.memref_slice %arg9[%run_scoped3A_10, %run_scoped3A_11, %dma_wait3A_326, %dma_wait3A_327] : memref<2x4x204x32xf32, #tpu.memory_space<vmem>> -> memref<1x1x2x32xf32, #tpu.memory_space<vmem>>
      %dma_wait3A_329 = tpu.memref_squeeze %dma_wait3A_328 : memref<1x1x2x32xf32, #tpu.memory_space<vmem>> -> memref<2x32xf32, #tpu.memory_space<vmem>>
      %dma_wait3A_330 = arith.constant 202 : i32
      %dma_wait3A_331 = arith.constant 0 : i32
      %dma_wait3A_332 = tpu.memref_slice %arg9[%run_scoped3A_10, %run_scoped3A_11, %dma_wait3A_330, %dma_wait3A_331] : memref<2x4x204x32xf32, #tpu.memory_space<vmem>> -> memref<1x1x2x32xf32, #tpu.memory_space<vmem>>
      %dma_wait3A_333 = tpu.memref_squeeze %dma_wait3A_332 : memref<1x1x2x32xf32, #tpu.memory_space<vmem>> -> memref<2x32xf32, #tpu.memory_space<vmem>>
      tpu.wait_dma2 semaphore(%run_scoped3A_317 : memref<!tpu.dma_semaphore, #tpu.memory_space<semaphore_mem>>) src(%arg5 : memref<2x32xf32, #tpu.memory_space<hbm>>) dst(%dma_wait3A_333 : memref<2x32xf32, #tpu.memory_space<vmem>>)
      tpu.yield
    }) : () -> ()
    %run_scoped3A_12 = arith.constant 0 : i32
    %run_scoped3A_13 = arith.constant 3 : i32
    "tpu.region"() ({
      %run_scoped3A_317 = tpu.sem_alloc : memref<!tpu.dma_semaphore, #tpu.memory_space<semaphore_mem>>
      %dma_start3A_318 = arith.constant 0 : i32
      %dma_start3A_319 = arith.constant 0 : i32
      %dma_start3A_320 = tpu.memref_slice %arg9[%run_scoped3A_12, %run_scoped3A_13, %dma_start3A_318, %dma_start3A_319] : memref<2x4x204x32xf32, #tpu.memory_space<vmem>> -> memref<1x1x2x32xf32, #tpu.memory_space<vmem>>
      %dma_start3A_321 = tpu.memref_squeeze %dma_start3A_320 : memref<1x1x2x32xf32, #tpu.memory_space<vmem>> -> memref<2x32xf32, #tpu.memory_space<vmem>>
      %dma_start3A_322 = arith.constant 0 : i32
      %dma_start3A_323 = arith.constant 0 : i32
      %dma_start3A_324 = tpu.memref_slice %arg9[%run_scoped3A_12, %run_scoped3A_13, %dma_start3A_322, %dma_start3A_323] : memref<2x4x204x32xf32, #tpu.memory_space<vmem>> -> memref<1x1x2x32xf32, #tpu.memory_space<vmem>>
      %dma_start3A_325 = tpu.memref_squeeze %dma_start3A_324 : memref<1x1x2x32xf32, #tpu.memory_space<vmem>> -> memref<2x32xf32, #tpu.memory_space<vmem>>
      tpu.enqueue_dma source(%arg5 : memref<2x32xf32, #tpu.memory_space<hbm>>) target(%dma_start3A_325 : memref<2x32xf32, #tpu.memory_space<vmem>>) target_semaphore(%run_scoped3A_317 : memref<!tpu.dma_semaphore, #tpu.memory_space<semaphore_mem>>)
      %dma_wait3A_326 = arith.constant 0 : i32
      %dma_wait3A_327 = arith.constant 0 : i32
      %dma_wait3A_328 = tpu.memref_slice %arg9[%run_scoped3A_12, %run_scoped3A_13, %dma_wait3A_326, %dma_wait3A_327] : memref<2x4x204x32xf32, #tpu.memory_space<vmem>> -> memref<1x1x2x32xf32, #tpu.memory_space<vmem>>
      %dma_wait3A_329 = tpu.memref_squeeze %dma_wait3A_328 : memref<1x1x2x32xf32, #tpu.memory_space<vmem>> -> memref<2x32xf32, #tpu.memory_space<vmem>>
      %dma_wait3A_330 = arith.constant 0 : i32
      %dma_wait3A_331 = arith.constant 0 : i32
      %dma_wait3A_332 = tpu.memref_slice %arg9[%run_scoped3A_12, %run_scoped3A_13, %dma_wait3A_330, %dma_wait3A_331] : memref<2x4x204x32xf32, #tpu.memory_space<vmem>> -> memref<1x1x2x32xf32, #tpu.memory_space<vmem>>
      %dma_wait3A_333 = tpu.memref_squeeze %dma_wait3A_332 : memref<1x1x2x32xf32, #tpu.memory_space<vmem>> -> memref<2x32xf32, #tpu.memory_space<vmem>>
      tpu.wait_dma2 semaphore(%run_scoped3A_317 : memref<!tpu.dma_semaphore, #tpu.memory_space<semaphore_mem>>) src(%arg5 : memref<2x32xf32, #tpu.memory_space<hbm>>) dst(%dma_wait3A_333 : memref<2x32xf32, #tpu.memory_space<vmem>>)
      tpu.yield
    }) : () -> ()
    %run_scoped3A_14 = arith.constant 0 : i32
    %run_scoped3A_15 = arith.constant 3 : i32
    "tpu.region"() ({
      %run_scoped3A_317 = tpu.sem_alloc : memref<!tpu.dma_semaphore, #tpu.memory_space<semaphore_mem>>
      %dma_start3A_318 = arith.constant 202 : i32
      %dma_start3A_319 = arith.constant 0 : i32
      %dma_start3A_320 = tpu.memref_slice %arg9[%run_scoped3A_14, %run_scoped3A_15, %dma_start3A_318, %dma_start3A_319] : memref<2x4x204x32xf32, #tpu.memory_space<vmem>> -> memref<1x1x2x32xf32, #tpu.memory_space<vmem>>
      %dma_start3A_321 = tpu.memref_squeeze %dma_start3A_320 : memref<1x1x2x32xf32, #tpu.memory_space<vmem>> -> memref<2x32xf32, #tpu.memory_space<vmem>>
      %dma_start3A_322 = arith.constant 202 : i32
      %dma_start3A_323 = arith.constant 0 : i32
      %dma_start3A_324 = tpu.memref_slice %arg9[%run_scoped3A_14, %run_scoped3A_15, %dma_start3A_322, %dma_start3A_323] : memref<2x4x204x32xf32, #tpu.memory_space<vmem>> -> memref<1x1x2x32xf32, #tpu.memory_space<vmem>>
      %dma_start3A_325 = tpu.memref_squeeze %dma_start3A_324 : memref<1x1x2x32xf32, #tpu.memory_space<vmem>> -> memref<2x32xf32, #tpu.memory_space<vmem>>
      tpu.enqueue_dma source(%arg5 : memref<2x32xf32, #tpu.memory_space<hbm>>) target(%dma_start3A_325 : memref<2x32xf32, #tpu.memory_space<vmem>>) target_semaphore(%run_scoped3A_317 : memref<!tpu.dma_semaphore, #tpu.memory_space<semaphore_mem>>)
      %dma_wait3A_326 = arith.constant 202 : i32
      %dma_wait3A_327 = arith.constant 0 : i32
      %dma_wait3A_328 = tpu.memref_slice %arg9[%run_scoped3A_14, %run_scoped3A_15, %dma_wait3A_326, %dma_wait3A_327] : memref<2x4x204x32xf32, #tpu.memory_space<vmem>> -> memref<1x1x2x32xf32, #tpu.memory_space<vmem>>
      %dma_wait3A_329 = tpu.memref_squeeze %dma_wait3A_328 : memref<1x1x2x32xf32, #tpu.memory_space<vmem>> -> memref<2x32xf32, #tpu.memory_space<vmem>>
      %dma_wait3A_330 = arith.constant 202 : i32
      %dma_wait3A_331 = arith.constant 0 : i32
      %dma_wait3A_332 = tpu.memref_slice %arg9[%run_scoped3A_14, %run_scoped3A_15, %dma_wait3A_330, %dma_wait3A_331] : memref<2x4x204x32xf32, #tpu.memory_space<vmem>> -> memref<1x1x2x32xf32, #tpu.memory_space<vmem>>
      %dma_wait3A_333 = tpu.memref_squeeze %dma_wait3A_332 : memref<1x1x2x32xf32, #tpu.memory_space<vmem>> -> memref<2x32xf32, #tpu.memory_space<vmem>>
      tpu.wait_dma2 semaphore(%run_scoped3A_317 : memref<!tpu.dma_semaphore, #tpu.memory_space<semaphore_mem>>) src(%arg5 : memref<2x32xf32, #tpu.memory_space<hbm>>) dst(%dma_wait3A_333 : memref<2x32xf32, #tpu.memory_space<vmem>>)
      tpu.yield
    }) : () -> ()
    %run_scoped3A_16 = arith.constant 1 : i32
    %run_scoped3A_17 = arith.constant 0 : i32
    "tpu.region"() ({
      %run_scoped3A_317 = tpu.sem_alloc : memref<!tpu.dma_semaphore, #tpu.memory_space<semaphore_mem>>
      %dma_start3A_318 = arith.constant 0 : i32
      %dma_start3A_319 = arith.constant 0 : i32
      %dma_start3A_320 = tpu.memref_slice %arg9[%run_scoped3A_16, %run_scoped3A_17, %dma_start3A_318, %dma_start3A_319] : memref<2x4x204x32xf32, #tpu.memory_space<vmem>> -> memref<1x1x2x32xf32, #tpu.memory_space<vmem>>
      %dma_start3A_321 = tpu.memref_squeeze %dma_start3A_320 : memref<1x1x2x32xf32, #tpu.memory_space<vmem>> -> memref<2x32xf32, #tpu.memory_space<vmem>>
      %dma_start3A_322 = arith.constant 0 : i32
      %dma_start3A_323 = arith.constant 0 : i32
      %dma_start3A_324 = tpu.memref_slice %arg9[%run_scoped3A_16, %run_scoped3A_17, %dma_start3A_322, %dma_start3A_323] : memref<2x4x204x32xf32, #tpu.memory_space<vmem>> -> memref<1x1x2x32xf32, #tpu.memory_space<vmem>>
      %dma_start3A_325 = tpu.memref_squeeze %dma_start3A_324 : memref<1x1x2x32xf32, #tpu.memory_space<vmem>> -> memref<2x32xf32, #tpu.memory_space<vmem>>
      tpu.enqueue_dma source(%arg5 : memref<2x32xf32, #tpu.memory_space<hbm>>) target(%dma_start3A_325 : memref<2x32xf32, #tpu.memory_space<vmem>>) target_semaphore(%run_scoped3A_317 : memref<!tpu.dma_semaphore, #tpu.memory_space<semaphore_mem>>)
      %dma_wait3A_326 = arith.constant 0 : i32
      %dma_wait3A_327 = arith.constant 0 : i32
      %dma_wait3A_328 = tpu.memref_slice %arg9[%run_scoped3A_16, %run_scoped3A_17, %dma_wait3A_326, %dma_wait3A_327] : memref<2x4x204x32xf32, #tpu.memory_space<vmem>> -> memref<1x1x2x32xf32, #tpu.memory_space<vmem>>
      %dma_wait3A_329 = tpu.memref_squeeze %dma_wait3A_328 : memref<1x1x2x32xf32, #tpu.memory_space<vmem>> -> memref<2x32xf32, #tpu.memory_space<vmem>>
      %dma_wait3A_330 = arith.constant 0 : i32
      %dma_wait3A_331 = arith.constant 0 : i32
      %dma_wait3A_332 = tpu.memref_slice %arg9[%run_scoped3A_16, %run_scoped3A_17, %dma_wait3A_330, %dma_wait3A_331] : memref<2x4x204x32xf32, #tpu.memory_space<vmem>> -> memref<1x1x2x32xf32, #tpu.memory_space<vmem>>
      %dma_wait3A_333 = tpu.memref_squeeze %dma_wait3A_332 : memref<1x1x2x32xf32, #tpu.memory_space<vmem>> -> memref<2x32xf32, #tpu.memory_space<vmem>>
      tpu.wait_dma2 semaphore(%run_scoped3A_317 : memref<!tpu.dma_semaphore, #tpu.memory_space<semaphore_mem>>) src(%arg5 : memref<2x32xf32, #tpu.memory_space<hbm>>) dst(%dma_wait3A_333 : memref<2x32xf32, #tpu.memory_space<vmem>>)
      tpu.yield
    }) : () -> ()
    %run_scoped3A_18 = arith.constant 1 : i32
    %run_scoped3A_19 = arith.constant 0 : i32
    "tpu.region"() ({
      %run_scoped3A_317 = tpu.sem_alloc : memref<!tpu.dma_semaphore, #tpu.memory_space<semaphore_mem>>
      %dma_start3A_318 = arith.constant 202 : i32
      %dma_start3A_319 = arith.constant 0 : i32
      %dma_start3A_320 = tpu.memref_slice %arg9[%run_scoped3A_18, %run_scoped3A_19, %dma_start3A_318, %dma_start3A_319] : memref<2x4x204x32xf32, #tpu.memory_space<vmem>> -> memref<1x1x2x32xf32, #tpu.memory_space<vmem>>
      %dma_start3A_321 = tpu.memref_squeeze %dma_start3A_320 : memref<1x1x2x32xf32, #tpu.memory_space<vmem>> -> memref<2x32xf32, #tpu.memory_space<vmem>>
      %dma_start3A_322 = arith.constant 202 : i32
      %dma_start3A_323 = arith.constant 0 : i32
      %dma_start3A_324 = tpu.memref_slice %arg9[%run_scoped3A_18, %run_scoped3A_19, %dma_start3A_322, %dma_start3A_323] : memref<2x4x204x32xf32, #tpu.memory_space<vmem>> -> memref<1x1x2x32xf32, #tpu.memory_space<vmem>>
      %dma_start3A_325 = tpu.memref_squeeze %dma_start3A_324 : memref<1x1x2x32xf32, #tpu.memory_space<vmem>> -> memref<2x32xf32, #tpu.memory_space<vmem>>
      tpu.enqueue_dma source(%arg5 : memref<2x32xf32, #tpu.memory_space<hbm>>) target(%dma_start3A_325 : memref<2x32xf32, #tpu.memory_space<vmem>>) target_semaphore(%run_scoped3A_317 : memref<!tpu.dma_semaphore, #tpu.memory_space<semaphore_mem>>)
      %dma_wait3A_326 = arith.constant 202 : i32
      %dma_wait3A_327 = arith.constant 0 : i32
      %dma_wait3A_328 = tpu.memref_slice %arg9[%run_scoped3A_18, %run_scoped3A_19, %dma_wait3A_326, %dma_wait3A_327] : memref<2x4x204x32xf32, #tpu.memory_space<vmem>> -> memref<1x1x2x32xf32, #tpu.memory_space<vmem>>
      %dma_wait3A_329 = tpu.memref_squeeze %dma_wait3A_328 : memref<1x1x2x32xf32, #tpu.memory_space<vmem>> -> memref<2x32xf32, #tpu.memory_space<vmem>>
      %dma_wait3A_330 = arith.constant 202 : i32
      %dma_wait3A_331 = arith.constant 0 : i32
      %dma_wait3A_332 = tpu.memref_slice %arg9[%run_scoped3A_18, %run_scoped3A_19, %dma_wait3A_330, %dma_wait3A_331] : memref<2x4x204x32xf32, #tpu.memory_space<vmem>> -> memref<1x1x2x32xf32, #tpu.memory_space<vmem>>
      %dma_wait3A_333 = tpu.memref_squeeze %dma_wait3A_332 : memref<1x1x2x32xf32, #tpu.memory_space<vmem>> -> memref<2x32xf32, #tpu.memory_space<vmem>>
      tpu.wait_dma2 semaphore(%run_scoped3A_317 : memref<!tpu.dma_semaphore, #tpu.memory_space<semaphore_mem>>) src(%arg5 : memref<2x32xf32, #tpu.memory_space<hbm>>) dst(%dma_wait3A_333 : memref<2x32xf32, #tpu.memory_space<vmem>>)
      tpu.yield
    }) : () -> ()
    %run_scoped3A_20 = arith.constant 1 : i32
    %run_scoped3A_21 = arith.constant 1 : i32
    "tpu.region"() ({
      %run_scoped3A_317 = tpu.sem_alloc : memref<!tpu.dma_semaphore, #tpu.memory_space<semaphore_mem>>
      %dma_start3A_318 = arith.constant 0 : i32
      %dma_start3A_319 = arith.constant 0 : i32
      %dma_start3A_320 = tpu.memref_slice %arg9[%run_scoped3A_20, %run_scoped3A_21, %dma_start3A_318, %dma_start3A_319] : memref<2x4x204x32xf32, #tpu.memory_space<vmem>> -> memref<1x1x2x32xf32, #tpu.memory_space<vmem>>
      %dma_start3A_321 = tpu.memref_squeeze %dma_start3A_320 : memref<1x1x2x32xf32, #tpu.memory_space<vmem>> -> memref<2x32xf32, #tpu.memory_space<vmem>>
      %dma_start3A_322 = arith.constant 0 : i32
      %dma_start3A_323 = arith.constant 0 : i32
      %dma_start3A_324 = tpu.memref_slice %arg9[%run_scoped3A_20, %run_scoped3A_21, %dma_start3A_322, %dma_start3A_323] : memref<2x4x204x32xf32, #tpu.memory_space<vmem>> -> memref<1x1x2x32xf32, #tpu.memory_space<vmem>>
      %dma_start3A_325 = tpu.memref_squeeze %dma_start3A_324 : memref<1x1x2x32xf32, #tpu.memory_space<vmem>> -> memref<2x32xf32, #tpu.memory_space<vmem>>
      tpu.enqueue_dma source(%arg5 : memref<2x32xf32, #tpu.memory_space<hbm>>) target(%dma_start3A_325 : memref<2x32xf32, #tpu.memory_space<vmem>>) target_semaphore(%run_scoped3A_317 : memref<!tpu.dma_semaphore, #tpu.memory_space<semaphore_mem>>)
      %dma_wait3A_326 = arith.constant 0 : i32
      %dma_wait3A_327 = arith.constant 0 : i32
      %dma_wait3A_328 = tpu.memref_slice %arg9[%run_scoped3A_20, %run_scoped3A_21, %dma_wait3A_326, %dma_wait3A_327] : memref<2x4x204x32xf32, #tpu.memory_space<vmem>> -> memref<1x1x2x32xf32, #tpu.memory_space<vmem>>
      %dma_wait3A_329 = tpu.memref_squeeze %dma_wait3A_328 : memref<1x1x2x32xf32, #tpu.memory_space<vmem>> -> memref<2x32xf32, #tpu.memory_space<vmem>>
      %dma_wait3A_330 = arith.constant 0 : i32
      %dma_wait3A_331 = arith.constant 0 : i32
      %dma_wait3A_332 = tpu.memref_slice %arg9[%run_scoped3A_20, %run_scoped3A_21, %dma_wait3A_330, %dma_wait3A_331] : memref<2x4x204x32xf32, #tpu.memory_space<vmem>> -> memref<1x1x2x32xf32, #tpu.memory_space<vmem>>
      %dma_wait3A_333 = tpu.memref_squeeze %dma_wait3A_332 : memref<1x1x2x32xf32, #tpu.memory_space<vmem>> -> memref<2x32xf32, #tpu.memory_space<vmem>>
      tpu.wait_dma2 semaphore(%run_scoped3A_317 : memref<!tpu.dma_semaphore, #tpu.memory_space<semaphore_mem>>) src(%arg5 : memref<2x32xf32, #tpu.memory_space<hbm>>) dst(%dma_wait3A_333 : memref<2x32xf32, #tpu.memory_space<vmem>>)
      tpu.yield
    }) : () -> ()
    %run_scoped3A_22 = arith.constant 1 : i32
    %run_scoped3A_23 = arith.constant 1 : i32
    "tpu.region"() ({
      %run_scoped3A_317 = tpu.sem_alloc : memref<!tpu.dma_semaphore, #tpu.memory_space<semaphore_mem>>
      %dma_start3A_318 = arith.constant 202 : i32
      %dma_start3A_319 = arith.constant 0 : i32
      %dma_start3A_320 = tpu.memref_slice %arg9[%run_scoped3A_22, %run_scoped3A_23, %dma_start3A_318, %dma_start3A_319] : memref<2x4x204x32xf32, #tpu.memory_space<vmem>> -> memref<1x1x2x32xf32, #tpu.memory_space<vmem>>
      %dma_start3A_321 = tpu.memref_squeeze %dma_start3A_320 : memref<1x1x2x32xf32, #tpu.memory_space<vmem>> -> memref<2x32xf32, #tpu.memory_space<vmem>>
      %dma_start3A_322 = arith.constant 202 : i32
      %dma_start3A_323 = arith.constant 0 : i32
      %dma_start3A_324 = tpu.memref_slice %arg9[%run_scoped3A_22, %run_scoped3A_23, %dma_start3A_322, %dma_start3A_323] : memref<2x4x204x32xf32, #tpu.memory_space<vmem>> -> memref<1x1x2x32xf32, #tpu.memory_space<vmem>>
      %dma_start3A_325 = tpu.memref_squeeze %dma_start3A_324 : memref<1x1x2x32xf32, #tpu.memory_space<vmem>> -> memref<2x32xf32, #tpu.memory_space<vmem>>
      tpu.enqueue_dma source(%arg5 : memref<2x32xf32, #tpu.memory_space<hbm>>) target(%dma_start3A_325 : memref<2x32xf32, #tpu.memory_space<vmem>>) target_semaphore(%run_scoped3A_317 : memref<!tpu.dma_semaphore, #tpu.memory_space<semaphore_mem>>)
      %dma_wait3A_326 = arith.constant 202 : i32
      %dma_wait3A_327 = arith.constant 0 : i32
      %dma_wait3A_328 = tpu.memref_slice %arg9[%run_scoped3A_22, %run_scoped3A_23, %dma_wait3A_326, %dma_wait3A_327] : memref<2x4x204x32xf32, #tpu.memory_space<vmem>> -> memref<1x1x2x32xf32, #tpu.memory_space<vmem>>
      %dma_wait3A_329 = tpu.memref_squeeze %dma_wait3A_328 : memref<1x1x2x32xf32, #tpu.memory_space<vmem>> -> memref<2x32xf32, #tpu.memory_space<vmem>>
      %dma_wait3A_330 = arith.constant 202 : i32
      %dma_wait3A_331 = arith.constant 0 : i32
      %dma_wait3A_332 = tpu.memref_slice %arg9[%run_scoped3A_22, %run_scoped3A_23, %dma_wait3A_330, %dma_wait3A_331] : memref<2x4x204x32xf32, #tpu.memory_space<vmem>> -> memref<1x1x2x32xf32, #tpu.memory_space<vmem>>
      %dma_wait3A_333 = tpu.memref_squeeze %dma_wait3A_332 : memref<1x1x2x32xf32, #tpu.memory_space<vmem>> -> memref<2x32xf32, #tpu.memory_space<vmem>>
      tpu.wait_dma2 semaphore(%run_scoped3A_317 : memref<!tpu.dma_semaphore, #tpu.memory_space<semaphore_mem>>) src(%arg5 : memref<2x32xf32, #tpu.memory_space<hbm>>) dst(%dma_wait3A_333 : memref<2x32xf32, #tpu.memory_space<vmem>>)
      tpu.yield
    }) : () -> ()
    %run_scoped3A_24 = arith.constant 1 : i32
    %run_scoped3A_25 = arith.constant 2 : i32
    "tpu.region"() ({
      %run_scoped3A_317 = tpu.sem_alloc : memref<!tpu.dma_semaphore, #tpu.memory_space<semaphore_mem>>
      %dma_start3A_318 = arith.constant 0 : i32
      %dma_start3A_319 = arith.constant 0 : i32
      %dma_start3A_320 = tpu.memref_slice %arg9[%run_scoped3A_24, %run_scoped3A_25, %dma_start3A_318, %dma_start3A_319] : memref<2x4x204x32xf32, #tpu.memory_space<vmem>> -> memref<1x1x2x32xf32, #tpu.memory_space<vmem>>
      %dma_start3A_321 = tpu.memref_squeeze %dma_start3A_320 : memref<1x1x2x32xf32, #tpu.memory_space<vmem>> -> memref<2x32xf32, #tpu.memory_space<vmem>>
      %dma_start3A_322 = arith.constant 0 : i32
      %dma_start3A_323 = arith.constant 0 : i32
      %dma_start3A_324 = tpu.memref_slice %arg9[%run_scoped3A_24, %run_scoped3A_25, %dma_start3A_322, %dma_start3A_323] : memref<2x4x204x32xf32, #tpu.memory_space<vmem>> -> memref<1x1x2x32xf32, #tpu.memory_space<vmem>>
      %dma_start3A_325 = tpu.memref_squeeze %dma_start3A_324 : memref<1x1x2x32xf32, #tpu.memory_space<vmem>> -> memref<2x32xf32, #tpu.memory_space<vmem>>
      tpu.enqueue_dma source(%arg5 : memref<2x32xf32, #tpu.memory_space<hbm>>) target(%dma_start3A_325 : memref<2x32xf32, #tpu.memory_space<vmem>>) target_semaphore(%run_scoped3A_317 : memref<!tpu.dma_semaphore, #tpu.memory_space<semaphore_mem>>)
      %dma_wait3A_326 = arith.constant 0 : i32
      %dma_wait3A_327 = arith.constant 0 : i32
      %dma_wait3A_328 = tpu.memref_slice %arg9[%run_scoped3A_24, %run_scoped3A_25, %dma_wait3A_326, %dma_wait3A_327] : memref<2x4x204x32xf32, #tpu.memory_space<vmem>> -> memref<1x1x2x32xf32, #tpu.memory_space<vmem>>
      %dma_wait3A_329 = tpu.memref_squeeze %dma_wait3A_328 : memref<1x1x2x32xf32, #tpu.memory_space<vmem>> -> memref<2x32xf32, #tpu.memory_space<vmem>>
      %dma_wait3A_330 = arith.constant 0 : i32
      %dma_wait3A_331 = arith.constant 0 : i32
      %dma_wait3A_332 = tpu.memref_slice %arg9[%run_scoped3A_24, %run_scoped3A_25, %dma_wait3A_330, %dma_wait3A_331] : memref<2x4x204x32xf32, #tpu.memory_space<vmem>> -> memref<1x1x2x32xf32, #tpu.memory_space<vmem>>
      %dma_wait3A_333 = tpu.memref_squeeze %dma_wait3A_332 : memref<1x1x2x32xf32, #tpu.memory_space<vmem>> -> memref<2x32xf32, #tpu.memory_space<vmem>>
      tpu.wait_dma2 semaphore(%run_scoped3A_317 : memref<!tpu.dma_semaphore, #tpu.memory_space<semaphore_mem>>) src(%arg5 : memref<2x32xf32, #tpu.memory_space<hbm>>) dst(%dma_wait3A_333 : memref<2x32xf32, #tpu.memory_space<vmem>>)
      tpu.yield
    }) : () -> ()
    %run_scoped3A_26 = arith.constant 1 : i32
    %run_scoped3A_27 = arith.constant 2 : i32
    "tpu.region"() ({
      %run_scoped3A_317 = tpu.sem_alloc : memref<!tpu.dma_semaphore, #tpu.memory_space<semaphore_mem>>
      %dma_start3A_318 = arith.constant 202 : i32
      %dma_start3A_319 = arith.constant 0 : i32
      %dma_start3A_320 = tpu.memref_slice %arg9[%run_scoped3A_26, %run_scoped3A_27, %dma_start3A_318, %dma_start3A_319] : memref<2x4x204x32xf32, #tpu.memory_space<vmem>> -> memref<1x1x2x32xf32, #tpu.memory_space<vmem>>
      %dma_start3A_321 = tpu.memref_squeeze %dma_start3A_320 : memref<1x1x2x32xf32, #tpu.memory_space<vmem>> -> memref<2x32xf32, #tpu.memory_space<vmem>>
      %dma_start3A_322 = arith.constant 202 : i32
      %dma_start3A_323 = arith.constant 0 : i32
      %dma_start3A_324 = tpu.memref_slice %arg9[%run_scoped3A_26, %run_scoped3A_27, %dma_start3A_322, %dma_start3A_323] : memref<2x4x204x32xf32, #tpu.memory_space<vmem>> -> memref<1x1x2x32xf32, #tpu.memory_space<vmem>>
      %dma_start3A_325 = tpu.memref_squeeze %dma_start3A_324 : memref<1x1x2x32xf32, #tpu.memory_space<vmem>> -> memref<2x32xf32, #tpu.memory_space<vmem>>
      tpu.enqueue_dma source(%arg5 : memref<2x32xf32, #tpu.memory_space<hbm>>) target(%dma_start3A_325 : memref<2x32xf32, #tpu.memory_space<vmem>>) target_semaphore(%run_scoped3A_317 : memref<!tpu.dma_semaphore, #tpu.memory_space<semaphore_mem>>)
      %dma_wait3A_326 = arith.constant 202 : i32
      %dma_wait3A_327 = arith.constant 0 : i32
      %dma_wait3A_328 = tpu.memref_slice %arg9[%run_scoped3A_26, %run_scoped3A_27, %dma_wait3A_326, %dma_wait3A_327] : memref<2x4x204x32xf32, #tpu.memory_space<vmem>> -> memref<1x1x2x32xf32, #tpu.memory_space<vmem>>
      %dma_wait3A_329 = tpu.memref_squeeze %dma_wait3A_328 : memref<1x1x2x32xf32, #tpu.memory_space<vmem>> -> memref<2x32xf32, #tpu.memory_space<vmem>>
      %dma_wait3A_330 = arith.constant 202 : i32
      %dma_wait3A_331 = arith.constant 0 : i32
      %dma_wait3A_332 = tpu.memref_slice %arg9[%run_scoped3A_26, %run_scoped3A_27, %dma_wait3A_330, %dma_wait3A_331] : memref<2x4x204x32xf32, #tpu.memory_space<vmem>> -> memref<1x1x2x32xf32, #tpu.memory_space<vmem>>
      %dma_wait3A_333 = tpu.memref_squeeze %dma_wait3A_332 : memref<1x1x2x32xf32, #tpu.memory_space<vmem>> -> memref<2x32xf32, #tpu.memory_space<vmem>>
      tpu.wait_dma2 semaphore(%run_scoped3A_317 : memref<!tpu.dma_semaphore, #tpu.memory_space<semaphore_mem>>) src(%arg5 : memref<2x32xf32, #tpu.memory_space<hbm>>) dst(%dma_wait3A_333 : memref<2x32xf32, #tpu.memory_space<vmem>>)
      tpu.yield
    }) : () -> ()
    %run_scoped3A_28 = arith.constant 1 : i32
    %run_scoped3A_29 = arith.constant 3 : i32
    "tpu.region"() ({
      %run_scoped3A_317 = tpu.sem_alloc : memref<!tpu.dma_semaphore, #tpu.memory_space<semaphore_mem>>
      %dma_start3A_318 = arith.constant 0 : i32
      %dma_start3A_319 = arith.constant 0 : i32
      %dma_start3A_320 = tpu.memref_slice %arg9[%run_scoped3A_28, %run_scoped3A_29, %dma_start3A_318, %dma_start3A_319] : memref<2x4x204x32xf32, #tpu.memory_space<vmem>> -> memref<1x1x2x32xf32, #tpu.memory_space<vmem>>
      %dma_start3A_321 = tpu.memref_squeeze %dma_start3A_320 : memref<1x1x2x32xf32, #tpu.memory_space<vmem>> -> memref<2x32xf32, #tpu.memory_space<vmem>>
      %dma_start3A_322 = arith.constant 0 : i32
      %dma_start3A_323 = arith.constant 0 : i32
      %dma_start3A_324 = tpu.memref_slice %arg9[%run_scoped3A_28, %run_scoped3A_29, %dma_start3A_322, %dma_start3A_323] : memref<2x4x204x32xf32, #tpu.memory_space<vmem>> -> memref<1x1x2x32xf32, #tpu.memory_space<vmem>>
      %dma_start3A_325 = tpu.memref_squeeze %dma_start3A_324 : memref<1x1x2x32xf32, #tpu.memory_space<vmem>> -> memref<2x32xf32, #tpu.memory_space<vmem>>
      tpu.enqueue_dma source(%arg5 : memref<2x32xf32, #tpu.memory_space<hbm>>) target(%dma_start3A_325 : memref<2x32xf32, #tpu.memory_space<vmem>>) target_semaphore(%run_scoped3A_317 : memref<!tpu.dma_semaphore, #tpu.memory_space<semaphore_mem>>)
      %dma_wait3A_326 = arith.constant 0 : i32
      %dma_wait3A_327 = arith.constant 0 : i32
      %dma_wait3A_328 = tpu.memref_slice %arg9[%run_scoped3A_28, %run_scoped3A_29, %dma_wait3A_326, %dma_wait3A_327] : memref<2x4x204x32xf32, #tpu.memory_space<vmem>> -> memref<1x1x2x32xf32, #tpu.memory_space<vmem>>
      %dma_wait3A_329 = tpu.memref_squeeze %dma_wait3A_328 : memref<1x1x2x32xf32, #tpu.memory_space<vmem>> -> memref<2x32xf32, #tpu.memory_space<vmem>>
      %dma_wait3A_330 = arith.constant 0 : i32
      %dma_wait3A_331 = arith.constant 0 : i32
      %dma_wait3A_332 = tpu.memref_slice %arg9[%run_scoped3A_28, %run_scoped3A_29, %dma_wait3A_330, %dma_wait3A_331] : memref<2x4x204x32xf32, #tpu.memory_space<vmem>> -> memref<1x1x2x32xf32, #tpu.memory_space<vmem>>
      %dma_wait3A_333 = tpu.memref_squeeze %dma_wait3A_332 : memref<1x1x2x32xf32, #tpu.memory_space<vmem>> -> memref<2x32xf32, #tpu.memory_space<vmem>>
      tpu.wait_dma2 semaphore(%run_scoped3A_317 : memref<!tpu.dma_semaphore, #tpu.memory_space<semaphore_mem>>) src(%arg5 : memref<2x32xf32, #tpu.memory_space<hbm>>) dst(%dma_wait3A_333 : memref<2x32xf32, #tpu.memory_space<vmem>>)
      tpu.yield
    }) : () -> ()
    %run_scoped3A_30 = arith.constant 1 : i32
    %run_scoped3A_31 = arith.constant 3 : i32
    "tpu.region"() ({
      %run_scoped3A_317 = tpu.sem_alloc : memref<!tpu.dma_semaphore, #tpu.memory_space<semaphore_mem>>
      %dma_start3A_318 = arith.constant 202 : i32
      %dma_start3A_319 = arith.constant 0 : i32
      %dma_start3A_320 = tpu.memref_slice %arg9[%run_scoped3A_30, %run_scoped3A_31, %dma_start3A_318, %dma_start3A_319] : memref<2x4x204x32xf32, #tpu.memory_space<vmem>> -> memref<1x1x2x32xf32, #tpu.memory_space<vmem>>
      %dma_start3A_321 = tpu.memref_squeeze %dma_start3A_320 : memref<1x1x2x32xf32, #tpu.memory_space<vmem>> -> memref<2x32xf32, #tpu.memory_space<vmem>>
      %dma_start3A_322 = arith.constant 202 : i32
      %dma_start3A_323 = arith.constant 0 : i32
      %dma_start3A_324 = tpu.memref_slice %arg9[%run_scoped3A_30, %run_scoped3A_31, %dma_start3A_322, %dma_start3A_323] : memref<2x4x204x32xf32, #tpu.memory_space<vmem>> -> memref<1x1x2x32xf32, #tpu.memory_space<vmem>>
      %dma_start3A_325 = tpu.memref_squeeze %dma_start3A_324 : memref<1x1x2x32xf32, #tpu.memory_space<vmem>> -> memref<2x32xf32, #tpu.memory_space<vmem>>
      tpu.enqueue_dma source(%arg5 : memref<2x32xf32, #tpu.memory_space<hbm>>) target(%dma_start3A_325 : memref<2x32xf32, #tpu.memory_space<vmem>>) target_semaphore(%run_scoped3A_317 : memref<!tpu.dma_semaphore, #tpu.memory_space<semaphore_mem>>)
      %dma_wait3A_326 = arith.constant 202 : i32
      %dma_wait3A_327 = arith.constant 0 : i32
      %dma_wait3A_328 = tpu.memref_slice %arg9[%run_scoped3A_30, %run_scoped3A_31, %dma_wait3A_326, %dma_wait3A_327] : memref<2x4x204x32xf32, #tpu.memory_space<vmem>> -> memref<1x1x2x32xf32, #tpu.memory_space<vmem>>
      %dma_wait3A_329 = tpu.memref_squeeze %dma_wait3A_328 : memref<1x1x2x32xf32, #tpu.memory_space<vmem>> -> memref<2x32xf32, #tpu.memory_space<vmem>>
      %dma_wait3A_330 = arith.constant 202 : i32
      %dma_wait3A_331 = arith.constant 0 : i32
      %dma_wait3A_332 = tpu.memref_slice %arg9[%run_scoped3A_30, %run_scoped3A_31, %dma_wait3A_330, %dma_wait3A_331] : memref<2x4x204x32xf32, #tpu.memory_space<vmem>> -> memref<1x1x2x32xf32, #tpu.memory_space<vmem>>
      %dma_wait3A_333 = tpu.memref_squeeze %dma_wait3A_332 : memref<1x1x2x32xf32, #tpu.memory_space<vmem>> -> memref<2x32xf32, #tpu.memory_space<vmem>>
      tpu.wait_dma2 semaphore(%run_scoped3A_317 : memref<!tpu.dma_semaphore, #tpu.memory_space<semaphore_mem>>) src(%arg5 : memref<2x32xf32, #tpu.memory_space<hbm>>) dst(%dma_wait3A_333 : memref<2x32xf32, #tpu.memory_space<vmem>>)
      tpu.yield
    }) : () -> ()
    %mul3A_32 = arith.constant 102400 : i32
    %mul3A_33 = arith.muli %add3A, %mul3A_32 : i32
    %add3A_34 = arith.constant 0 : i32
    %add3A_35 = arith.addi %mul3A_33, %add3A_34 : i32
    %dma_start3A = arith.constant 0 : i32
    %dma_start3A_36 = arith.constant 0 : i32
    %dma_start3A_37 = tpu.memref_slice %arg7[%dma_start3A, %dma_start3A_36] : memref<2x800xf32, #tpu.memory_space<vmem>> -> memref<1x800xf32, #tpu.memory_space<vmem>>
    %dma_start3A_38 = tpu.memref_squeeze %dma_start3A_37 : memref<1x800xf32, #tpu.memory_space<vmem>> -> memref<800xf32, #tpu.memory_space<vmem>>
    %dma_start3A_39 = tpu.memref_slice %arg2[%add3A_35] : memref<3276800xf32, #tpu.memory_space<hbm>> -> memref<800xf32, #tpu.memory_space<hbm>>
    %dma_start3A_40 = arith.constant 0 : i32
    %dma_start3A_41 = tpu.memref_slice %arg7[%dma_start3A, %dma_start3A_40] : memref<2x800xf32, #tpu.memory_space<vmem>> -> memref<1x800xf32, #tpu.memory_space<vmem>>
    %dma_start3A_42 = tpu.memref_squeeze %dma_start3A_41 : memref<1x800xf32, #tpu.memory_space<vmem>> -> memref<800xf32, #tpu.memory_space<vmem>>
    %dma_start3A_43 = tpu.memref_slice %arg2[%add3A_35] : memref<3276800xf32, #tpu.memory_space<hbm>> -> memref<800xf32, #tpu.memory_space<hbm>>
    tpu.enqueue_dma source(%dma_start3A_43 : memref<800xf32, #tpu.memory_space<hbm>>) target(%dma_start3A_42 : memref<800xf32, #tpu.memory_space<vmem>>) target_semaphore(%arg11 : memref<!tpu.dma_semaphore, #tpu.memory_space<semaphore_mem>>)
    %mul3A_44 = arith.constant 102400 : i32
    %mul3A_45 = arith.muli %add3A, %mul3A_44 : i32
    %add3A_46 = arith.constant 800 : i32
    %add3A_47 = arith.addi %mul3A_45, %add3A_46 : i32
    %dma_start3A_48 = arith.constant 1 : i32
    %dma_start3A_49 = arith.constant 0 : i32
    %dma_start3A_50 = tpu.memref_slice %arg7[%dma_start3A_48, %dma_start3A_49] : memref<2x800xf32, #tpu.memory_space<vmem>> -> memref<1x800xf32, #tpu.memory_space<vmem>>
    %dma_start3A_51 = tpu.memref_squeeze %dma_start3A_50 : memref<1x800xf32, #tpu.memory_space<vmem>> -> memref<800xf32, #tpu.memory_space<vmem>>
    %dma_start3A_52 = tpu.memref_slice %arg2[%add3A_47] : memref<3276800xf32, #tpu.memory_space<hbm>> -> memref<800xf32, #tpu.memory_space<hbm>>
    %dma_start3A_53 = arith.constant 0 : i32
    %dma_start3A_54 = tpu.memref_slice %arg7[%dma_start3A_48, %dma_start3A_53] : memref<2x800xf32, #tpu.memory_space<vmem>> -> memref<1x800xf32, #tpu.memory_space<vmem>>
    %dma_start3A_55 = tpu.memref_squeeze %dma_start3A_54 : memref<1x800xf32, #tpu.memory_space<vmem>> -> memref<800xf32, #tpu.memory_space<vmem>>
    %dma_start3A_56 = tpu.memref_slice %arg2[%add3A_47] : memref<3276800xf32, #tpu.memory_space<hbm>> -> memref<800xf32, #tpu.memory_space<hbm>>
    tpu.enqueue_dma source(%dma_start3A_56 : memref<800xf32, #tpu.memory_space<hbm>>) target(%dma_start3A_55 : memref<800xf32, #tpu.memory_space<vmem>>) target_semaphore(%arg12 : memref<!tpu.dma_semaphore, #tpu.memory_space<semaphore_mem>>)
    %scan3A = arith.constant 0 : i32
    %scan3A_57 = arith.constant 0 : i32
    %scan3A_58 = arith.constant 64 : i32
    %scan3A_59 = arith.addi %scan3A_57, %scan3A_58 : i32
    %scan3A_60 = arith.constant 1 : i32
    scf.for %scan3A_317 = %scan3A_57 to %scan3A_59 step %scan3A_60  : i32 {
      %mul3A_318 = arith.constant 2 : i32
      %mul3A_319 = arith.muli %mul3A_318, %scan3A_317 : i32
      %add3A_320 = arith.constant 0 : i32
      %add3A_321 = arith.addi %mul3A_319, %add3A_320 : i32
      %dma_wait3A_322 = arith.constant 0 : i32
      %dma_wait3A_323 = arith.constant 0 : i32
      %dma_wait3A_324 = tpu.memref_slice %arg7[%dma_wait3A_322, %dma_wait3A_323] : memref<2x800xf32, #tpu.memory_space<vmem>> -> memref<1x800xf32, #tpu.memory_space<vmem>>
      %dma_wait3A_325 = tpu.memref_squeeze %dma_wait3A_324 : memref<1x800xf32, #tpu.memory_space<vmem>> -> memref<800xf32, #tpu.memory_space<vmem>>
      %dma_wait3A_326 = arith.constant 0 : i32
      %dma_wait3A_327 = tpu.memref_slice %arg2[%dma_wait3A_326] : memref<3276800xf32, #tpu.memory_space<hbm>> -> memref<800xf32, #tpu.memory_space<hbm>>
      %dma_wait3A_328 = arith.constant 0 : i32
      %dma_wait3A_329 = tpu.memref_slice %arg7[%dma_wait3A_322, %dma_wait3A_328] : memref<2x800xf32, #tpu.memory_space<vmem>> -> memref<1x800xf32, #tpu.memory_space<vmem>>
      %dma_wait3A_330 = tpu.memref_squeeze %dma_wait3A_329 : memref<1x800xf32, #tpu.memory_space<vmem>> -> memref<800xf32, #tpu.memory_space<vmem>>
      %dma_wait3A_331 = arith.constant 0 : i32
      %dma_wait3A_332 = tpu.memref_slice %arg2[%dma_wait3A_331] : memref<3276800xf32, #tpu.memory_space<hbm>> -> memref<800xf32, #tpu.memory_space<hbm>>
      tpu.wait_dma2 semaphore(%arg11 : memref<!tpu.dma_semaphore, #tpu.memory_space<semaphore_mem>>) src(%dma_wait3A_332 : memref<800xf32, #tpu.memory_space<hbm>>) dst(%dma_wait3A_330 : memref<800xf32, #tpu.memory_space<vmem>>)
      %scan3A_333 = arith.constant 0 : i32
      %scan3A_334 = arith.constant 0 : i32
      %scan3A_335 = arith.constant 50 : i32
      %scan3A_336 = arith.addi %scan3A_334, %scan3A_335 : i32
      %scan3A_337 = arith.constant 1 : i32
      scf.for %scan3A_616 = %scan3A_334 to %scan3A_336 step %scan3A_337  : i32 {
        %mul3A_617 = arith.constant 16 : i32
        %mul3A_618 = arith.muli %scan3A_616, %mul3A_617 : i32
        %multiple_of3A = tpu.assume_multiple %mul3A_618, 16 : i32
        %get3A = arith.constant 0 : i32
        %get3A_619 = arith.index_cast %get3A : i32 to index
        %get3A_620 = arith.index_cast %multiple_of3A : i32 to index
        %get3A_621 = tpu.vector_load %arg7[%get3A_619, %get3A_620] {strides = array<i32>} : memref<2x800xf32, #tpu.memory_space<vmem>>, vector<16xf32>,
        %mul3A_622 = arith.constant 2.540000e+02 : f32
        %mul3A_623 = vector.broadcast %mul3A_622 : f32 to vector<16xf32>
        %mul3A_624 = arith.mulf %get3A_621, %mul3A_623 : vector<16xf32>
        %convert_element_type3A_625 = arith.fptosi %mul3A_624 : vector<16xf32> to vector<16xi32>
        %convert_element_type3A_626 = arith.sitofp %convert_element_type3A_625 : vector<16xi32> to vector<16xf32>
        %lt3A_627 = arith.cmpf olt, %convert_element_type3A_626, %mul3A_624 : vector<16xf32>
        %jit3A = arith.constant 1 : i32
        %jit3A_628 = arith.constant 0 : i32
        %broadcast_in_dim3A = vector.broadcast %jit3A : i32 to vector<16xi32>
        %broadcast_in_dim3A_629 = vector.broadcast %jit3A_628 : i32 to vector<16xi32>
        %select_n3A = arith.select %lt3A_627, %broadcast_in_dim3A, %broadcast_in_dim3A_629 : vector<16xi1>, vector<16xi32>
        %add3A_630 = arith.addi %convert_element_type3A_625, %select_n3A : vector<16xi32>
        %jit3A_631 = arith.constant 0 : i32
        %jit3A_632 = arith.constant 254 : i32
        %max3A = vector.broadcast %jit3A_631 : i32 to vector<16xi32>
        %max3A_633 = arith.maxsi %max3A, %add3A_630 : vector<16xi32>
        %min3A = vector.broadcast %jit3A_632 : i32 to vector<16xi32>
        %min3A_634 = arith.minsi %min3A, %max3A_633 : vector<16xi32>
        %gather3A = tpu.vector_load_idx %arg10[%min3A_634] : memref<256xf32, #tpu.memory_space<vmem>>[vector<16xi32>], vector<16xf32>,
        %add3A_635 = arith.constant 1 : i32
        %add3A_636 = vector.broadcast %add3A_635 : i32 to vector<16xi32>
        %add3A_637 = arith.addi %min3A_634, %add3A_636 : vector<16xi32>
        %gather3A_638 = tpu.vector_load_idx %arg10[%add3A_637] : memref<256xf32, #tpu.memory_space<vmem>>[vector<16xi32>], vector<16xf32>,
        %gt3A = arith.cmpf ogt, %get3A_621, %gather3A_638 : vector<16xf32>
        %jit3A_639 = arith.constant 1 : i32
        %jit3A_640 = arith.constant 0 : i32
        %broadcast_in_dim3A_641 = vector.broadcast %jit3A_639 : i32 to vector<16xi32>
        %broadcast_in_dim3A_642 = vector.broadcast %jit3A_640 : i32 to vector<16xi32>
        %select_n3A_643 = arith.select %gt3A, %broadcast_in_dim3A_641, %broadcast_in_dim3A_642 : vector<16xi1>, vector<16xi32>
        %add3A_644 = arith.addi %min3A_634, %select_n3A_643 : vector<16xi32>
        %le3A = arith.cmpf ole, %get3A_621, %gather3A : vector<16xf32>
        %jit3A_645 = arith.constant 1 : i32
        %jit3A_646 = arith.constant 0 : i32
        %broadcast_in_dim3A_647 = vector.broadcast %jit3A_645 : i32 to vector<16xi32>
        %broadcast_in_dim3A_648 = vector.broadcast %jit3A_646 : i32 to vector<16xi32>
        %select_n3A_649 = arith.select %le3A, %broadcast_in_dim3A_647, %broadcast_in_dim3A_648 : vector<16xi1>, vector<16xi32>
        %sub3A = arith.subi %add3A_644, %select_n3A_649 : vector<16xi32>
        %jit3A_650 = arith.constant 0 : i32
        %jit3A_651 = arith.constant 255 : i32
        %max3A_652 = vector.broadcast %jit3A_650 : i32 to vector<16xi32>
        %max3A_653 = arith.maxsi %max3A_652, %sub3A : vector<16xi32>
        %min3A_654 = vector.broadcast %jit3A_651 : i32 to vector<16xi32>
        %min3A_655 = arith.minsi %min3A_654, %max3A_653 : vector<16xi32>
        %swap3A = arith.constant 0 : i32
        %swap3A_656 = arith.index_cast %swap3A : i32 to index
        %swap3A_657 = arith.index_cast %multiple_of3A : i32 to index
        %swap3A_658 = tpu.vector_load %arg8[%swap3A_656, %swap3A_657] {strides = array<i32>} : memref<2x800xi32, #tpu.memory_space<vmem>>, vector<16xi32>,
        tpu.vector_store %arg8[%swap3A_656, %swap3A_657], %min3A_655 {strides = array<i32>} : memref<2x800xi32, #tpu.memory_space<vmem>>, vector<16xi32>,
      }
      %scan3A_338 = arith.constant 50 : i32
      %ge3A = arith.constant 1 : i32
      %ge3A_339 = arith.cmpi sge, %scan3A_317, %ge3A : i32
      %convert_element_type3A = arith.extui %ge3A_339 : i1 to i32
      %cond3A = arith.constant 0 : i32
      %cond3A_340 = arith.cmpi ne, %convert_element_type3A, %cond3A : i32
      scf.if %cond3A_340 {
        %dma_wait3A_616 = arith.constant 0 : i32
        %dma_wait3A_617 = arith.constant 0 : i32
        %dma_wait3A_618 = arith.constant 0 : i32
        %dma_wait3A_619 = arith.constant 0 : i32
        %dma_wait3A_620 = tpu.memref_slice %arg9[%dma_wait3A_616, %dma_wait3A_617, %dma_wait3A_618, %dma_wait3A_619] : memref<2x4x204x32xf32, #tpu.memory_space<vmem>> -> memref<1x1x204x32xf32, #tpu.memory_space<vmem>>
        %dma_wait3A_621 = tpu.memref_squeeze %dma_wait3A_620 : memref<1x1x204x32xf32, #tpu.memory_space<vmem>> -> memref<204x32xf32, #tpu.memory_space<vmem>>
        %dma_wait3A_622 = arith.constant 0 : i32
        %dma_wait3A_623 = arith.constant 0 : i32
        %dma_wait3A_624 = tpu.memref_slice %arg6[%dma_wait3A_622, %dma_wait3A_623] : memref<3342336x32xf32, #tpu.memory_space<hbm>> -> memref<204x32xf32, #tpu.memory_space<hbm>>
        %dma_wait3A_625 = arith.constant 0 : i32
        %dma_wait3A_626 = arith.constant 0 : i32
        %dma_wait3A_627 = tpu.memref_slice %arg6[%dma_wait3A_625, %dma_wait3A_626] : memref<3342336x32xf32, #tpu.memory_space<hbm>> -> memref<204x32xf32, #tpu.memory_space<hbm>>
        %dma_wait3A_628 = arith.constant 0 : i32
        %dma_wait3A_629 = arith.constant 0 : i32
        %dma_wait3A_630 = tpu.memref_slice %arg9[%dma_wait3A_616, %dma_wait3A_617, %dma_wait3A_628, %dma_wait3A_629] : memref<2x4x204x32xf32, #tpu.memory_space<vmem>> -> memref<1x1x204x32xf32, #tpu.memory_space<vmem>>
        %dma_wait3A_631 = tpu.memref_squeeze %dma_wait3A_630 : memref<1x1x204x32xf32, #tpu.memory_space<vmem>> -> memref<204x32xf32, #tpu.memory_space<vmem>>
        tpu.wait_dma2 semaphore(%arg15 : memref<!tpu.dma_semaphore, #tpu.memory_space<semaphore_mem>>) src(%dma_wait3A_631 : memref<204x32xf32, #tpu.memory_space<vmem>>) dst(%dma_wait3A_627 : memref<204x32xf32, #tpu.memory_space<hbm>>)
        %dma_wait3A_632 = arith.constant 0 : i32
        %dma_wait3A_633 = arith.constant 1 : i32
        %dma_wait3A_634 = arith.constant 0 : i32
        %dma_wait3A_635 = arith.constant 0 : i32
        %dma_wait3A_636 = tpu.memref_slice %arg9[%dma_wait3A_632, %dma_wait3A_633, %dma_wait3A_634, %dma_wait3A_635] : memref<2x4x204x32xf32, #tpu.memory_space<vmem>> -> memref<1x1x204x32xf32, #tpu.memory_space<vmem>>
        %dma_wait3A_637 = tpu.memref_squeeze %dma_wait3A_636 : memref<1x1x204x32xf32, #tpu.memory_space<vmem>> -> memref<204x32xf32, #tpu.memory_space<vmem>>
        %dma_wait3A_638 = arith.constant 0 : i32
        %dma_wait3A_639 = arith.constant 0 : i32
        %dma_wait3A_640 = tpu.memref_slice %arg6[%dma_wait3A_638, %dma_wait3A_639] : memref<3342336x32xf32, #tpu.memory_space<hbm>> -> memref<204x32xf32, #tpu.memory_space<hbm>>
        %dma_wait3A_641 = arith.constant 0 : i32
        %dma_wait3A_642 = arith.constant 0 : i32
        %dma_wait3A_643 = tpu.memref_slice %arg6[%dma_wait3A_641, %dma_wait3A_642] : memref<3342336x32xf32, #tpu.memory_space<hbm>> -> memref<204x32xf32, #tpu.memory_space<hbm>>
        %dma_wait3A_644 = arith.constant 0 : i32
        %dma_wait3A_645 = arith.constant 0 : i32
        %dma_wait3A_646 = tpu.memref_slice %arg9[%dma_wait3A_632, %dma_wait3A_633, %dma_wait3A_644, %dma_wait3A_645] : memref<2x4x204x32xf32, #tpu.memory_space<vmem>> -> memref<1x1x204x32xf32, #tpu.memory_space<vmem>>
        %dma_wait3A_647 = tpu.memref_squeeze %dma_wait3A_646 : memref<1x1x204x32xf32, #tpu.memory_space<vmem>> -> memref<204x32xf32, #tpu.memory_space<vmem>>
        tpu.wait_dma2 semaphore(%arg15 : memref<!tpu.dma_semaphore, #tpu.memory_space<semaphore_mem>>) src(%dma_wait3A_647 : memref<204x32xf32, #tpu.memory_space<vmem>>) dst(%dma_wait3A_643 : memref<204x32xf32, #tpu.memory_space<hbm>>)
        %dma_wait3A_648 = arith.constant 0 : i32
        %dma_wait3A_649 = arith.constant 2 : i32
        %dma_wait3A_650 = arith.constant 0 : i32
        %dma_wait3A_651 = arith.constant 0 : i32
        %dma_wait3A_652 = tpu.memref_slice %arg9[%dma_wait3A_648, %dma_wait3A_649, %dma_wait3A_650, %dma_wait3A_651] : memref<2x4x204x32xf32, #tpu.memory_space<vmem>> -> memref<1x1x204x32xf32, #tpu.memory_space<vmem>>
        %dma_wait3A_653 = tpu.memref_squeeze %dma_wait3A_652 : memref<1x1x204x32xf32, #tpu.memory_space<vmem>> -> memref<204x32xf32, #tpu.memory_space<vmem>>
        %dma_wait3A_654 = arith.constant 0 : i32
        %dma_wait3A_655 = arith.constant 0 : i32
        %dma_wait3A_656 = tpu.memref_slice %arg6[%dma_wait3A_654, %dma_wait3A_655] : memref<3342336x32xf32, #tpu.memory_space<hbm>> -> memref<204x32xf32, #tpu.memory_space<hbm>>
        %dma_wait3A_657 = arith.constant 0 : i32
        %dma_wait3A_658 = arith.constant 0 : i32
        %dma_wait3A_659 = tpu.memref_slice %arg6[%dma_wait3A_657, %dma_wait3A_658] : memref<3342336x32xf32, #tpu.memory_space<hbm>> -> memref<204x32xf32, #tpu.memory_space<hbm>>
        %dma_wait3A_660 = arith.constant 0 : i32
        %dma_wait3A_661 = arith.constant 0 : i32
        %dma_wait3A_662 = tpu.memref_slice %arg9[%dma_wait3A_648, %dma_wait3A_649, %dma_wait3A_660, %dma_wait3A_661] : memref<2x4x204x32xf32, #tpu.memory_space<vmem>> -> memref<1x1x204x32xf32, #tpu.memory_space<vmem>>
        %dma_wait3A_663 = tpu.memref_squeeze %dma_wait3A_662 : memref<1x1x204x32xf32, #tpu.memory_space<vmem>> -> memref<204x32xf32, #tpu.memory_space<vmem>>
        tpu.wait_dma2 semaphore(%arg15 : memref<!tpu.dma_semaphore, #tpu.memory_space<semaphore_mem>>) src(%dma_wait3A_663 : memref<204x32xf32, #tpu.memory_space<vmem>>) dst(%dma_wait3A_659 : memref<204x32xf32, #tpu.memory_space<hbm>>)
        %dma_wait3A_664 = arith.constant 0 : i32
        %dma_wait3A_665 = arith.constant 3 : i32
        %dma_wait3A_666 = arith.constant 0 : i32
        %dma_wait3A_667 = arith.constant 0 : i32
        %dma_wait3A_668 = tpu.memref_slice %arg9[%dma_wait3A_664, %dma_wait3A_665, %dma_wait3A_666, %dma_wait3A_667] : memref<2x4x204x32xf32, #tpu.memory_space<vmem>> -> memref<1x1x204x32xf32, #tpu.memory_space<vmem>>
        %dma_wait3A_669 = tpu.memref_squeeze %dma_wait3A_668 : memref<1x1x204x32xf32, #tpu.memory_space<vmem>> -> memref<204x32xf32, #tpu.memory_space<vmem>>
        %dma_wait3A_670 = arith.constant 0 : i32
        %dma_wait3A_671 = arith.constant 0 : i32
        %dma_wait3A_672 = tpu.memref_slice %arg6[%dma_wait3A_670, %dma_wait3A_671] : memref<3342336x32xf32, #tpu.memory_space<hbm>> -> memref<204x32xf32, #tpu.memory_space<hbm>>
        %dma_wait3A_673 = arith.constant 0 : i32
        %dma_wait3A_674 = arith.constant 0 : i32
        %dma_wait3A_675 = tpu.memref_slice %arg6[%dma_wait3A_673, %dma_wait3A_674] : memref<3342336x32xf32, #tpu.memory_space<hbm>> -> memref<204x32xf32, #tpu.memory_space<hbm>>
        %dma_wait3A_676 = arith.constant 0 : i32
        %dma_wait3A_677 = arith.constant 0 : i32
        %dma_wait3A_678 = tpu.memref_slice %arg9[%dma_wait3A_664, %dma_wait3A_665, %dma_wait3A_676, %dma_wait3A_677] : memref<2x4x204x32xf32, #tpu.memory_space<vmem>> -> memref<1x1x204x32xf32, #tpu.memory_space<vmem>>
        %dma_wait3A_679 = tpu.memref_squeeze %dma_wait3A_678 : memref<1x1x204x32xf32, #tpu.memory_space<vmem>> -> memref<204x32xf32, #tpu.memory_space<vmem>>
        tpu.wait_dma2 semaphore(%arg15 : memref<!tpu.dma_semaphore, #tpu.memory_space<semaphore_mem>>) src(%dma_wait3A_679 : memref<204x32xf32, #tpu.memory_space<vmem>>) dst(%dma_wait3A_675 : memref<204x32xf32, #tpu.memory_space<hbm>>)
      } else {
      }
      %dma_start3A_341 = arith.constant 0 : i32
      %dma_start3A_342 = arith.constant 0 : i32
      %dma_start3A_343 = arith.constant 0 : i32
      %dma_start3A_344 = arith.constant 2 : i32
      %dma_start3A_345 = arith.constant 0 : i32
      %dma_start3A_346 = tpu.memref_slice %arg9[%dma_start3A_342, %dma_start3A_343, %dma_start3A_344, %dma_start3A_345] : memref<2x4x204x32xf32, #tpu.memory_space<vmem>> -> memref<1x1x200x32xf32, #tpu.memory_space<vmem>>
      %dma_start3A_347 = tpu.memref_squeeze %dma_start3A_346 : memref<1x1x200x32xf32, #tpu.memory_space<vmem>> -> memref<200x32xf32, #tpu.memory_space<vmem>>
      %dma_start3A_348 = arith.constant 0 : i32
      %dma_start3A_349 = tpu.memref_slice %arg8[%dma_start3A_341, %dma_start3A_348] : memref<2x800xi32, #tpu.memory_space<vmem>> -> memref<1x200xi32, #tpu.memory_space<vmem>>
      %dma_start3A_350 = tpu.memref_squeeze %dma_start3A_349 : memref<1x200xi32, #tpu.memory_space<vmem>> -> memref<200xi32, #tpu.memory_space<vmem>>
      %dma_start3A_351 = arith.constant 0 : i32
      %dma_start3A_352 = arith.constant 0 : i32
      %dma_start3A_353 = tpu.memref_slice %arg4[%dma_start3A_351, %dma_start3A_352] : memref<256x32xf32, #tpu.memory_space<hbm>> -> memref<256x32xf32, #tpu.memory_space<hbm>>
      tpu.enqueue_indirect_dma source(%dma_start3A_353 : memref<256x32xf32, #tpu.memory_space<hbm>>) target(%dma_start3A_347 : memref<200x32xf32, #tpu.memory_space<vmem>>) offsets(%dma_start3A_350 : memref<200xi32, #tpu.memory_space<vmem>>) semaphore(%arg13 : memref<!tpu.dma_semaphore, #tpu.memory_space<semaphore_mem>>)
      %dma_start3A_354 = arith.constant 0 : i32
      %dma_start3A_355 = arith.constant 0 : i32
      %dma_start3A_356 = arith.constant 1 : i32
      %dma_start3A_357 = arith.constant 2 : i32
      %dma_start3A_358 = arith.constant 0 : i32
      %dma_start3A_359 = tpu.memref_slice %arg9[%dma_start3A_355, %dma_start3A_356, %dma_start3A_357, %dma_start3A_358] : memref<2x4x204x32xf32, #tpu.memory_space<vmem>> -> memref<1x1x200x32xf32, #tpu.memory_space<vmem>>
      %dma_start3A_360 = tpu.memref_squeeze %dma_start3A_359 : memref<1x1x200x32xf32, #tpu.memory_space<vmem>> -> memref<200x32xf32, #tpu.memory_space<vmem>>
      %dma_start3A_361 = arith.constant 200 : i32
      %dma_start3A_362 = tpu.memref_slice %arg8[%dma_start3A_354, %dma_start3A_361] : memref<2x800xi32, #tpu.memory_space<vmem>> -> memref<1x200xi32, #tpu.memory_space<vmem>>
      %dma_start3A_363 = tpu.memref_squeeze %dma_start3A_362 : memref<1x200xi32, #tpu.memory_space<vmem>> -> memref<200xi32, #tpu.memory_space<vmem>>
      %dma_start3A_364 = arith.constant 0 : i32
      %dma_start3A_365 = arith.constant 0 : i32
      %dma_start3A_366 = tpu.memref_slice %arg4[%dma_start3A_364, %dma_start3A_365] : memref<256x32xf32, #tpu.memory_space<hbm>> -> memref<256x32xf32, #tpu.memory_space<hbm>>
      tpu.enqueue_indirect_dma source(%dma_start3A_366 : memref<256x32xf32, #tpu.memory_space<hbm>>) target(%dma_start3A_360 : memref<200x32xf32, #tpu.memory_space<vmem>>) offsets(%dma_start3A_363 : memref<200xi32, #tpu.memory_space<vmem>>) semaphore(%arg13 : memref<!tpu.dma_semaphore, #tpu.memory_space<semaphore_mem>>)
      %dma_start3A_367 = arith.constant 0 : i32
      %dma_start3A_368 = arith.constant 0 : i32
      %dma_start3A_369 = arith.constant 2 : i32
      %dma_start3A_370 = arith.constant 2 : i32
      %dma_start3A_371 = arith.constant 0 : i32
      %dma_start3A_372 = tpu.memref_slice %arg9[%dma_start3A_368, %dma_start3A_369, %dma_start3A_370, %dma_start3A_371] : memref<2x4x204x32xf32, #tpu.memory_space<vmem>> -> memref<1x1x200x32xf32, #tpu.memory_space<vmem>>
      %dma_start3A_373 = tpu.memref_squeeze %dma_start3A_372 : memref<1x1x200x32xf32, #tpu.memory_space<vmem>> -> memref<200x32xf32, #tpu.memory_space<vmem>>
      %dma_start3A_374 = arith.constant 400 : i32
      %dma_start3A_375 = tpu.memref_slice %arg8[%dma_start3A_367, %dma_start3A_374] : memref<2x800xi32, #tpu.memory_space<vmem>> -> memref<1x200xi32, #tpu.memory_space<vmem>>
      %dma_start3A_376 = tpu.memref_squeeze %dma_start3A_375 : memref<1x200xi32, #tpu.memory_space<vmem>> -> memref<200xi32, #tpu.memory_space<vmem>>
      %dma_start3A_377 = arith.constant 0 : i32
      %dma_start3A_378 = arith.constant 0 : i32
      %dma_start3A_379 = tpu.memref_slice %arg4[%dma_start3A_377, %dma_start3A_378] : memref<256x32xf32, #tpu.memory_space<hbm>> -> memref<256x32xf32, #tpu.memory_space<hbm>>
      tpu.enqueue_indirect_dma source(%dma_start3A_379 : memref<256x32xf32, #tpu.memory_space<hbm>>) target(%dma_start3A_373 : memref<200x32xf32, #tpu.memory_space<vmem>>) offsets(%dma_start3A_376 : memref<200xi32, #tpu.memory_space<vmem>>) semaphore(%arg13 : memref<!tpu.dma_semaphore, #tpu.memory_space<semaphore_mem>>)
      %dma_start3A_380 = arith.constant 0 : i32
      %dma_start3A_381 = arith.constant 0 : i32
      %dma_start3A_382 = arith.constant 3 : i32
      %dma_start3A_383 = arith.constant 2 : i32
      %dma_start3A_384 = arith.constant 0 : i32
      %dma_start3A_385 = tpu.memref_slice %arg9[%dma_start3A_381, %dma_start3A_382, %dma_start3A_383, %dma_start3A_384] : memref<2x4x204x32xf32, #tpu.memory_space<vmem>> -> memref<1x1x200x32xf32, #tpu.memory_space<vmem>>
      %dma_start3A_386 = tpu.memref_squeeze %dma_start3A_385 : memref<1x1x200x32xf32, #tpu.memory_space<vmem>> -> memref<200x32xf32, #tpu.memory_space<vmem>>
      %dma_start3A_387 = arith.constant 600 : i32
      %dma_start3A_388 = tpu.memref_slice %arg8[%dma_start3A_380, %dma_start3A_387] : memref<2x800xi32, #tpu.memory_space<vmem>> -> memref<1x200xi32, #tpu.memory_space<vmem>>
      %dma_start3A_389 = tpu.memref_squeeze %dma_start3A_388 : memref<1x200xi32, #tpu.memory_space<vmem>> -> memref<200xi32, #tpu.memory_space<vmem>>
      %dma_start3A_390 = arith.constant 0 : i32
      %dma_start3A_391 = arith.constant 0 : i32
      %dma_start3A_392 = tpu.memref_slice %arg4[%dma_start3A_390, %dma_start3A_391] : memref<256x32xf32, #tpu.memory_space<hbm>> -> memref<256x32xf32, #tpu.memory_space<hbm>>
      tpu.enqueue_indirect_dma source(%dma_start3A_392 : memref<256x32xf32, #tpu.memory_space<hbm>>) target(%dma_start3A_386 : memref<200x32xf32, #tpu.memory_space<vmem>>) offsets(%dma_start3A_389 : memref<200xi32, #tpu.memory_space<vmem>>) semaphore(%arg13 : memref<!tpu.dma_semaphore, #tpu.memory_space<semaphore_mem>>)
      %lt3A = arith.constant 63 : i32
      %lt3A_393 = arith.cmpi slt, %scan3A_317, %lt3A : i32
      %convert_element_type3A_394 = arith.extui %lt3A_393 : i1 to i32
      %cond3A_395 = arith.constant 0 : i32
      %cond3A_396 = arith.cmpi ne, %convert_element_type3A_394, %cond3A_395 : i32
      scf.if %cond3A_396 {
        %add3A_616 = arith.constant 2 : i32
        %add3A_617 = arith.addi %add3A_321, %add3A_616 : i32
        %mul3A_618 = arith.constant 102400 : i32
        %mul3A_619 = arith.muli %add3A, %mul3A_618 : i32
        %mul3A_620 = arith.constant 800 : i32
        %mul3A_621 = arith.muli %add3A_617, %mul3A_620 : i32
        %add3A_622 = arith.addi %mul3A_619, %mul3A_621 : i32
        %dma_start3A_623 = arith.constant 0 : i32
        %dma_start3A_624 = arith.constant 0 : i32
        %dma_start3A_625 = tpu.memref_slice %arg7[%dma_start3A_623, %dma_start3A_624] : memref<2x800xf32, #tpu.memory_space<vmem>> -> memref<1x800xf32, #tpu.memory_space<vmem>>
        %dma_start3A_626 = tpu.memref_squeeze %dma_start3A_625 : memref<1x800xf32, #tpu.memory_space<vmem>> -> memref<800xf32, #tpu.memory_space<vmem>>
        %dma_start3A_627 = tpu.memref_slice %arg2[%add3A_622] : memref<3276800xf32, #tpu.memory_space<hbm>> -> memref<800xf32, #tpu.memory_space<hbm>>
        %dma_start3A_628 = arith.constant 0 : i32
        %dma_start3A_629 = tpu.memref_slice %arg7[%dma_start3A_623, %dma_start3A_628] : memref<2x800xf32, #tpu.memory_space<vmem>> -> memref<1x800xf32, #tpu.memory_space<vmem>>
        %dma_start3A_630 = tpu.memref_squeeze %dma_start3A_629 : memref<1x800xf32, #tpu.memory_space<vmem>> -> memref<800xf32, #tpu.memory_space<vmem>>
        %dma_start3A_631 = tpu.memref_slice %arg2[%add3A_622] : memref<3276800xf32, #tpu.memory_space<hbm>> -> memref<800xf32, #tpu.memory_space<hbm>>
        tpu.enqueue_dma source(%dma_start3A_631 : memref<800xf32, #tpu.memory_space<hbm>>) target(%dma_start3A_630 : memref<800xf32, #tpu.memory_space<vmem>>) target_semaphore(%arg11 : memref<!tpu.dma_semaphore, #tpu.memory_space<semaphore_mem>>)
      } else {
      }
      %ge3A_397 = arith.constant 1 : i32
      %ge3A_398 = arith.cmpi sge, %scan3A_317, %ge3A_397 : i32
      %convert_element_type3A_399 = arith.extui %ge3A_398 : i1 to i32
      %cond3A_400 = arith.constant 0 : i32
      %cond3A_401 = arith.cmpi ne, %convert_element_type3A_399, %cond3A_400 : i32
      scf.if %cond3A_401 {
        %dma_wait3A_616 = arith.constant 1 : i32
        %dma_wait3A_617 = arith.constant 1 : i32
        %dma_wait3A_618 = arith.constant 0 : i32
        %dma_wait3A_619 = arith.constant 2 : i32
        %dma_wait3A_620 = arith.constant 0 : i32
        %dma_wait3A_621 = tpu.memref_slice %arg9[%dma_wait3A_617, %dma_wait3A_618, %dma_wait3A_619, %dma_wait3A_620] : memref<2x4x204x32xf32, #tpu.memory_space<vmem>> -> memref<1x1x200x32xf32, #tpu.memory_space<vmem>>
        %dma_wait3A_622 = tpu.memref_squeeze %dma_wait3A_621 : memref<1x1x200x32xf32, #tpu.memory_space<vmem>> -> memref<200x32xf32, #tpu.memory_space<vmem>>
        %dma_wait3A_623 = arith.constant 0 : i32
        %dma_wait3A_624 = tpu.memref_slice %arg8[%dma_wait3A_616, %dma_wait3A_623] : memref<2x800xi32, #tpu.memory_space<vmem>> -> memref<1x200xi32, #tpu.memory_space<vmem>>
        %dma_wait3A_625 = tpu.memref_squeeze %dma_wait3A_624 : memref<1x200xi32, #tpu.memory_space<vmem>> -> memref<200xi32, #tpu.memory_space<vmem>>
        %dma_wait3A_626 = arith.constant 0 : i32
        %dma_wait3A_627 = arith.constant 0 : i32
        %dma_wait3A_628 = tpu.memref_slice %arg4[%dma_wait3A_626, %dma_wait3A_627] : memref<256x32xf32, #tpu.memory_space<hbm>> -> memref<256x32xf32, #tpu.memory_space<hbm>>
        tpu.wait_indirect_dma semaphore(%arg14 : memref<!tpu.dma_semaphore, #tpu.memory_space<semaphore_mem>>) src(%dma_wait3A_628 : memref<256x32xf32, #tpu.memory_space<hbm>>) dst(%dma_wait3A_622 : memref<200x32xf32, #tpu.memory_space<vmem>>)
        %dma_wait3A_629 = arith.constant 1 : i32
        %dma_wait3A_630 = arith.constant 1 : i32
        %dma_wait3A_631 = arith.constant 1 : i32
        %dma_wait3A_632 = arith.constant 2 : i32
        %dma_wait3A_633 = arith.constant 0 : i32
        %dma_wait3A_634 = tpu.memref_slice %arg9[%dma_wait3A_630, %dma_wait3A_631, %dma_wait3A_632, %dma_wait3A_633] : memref<2x4x204x32xf32, #tpu.memory_space<vmem>> -> memref<1x1x200x32xf32, #tpu.memory_space<vmem>>
        %dma_wait3A_635 = tpu.memref_squeeze %dma_wait3A_634 : memref<1x1x200x32xf32, #tpu.memory_space<vmem>> -> memref<200x32xf32, #tpu.memory_space<vmem>>
        %dma_wait3A_636 = arith.constant 200 : i32
        %dma_wait3A_637 = tpu.memref_slice %arg8[%dma_wait3A_629, %dma_wait3A_636] : memref<2x800xi32, #tpu.memory_space<vmem>> -> memref<1x200xi32, #tpu.memory_space<vmem>>
        %dma_wait3A_638 = tpu.memref_squeeze %dma_wait3A_637 : memref<1x200xi32, #tpu.memory_space<vmem>> -> memref<200xi32, #tpu.memory_space<vmem>>
        %dma_wait3A_639 = arith.constant 0 : i32
        %dma_wait3A_640 = arith.constant 0 : i32
        %dma_wait3A_641 = tpu.memref_slice %arg4[%dma_wait3A_639, %dma_wait3A_640] : memref<256x32xf32, #tpu.memory_space<hbm>> -> memref<256x32xf32, #tpu.memory_space<hbm>>
        tpu.wait_indirect_dma semaphore(%arg14 : memref<!tpu.dma_semaphore, #tpu.memory_space<semaphore_mem>>) src(%dma_wait3A_641 : memref<256x32xf32, #tpu.memory_space<hbm>>) dst(%dma_wait3A_635 : memref<200x32xf32, #tpu.memory_space<vmem>>)
        %dma_wait3A_642 = arith.constant 1 : i32
        %dma_wait3A_643 = arith.constant 1 : i32
        %dma_wait3A_644 = arith.constant 2 : i32
        %dma_wait3A_645 = arith.constant 2 : i32
        %dma_wait3A_646 = arith.constant 0 : i32
        %dma_wait3A_647 = tpu.memref_slice %arg9[%dma_wait3A_643, %dma_wait3A_644, %dma_wait3A_645, %dma_wait3A_646] : memref<2x4x204x32xf32, #tpu.memory_space<vmem>> -> memref<1x1x200x32xf32, #tpu.memory_space<vmem>>
        %dma_wait3A_648 = tpu.memref_squeeze %dma_wait3A_647 : memref<1x1x200x32xf32, #tpu.memory_space<vmem>> -> memref<200x32xf32, #tpu.memory_space<vmem>>
        %dma_wait3A_649 = arith.constant 400 : i32
        %dma_wait3A_650 = tpu.memref_slice %arg8[%dma_wait3A_642, %dma_wait3A_649] : memref<2x800xi32, #tpu.memory_space<vmem>> -> memref<1x200xi32, #tpu.memory_space<vmem>>
        %dma_wait3A_651 = tpu.memref_squeeze %dma_wait3A_650 : memref<1x200xi32, #tpu.memory_space<vmem>> -> memref<200xi32, #tpu.memory_space<vmem>>
        %dma_wait3A_652 = arith.constant 0 : i32
        %dma_wait3A_653 = arith.constant 0 : i32
        %dma_wait3A_654 = tpu.memref_slice %arg4[%dma_wait3A_652, %dma_wait3A_653] : memref<256x32xf32, #tpu.memory_space<hbm>> -> memref<256x32xf32, #tpu.memory_space<hbm>>
        tpu.wait_indirect_dma semaphore(%arg14 : memref<!tpu.dma_semaphore, #tpu.memory_space<semaphore_mem>>) src(%dma_wait3A_654 : memref<256x32xf32, #tpu.memory_space<hbm>>) dst(%dma_wait3A_648 : memref<200x32xf32, #tpu.memory_space<vmem>>)
        %dma_wait3A_655 = arith.constant 1 : i32
        %dma_wait3A_656 = arith.constant 1 : i32
        %dma_wait3A_657 = arith.constant 3 : i32
        %dma_wait3A_658 = arith.constant 2 : i32
        %dma_wait3A_659 = arith.constant 0 : i32
        %dma_wait3A_660 = tpu.memref_slice %arg9[%dma_wait3A_656, %dma_wait3A_657, %dma_wait3A_658, %dma_wait3A_659] : memref<2x4x204x32xf32, #tpu.memory_space<vmem>> -> memref<1x1x200x32xf32, #tpu.memory_space<vmem>>
        %dma_wait3A_661 = tpu.memref_squeeze %dma_wait3A_660 : memref<1x1x200x32xf32, #tpu.memory_space<vmem>> -> memref<200x32xf32, #tpu.memory_space<vmem>>
        %dma_wait3A_662 = arith.constant 600 : i32
        %dma_wait3A_663 = tpu.memref_slice %arg8[%dma_wait3A_655, %dma_wait3A_662] : memref<2x800xi32, #tpu.memory_space<vmem>> -> memref<1x200xi32, #tpu.memory_space<vmem>>
        %dma_wait3A_664 = tpu.memref_squeeze %dma_wait3A_663 : memref<1x200xi32, #tpu.memory_space<vmem>> -> memref<200xi32, #tpu.memory_space<vmem>>
        %dma_wait3A_665 = arith.constant 0 : i32
        %dma_wait3A_666 = arith.constant 0 : i32
        %dma_wait3A_667 = tpu.memref_slice %arg4[%dma_wait3A_665, %dma_wait3A_666] : memref<256x32xf32, #tpu.memory_space<hbm>> -> memref<256x32xf32, #tpu.memory_space<hbm>>
        tpu.wait_indirect_dma semaphore(%arg14 : memref<!tpu.dma_semaphore, #tpu.memory_space<semaphore_mem>>) src(%dma_wait3A_667 : memref<256x32xf32, #tpu.memory_space<hbm>>) dst(%dma_wait3A_661 : memref<200x32xf32, #tpu.memory_space<vmem>>)
        %mul3A_668 = arith.constant 2 : i32
        %mul3A_669 = arith.muli %mul3A_668, %scan3A_317 : i32
        %sub3A = arith.constant 1 : i32
        %sub3A_670 = arith.subi %mul3A_669, %sub3A : i32
        %mul3A_671 = arith.constant 512 : i32
        %mul3A_672 = arith.muli %add3A, %mul3A_671 : i32
        %mul3A_673 = arith.constant 4 : i32
        %mul3A_674 = arith.muli %sub3A_670, %mul3A_673 : i32
        %add3A_675 = arith.addi %mul3A_672, %mul3A_674 : i32
        %add3A_676 = arith.constant 0 : i32
        %add3A_677 = arith.addi %add3A_675, %add3A_676 : i32
        %mul3A_678 = arith.constant 204 : i32
        %mul3A_679 = arith.muli %add3A_677, %mul3A_678 : i32
        %dma_start3A_680 = arith.constant 1 : i32
        %dma_start3A_681 = arith.constant 0 : i32
        %dma_start3A_682 = arith.constant 0 : i32
        %dma_start3A_683 = arith.constant 0 : i32
        %dma_start3A_684 = tpu.memref_slice %arg9[%dma_start3A_680, %dma_start3A_681, %dma_start3A_682, %dma_start3A_683] : memref<2x4x204x32xf32, #tpu.memory_space<vmem>> -> memref<1x1x204x32xf32, #tpu.memory_space<vmem>>
        %dma_start3A_685 = tpu.memref_squeeze %dma_start3A_684 : memref<1x1x204x32xf32, #tpu.memory_space<vmem>> -> memref<204x32xf32, #tpu.memory_space<vmem>>
        %dma_start3A_686 = arith.constant 0 : i32
        %dma_start3A_687 = tpu.memref_slice %arg6[%mul3A_679, %dma_start3A_686] : memref<3342336x32xf32, #tpu.memory_space<hbm>> -> memref<204x32xf32, #tpu.memory_space<hbm>>
        %dma_start3A_688 = arith.constant 0 : i32
        %dma_start3A_689 = tpu.memref_slice %arg6[%mul3A_679, %dma_start3A_688] : memref<3342336x32xf32, #tpu.memory_space<hbm>> -> memref<204x32xf32, #tpu.memory_space<hbm>>
        %dma_start3A_690 = arith.constant 0 : i32
        %dma_start3A_691 = arith.constant 0 : i32
        %dma_start3A_692 = tpu.memref_slice %arg9[%dma_start3A_680, %dma_start3A_681, %dma_start3A_690, %dma_start3A_691] : memref<2x4x204x32xf32, #tpu.memory_space<vmem>> -> memref<1x1x204x32xf32, #tpu.memory_space<vmem>>
        %dma_start3A_693 = tpu.memref_squeeze %dma_start3A_692 : memref<1x1x204x32xf32, #tpu.memory_space<vmem>> -> memref<204x32xf32, #tpu.memory_space<vmem>>
        tpu.enqueue_dma source(%dma_start3A_693 : memref<204x32xf32, #tpu.memory_space<vmem>>) target(%dma_start3A_689 : memref<204x32xf32, #tpu.memory_space<hbm>>) target_semaphore(%arg16 : memref<!tpu.dma_semaphore, #tpu.memory_space<semaphore_mem>>)
        %add3A_694 = arith.constant 1 : i32
        %add3A_695 = arith.addi %add3A_675, %add3A_694 : i32
        %mul3A_696 = arith.constant 204 : i32
        %mul3A_697 = arith.muli %add3A_695, %mul3A_696 : i32
        %dma_start3A_698 = arith.constant 1 : i32
        %dma_start3A_699 = arith.constant 1 : i32
        %dma_start3A_700 = arith.constant 0 : i32
        %dma_start3A_701 = arith.constant 0 : i32
        %dma_start3A_702 = tpu.memref_slice %arg9[%dma_start3A_698, %dma_start3A_699, %dma_start3A_700, %dma_start3A_701] : memref<2x4x204x32xf32, #tpu.memory_space<vmem>> -> memref<1x1x204x32xf32, #tpu.memory_space<vmem>>
        %dma_start3A_703 = tpu.memref_squeeze %dma_start3A_702 : memref<1x1x204x32xf32, #tpu.memory_space<vmem>> -> memref<204x32xf32, #tpu.memory_space<vmem>>
        %dma_start3A_704 = arith.constant 0 : i32
        %dma_start3A_705 = tpu.memref_slice %arg6[%mul3A_697, %dma_start3A_704] : memref<3342336x32xf32, #tpu.memory_space<hbm>> -> memref<204x32xf32, #tpu.memory_space<hbm>>
        %dma_start3A_706 = arith.constant 0 : i32
        %dma_start3A_707 = tpu.memref_slice %arg6[%mul3A_697, %dma_start3A_706] : memref<3342336x32xf32, #tpu.memory_space<hbm>> -> memref<204x32xf32, #tpu.memory_space<hbm>>
        %dma_start3A_708 = arith.constant 0 : i32
        %dma_start3A_709 = arith.constant 0 : i32
        %dma_start3A_710 = tpu.memref_slice %arg9[%dma_start3A_698, %dma_start3A_699, %dma_start3A_708, %dma_start3A_709] : memref<2x4x204x32xf32, #tpu.memory_space<vmem>> -> memref<1x1x204x32xf32, #tpu.memory_space<vmem>>
        %dma_start3A_711 = tpu.memref_squeeze %dma_start3A_710 : memref<1x1x204x32xf32, #tpu.memory_space<vmem>> -> memref<204x32xf32, #tpu.memory_space<vmem>>
        tpu.enqueue_dma source(%dma_start3A_711 : memref<204x32xf32, #tpu.memory_space<vmem>>) target(%dma_start3A_707 : memref<204x32xf32, #tpu.memory_space<hbm>>) target_semaphore(%arg16 : memref<!tpu.dma_semaphore, #tpu.memory_space<semaphore_mem>>)
        %add3A_712 = arith.constant 2 : i32
        %add3A_713 = arith.addi %add3A_675, %add3A_712 : i32
        %mul3A_714 = arith.constant 204 : i32
        %mul3A_715 = arith.muli %add3A_713, %mul3A_714 : i32
        %dma_start3A_716 = arith.constant 1 : i32
        %dma_start3A_717 = arith.constant 2 : i32
        %dma_start3A_718 = arith.constant 0 : i32
        %dma_start3A_719 = arith.constant 0 : i32
        %dma_start3A_720 = tpu.memref_slice %arg9[%dma_start3A_716, %dma_start3A_717, %dma_start3A_718, %dma_start3A_719] : memref<2x4x204x32xf32, #tpu.memory_space<vmem>> -> memref<1x1x204x32xf32, #tpu.memory_space<vmem>>
        %dma_start3A_721 = tpu.memref_squeeze %dma_start3A_720 : memref<1x1x204x32xf32, #tpu.memory_space<vmem>> -> memref<204x32xf32, #tpu.memory_space<vmem>>
        %dma_start3A_722 = arith.constant 0 : i32
        %dma_start3A_723 = tpu.memref_slice %arg6[%mul3A_715, %dma_start3A_722] : memref<3342336x32xf32, #tpu.memory_space<hbm>> -> memref<204x32xf32, #tpu.memory_space<hbm>>
        %dma_start3A_724 = arith.constant 0 : i32
        %dma_start3A_725 = tpu.memref_slice %arg6[%mul3A_715, %dma_start3A_724] : memref<3342336x32xf32, #tpu.memory_space<hbm>> -> memref<204x32xf32, #tpu.memory_space<hbm>>
        %dma_start3A_726 = arith.constant 0 : i32
        %dma_start3A_727 = arith.constant 0 : i32
        %dma_start3A_728 = tpu.memref_slice %arg9[%dma_start3A_716, %dma_start3A_717, %dma_start3A_726, %dma_start3A_727] : memref<2x4x204x32xf32, #tpu.memory_space<vmem>> -> memref<1x1x204x32xf32, #tpu.memory_space<vmem>>
        %dma_start3A_729 = tpu.memref_squeeze %dma_start3A_728 : memref<1x1x204x32xf32, #tpu.memory_space<vmem>> -> memref<204x32xf32, #tpu.memory_space<vmem>>
        tpu.enqueue_dma source(%dma_start3A_729 : memref<204x32xf32, #tpu.memory_space<vmem>>) target(%dma_start3A_725 : memref<204x32xf32, #tpu.memory_space<hbm>>) target_semaphore(%arg16 : memref<!tpu.dma_semaphore, #tpu.memory_space<semaphore_mem>>)
        %add3A_730 = arith.constant 3 : i32
        %add3A_731 = arith.addi %add3A_675, %add3A_730 : i32
        %mul3A_732 = arith.constant 204 : i32
        %mul3A_733 = arith.muli %add3A_731, %mul3A_732 : i32
        %dma_start3A_734 = arith.constant 1 : i32
        %dma_start3A_735 = arith.constant 3 : i32
        %dma_start3A_736 = arith.constant 0 : i32
        %dma_start3A_737 = arith.constant 0 : i32
        %dma_start3A_738 = tpu.memref_slice %arg9[%dma_start3A_734, %dma_start3A_735, %dma_start3A_736, %dma_start3A_737] : memref<2x4x204x32xf32, #tpu.memory_space<vmem>> -> memref<1x1x204x32xf32, #tpu.memory_space<vmem>>
        %dma_start3A_739 = tpu.memref_squeeze %dma_start3A_738 : memref<1x1x204x32xf32, #tpu.memory_space<vmem>> -> memref<204x32xf32, #tpu.memory_space<vmem>>
        %dma_start3A_740 = arith.constant 0 : i32
        %dma_start3A_741 = tpu.memref_slice %arg6[%mul3A_733, %dma_start3A_740] : memref<3342336x32xf32, #tpu.memory_space<hbm>> -> memref<204x32xf32, #tpu.memory_space<hbm>>
        %dma_start3A_742 = arith.constant 0 : i32
        %dma_start3A_743 = tpu.memref_slice %arg6[%mul3A_733, %dma_start3A_742] : memref<3342336x32xf32, #tpu.memory_space<hbm>> -> memref<204x32xf32, #tpu.memory_space<hbm>>
        %dma_start3A_744 = arith.constant 0 : i32
        %dma_start3A_745 = arith.constant 0 : i32
        %dma_start3A_746 = tpu.memref_slice %arg9[%dma_start3A_734, %dma_start3A_735, %dma_start3A_744, %dma_start3A_745] : memref<2x4x204x32xf32, #tpu.memory_space<vmem>> -> memref<1x1x204x32xf32, #tpu.memory_space<vmem>>
        %dma_start3A_747 = tpu.memref_squeeze %dma_start3A_746 : memref<1x1x204x32xf32, #tpu.memory_space<vmem>> -> memref<204x32xf32, #tpu.memory_space<vmem>>
        tpu.enqueue_dma source(%dma_start3A_747 : memref<204x32xf32, #tpu.memory_space<vmem>>) target(%dma_start3A_743 : memref<204x32xf32, #tpu.memory_space<hbm>>) target_semaphore(%arg16 : memref<!tpu.dma_semaphore, #tpu.memory_space<semaphore_mem>>)
      } else {
      }
      %mul3A_402 = arith.constant 2 : i32
      %mul3A_403 = arith.muli %mul3A_402, %scan3A_317 : i32
      %add3A_404 = arith.constant 1 : i32
      %add3A_405 = arith.addi %mul3A_403, %add3A_404 : i32
      %dma_wait3A_406 = arith.constant 1 : i32
      %dma_wait3A_407 = arith.constant 0 : i32
      %dma_wait3A_408 = tpu.memref_slice %arg7[%dma_wait3A_406, %dma_wait3A_407] : memref<2x800xf32, #tpu.memory_space<vmem>> -> memref<1x800xf32, #tpu.memory_space<vmem>>
      %dma_wait3A_409 = tpu.memref_squeeze %dma_wait3A_408 : memref<1x800xf32, #tpu.memory_space<vmem>> -> memref<800xf32, #tpu.memory_space<vmem>>
      %dma_wait3A_410 = arith.constant 0 : i32
      %dma_wait3A_411 = tpu.memref_slice %arg2[%dma_wait3A_410] : memref<3276800xf32, #tpu.memory_space<hbm>> -> memref<800xf32, #tpu.memory_space<hbm>>
      %dma_wait3A_412 = arith.constant 0 : i32
      %dma_wait3A_413 = tpu.memref_slice %arg7[%dma_wait3A_406, %dma_wait3A_412] : memref<2x800xf32, #tpu.memory_space<vmem>> -> memref<1x800xf32, #tpu.memory_space<vmem>>
      %dma_wait3A_414 = tpu.memref_squeeze %dma_wait3A_413 : memref<1x800xf32, #tpu.memory_space<vmem>> -> memref<800xf32, #tpu.memory_space<vmem>>
      %dma_wait3A_415 = arith.constant 0 : i32
      %dma_wait3A_416 = tpu.memref_slice %arg2[%dma_wait3A_415] : memref<3276800xf32, #tpu.memory_space<hbm>> -> memref<800xf32, #tpu.memory_space<hbm>>
      tpu.wait_dma2 semaphore(%arg12 : memref<!tpu.dma_semaphore, #tpu.memory_space<semaphore_mem>>) src(%dma_wait3A_416 : memref<800xf32, #tpu.memory_space<hbm>>) dst(%dma_wait3A_414 : memref<800xf32, #tpu.memory_space<vmem>>)
      %scan3A_417 = arith.constant 0 : i32
      %scan3A_418 = arith.constant 0 : i32
      %scan3A_419 = arith.constant 50 : i32
      %scan3A_420 = arith.addi %scan3A_418, %scan3A_419 : i32
      %scan3A_421 = arith.constant 1 : i32
      scf.for %scan3A_616 = %scan3A_418 to %scan3A_420 step %scan3A_421  : i32 {
        %mul3A_617 = arith.constant 16 : i32
        %mul3A_618 = arith.muli %scan3A_616, %mul3A_617 : i32
        %multiple_of3A = tpu.assume_multiple %mul3A_618, 16 : i32
        %get3A = arith.constant 1 : i32
        %get3A_619 = arith.index_cast %get3A : i32 to index
        %get3A_620 = arith.index_cast %multiple_of3A : i32 to index
        %get3A_621 = tpu.vector_load %arg7[%get3A_619, %get3A_620] {strides = array<i32>} : memref<2x800xf32, #tpu.memory_space<vmem>>, vector<16xf32>,
        %mul3A_622 = arith.constant 2.540000e+02 : f32
        %mul3A_623 = vector.broadcast %mul3A_622 : f32 to vector<16xf32>
        %mul3A_624 = arith.mulf %get3A_621, %mul3A_623 : vector<16xf32>
        %convert_element_type3A_625 = arith.fptosi %mul3A_624 : vector<16xf32> to vector<16xi32>
        %convert_element_type3A_626 = arith.sitofp %convert_element_type3A_625 : vector<16xi32> to vector<16xf32>
        %lt3A_627 = arith.cmpf olt, %convert_element_type3A_626, %mul3A_624 : vector<16xf32>
        %jit3A = arith.constant 1 : i32
        %jit3A_628 = arith.constant 0 : i32
        %broadcast_in_dim3A = vector.broadcast %jit3A : i32 to vector<16xi32>
        %broadcast_in_dim3A_629 = vector.broadcast %jit3A_628 : i32 to vector<16xi32>
        %select_n3A = arith.select %lt3A_627, %broadcast_in_dim3A, %broadcast_in_dim3A_629 : vector<16xi1>, vector<16xi32>
        %add3A_630 = arith.addi %convert_element_type3A_625, %select_n3A : vector<16xi32>
        %jit3A_631 = arith.constant 0 : i32
        %jit3A_632 = arith.constant 254 : i32
        %max3A = vector.broadcast %jit3A_631 : i32 to vector<16xi32>
        %max3A_633 = arith.maxsi %max3A, %add3A_630 : vector<16xi32>
        %min3A = vector.broadcast %jit3A_632 : i32 to vector<16xi32>
        %min3A_634 = arith.minsi %min3A, %max3A_633 : vector<16xi32>
        %gather3A = tpu.vector_load_idx %arg10[%min3A_634] : memref<256xf32, #tpu.memory_space<vmem>>[vector<16xi32>], vector<16xf32>,
        %add3A_635 = arith.constant 1 : i32
        %add3A_636 = vector.broadcast %add3A_635 : i32 to vector<16xi32>
        %add3A_637 = arith.addi %min3A_634, %add3A_636 : vector<16xi32>
        %gather3A_638 = tpu.vector_load_idx %arg10[%add3A_637] : memref<256xf32, #tpu.memory_space<vmem>>[vector<16xi32>], vector<16xf32>,
        %gt3A = arith.cmpf ogt, %get3A_621, %gather3A_638 : vector<16xf32>
        %jit3A_639 = arith.constant 1 : i32
        %jit3A_640 = arith.constant 0 : i32
        %broadcast_in_dim3A_641 = vector.broadcast %jit3A_639 : i32 to vector<16xi32>
        %broadcast_in_dim3A_642 = vector.broadcast %jit3A_640 : i32 to vector<16xi32>
        %select_n3A_643 = arith.select %gt3A, %broadcast_in_dim3A_641, %broadcast_in_dim3A_642 : vector<16xi1>, vector<16xi32>
        %add3A_644 = arith.addi %min3A_634, %select_n3A_643 : vector<16xi32>
        %le3A = arith.cmpf ole, %get3A_621, %gather3A : vector<16xf32>
        %jit3A_645 = arith.constant 1 : i32
        %jit3A_646 = arith.constant 0 : i32
        %broadcast_in_dim3A_647 = vector.broadcast %jit3A_645 : i32 to vector<16xi32>
        %broadcast_in_dim3A_648 = vector.broadcast %jit3A_646 : i32 to vector<16xi32>
        %select_n3A_649 = arith.select %le3A, %broadcast_in_dim3A_647, %broadcast_in_dim3A_648 : vector<16xi1>, vector<16xi32>
        %sub3A = arith.subi %add3A_644, %select_n3A_649 : vector<16xi32>
        %jit3A_650 = arith.constant 0 : i32
        %jit3A_651 = arith.constant 255 : i32
        %max3A_652 = vector.broadcast %jit3A_650 : i32 to vector<16xi32>
        %max3A_653 = arith.maxsi %max3A_652, %sub3A : vector<16xi32>
        %min3A_654 = vector.broadcast %jit3A_651 : i32 to vector<16xi32>
        %min3A_655 = arith.minsi %min3A_654, %max3A_653 : vector<16xi32>
        %swap3A = arith.constant 1 : i32
        %swap3A_656 = arith.index_cast %swap3A : i32 to index
        %swap3A_657 = arith.index_cast %multiple_of3A : i32 to index
        %swap3A_658 = tpu.vector_load %arg8[%swap3A_656, %swap3A_657] {strides = array<i32>} : memref<2x800xi32, #tpu.memory_space<vmem>>, vector<16xi32>,
        tpu.vector_store %arg8[%swap3A_656, %swap3A_657], %min3A_655 {strides = array<i32>} : memref<2x800xi32, #tpu.memory_space<vmem>>, vector<16xi32>,
      }
      %scan3A_422 = arith.constant 50 : i32
      %ge3A_423 = arith.constant 1 : i32
      %ge3A_424 = arith.cmpi sge, %scan3A_317, %ge3A_423 : i32
      %convert_element_type3A_425 = arith.extui %ge3A_424 : i1 to i32
      %cond3A_426 = arith.constant 0 : i32
      %cond3A_427 = arith.cmpi ne, %convert_element_type3A_425, %cond3A_426 : i32
      scf.if %cond3A_427 {
        %dma_wait3A_616 = arith.constant 1 : i32
        %dma_wait3A_617 = arith.constant 0 : i32
        %dma_wait3A_618 = arith.constant 0 : i32
        %dma_wait3A_619 = arith.constant 0 : i32
        %dma_wait3A_620 = tpu.memref_slice %arg9[%dma_wait3A_616, %dma_wait3A_617, %dma_wait3A_618, %dma_wait3A_619] : memref<2x4x204x32xf32, #tpu.memory_space<vmem>> -> memref<1x1x204x32xf32, #tpu.memory_space<vmem>>
        %dma_wait3A_621 = tpu.memref_squeeze %dma_wait3A_620 : memref<1x1x204x32xf32, #tpu.memory_space<vmem>> -> memref<204x32xf32, #tpu.memory_space<vmem>>
        %dma_wait3A_622 = arith.constant 0 : i32
        %dma_wait3A_623 = arith.constant 0 : i32
        %dma_wait3A_624 = tpu.memref_slice %arg6[%dma_wait3A_622, %dma_wait3A_623] : memref<3342336x32xf32, #tpu.memory_space<hbm>> -> memref<204x32xf32, #tpu.memory_space<hbm>>
        %dma_wait3A_625 = arith.constant 0 : i32
        %dma_wait3A_626 = arith.constant 0 : i32
        %dma_wait3A_627 = tpu.memref_slice %arg6[%dma_wait3A_625, %dma_wait3A_626] : memref<3342336x32xf32, #tpu.memory_space<hbm>> -> memref<204x32xf32, #tpu.memory_space<hbm>>
        %dma_wait3A_628 = arith.constant 0 : i32
        %dma_wait3A_629 = arith.constant 0 : i32
        %dma_wait3A_630 = tpu.memref_slice %arg9[%dma_wait3A_616, %dma_wait3A_617, %dma_wait3A_628, %dma_wait3A_629] : memref<2x4x204x32xf32, #tpu.memory_space<vmem>> -> memref<1x1x204x32xf32, #tpu.memory_space<vmem>>
        %dma_wait3A_631 = tpu.memref_squeeze %dma_wait3A_630 : memref<1x1x204x32xf32, #tpu.memory_space<vmem>> -> memref<204x32xf32, #tpu.memory_space<vmem>>
        tpu.wait_dma2 semaphore(%arg16 : memref<!tpu.dma_semaphore, #tpu.memory_space<semaphore_mem>>) src(%dma_wait3A_631 : memref<204x32xf32, #tpu.memory_space<vmem>>) dst(%dma_wait3A_627 : memref<204x32xf32, #tpu.memory_space<hbm>>)
        %dma_wait3A_632 = arith.constant 1 : i32
        %dma_wait3A_633 = arith.constant 1 : i32
        %dma_wait3A_634 = arith.constant 0 : i32
        %dma_wait3A_635 = arith.constant 0 : i32
        %dma_wait3A_636 = tpu.memref_slice %arg9[%dma_wait3A_632, %dma_wait3A_633, %dma_wait3A_634, %dma_wait3A_635] : memref<2x4x204x32xf32, #tpu.memory_space<vmem>> -> memref<1x1x204x32xf32, #tpu.memory_space<vmem>>
        %dma_wait3A_637 = tpu.memref_squeeze %dma_wait3A_636 : memref<1x1x204x32xf32, #tpu.memory_space<vmem>> -> memref<204x32xf32, #tpu.memory_space<vmem>>
        %dma_wait3A_638 = arith.constant 0 : i32
        %dma_wait3A_639 = arith.constant 0 : i32
        %dma_wait3A_640 = tpu.memref_slice %arg6[%dma_wait3A_638, %dma_wait3A_639] : memref<3342336x32xf32, #tpu.memory_space<hbm>> -> memref<204x32xf32, #tpu.memory_space<hbm>>
        %dma_wait3A_641 = arith.constant 0 : i32
        %dma_wait3A_642 = arith.constant 0 : i32
        %dma_wait3A_643 = tpu.memref_slice %arg6[%dma_wait3A_641, %dma_wait3A_642] : memref<3342336x32xf32, #tpu.memory_space<hbm>> -> memref<204x32xf32, #tpu.memory_space<hbm>>
        %dma_wait3A_644 = arith.constant 0 : i32
        %dma_wait3A_645 = arith.constant 0 : i32
        %dma_wait3A_646 = tpu.memref_slice %arg9[%dma_wait3A_632, %dma_wait3A_633, %dma_wait3A_644, %dma_wait3A_645] : memref<2x4x204x32xf32, #tpu.memory_space<vmem>> -> memref<1x1x204x32xf32, #tpu.memory_space<vmem>>
        %dma_wait3A_647 = tpu.memref_squeeze %dma_wait3A_646 : memref<1x1x204x32xf32, #tpu.memory_space<vmem>> -> memref<204x32xf32, #tpu.memory_space<vmem>>
        tpu.wait_dma2 semaphore(%arg16 : memref<!tpu.dma_semaphore, #tpu.memory_space<semaphore_mem>>) src(%dma_wait3A_647 : memref<204x32xf32, #tpu.memory_space<vmem>>) dst(%dma_wait3A_643 : memref<204x32xf32, #tpu.memory_space<hbm>>)
        %dma_wait3A_648 = arith.constant 1 : i32
        %dma_wait3A_649 = arith.constant 2 : i32
        %dma_wait3A_650 = arith.constant 0 : i32
        %dma_wait3A_651 = arith.constant 0 : i32
        %dma_wait3A_652 = tpu.memref_slice %arg9[%dma_wait3A_648, %dma_wait3A_649, %dma_wait3A_650, %dma_wait3A_651] : memref<2x4x204x32xf32, #tpu.memory_space<vmem>> -> memref<1x1x204x32xf32, #tpu.memory_space<vmem>>
        %dma_wait3A_653 = tpu.memref_squeeze %dma_wait3A_652 : memref<1x1x204x32xf32, #tpu.memory_space<vmem>> -> memref<204x32xf32, #tpu.memory_space<vmem>>
        %dma_wait3A_654 = arith.constant 0 : i32
        %dma_wait3A_655 = arith.constant 0 : i32
        %dma_wait3A_656 = tpu.memref_slice %arg6[%dma_wait3A_654, %dma_wait3A_655] : memref<3342336x32xf32, #tpu.memory_space<hbm>> -> memref<204x32xf32, #tpu.memory_space<hbm>>
        %dma_wait3A_657 = arith.constant 0 : i32
        %dma_wait3A_658 = arith.constant 0 : i32
        %dma_wait3A_659 = tpu.memref_slice %arg6[%dma_wait3A_657, %dma_wait3A_658] : memref<3342336x32xf32, #tpu.memory_space<hbm>> -> memref<204x32xf32, #tpu.memory_space<hbm>>
        %dma_wait3A_660 = arith.constant 0 : i32
        %dma_wait3A_661 = arith.constant 0 : i32
        %dma_wait3A_662 = tpu.memref_slice %arg9[%dma_wait3A_648, %dma_wait3A_649, %dma_wait3A_660, %dma_wait3A_661] : memref<2x4x204x32xf32, #tpu.memory_space<vmem>> -> memref<1x1x204x32xf32, #tpu.memory_space<vmem>>
        %dma_wait3A_663 = tpu.memref_squeeze %dma_wait3A_662 : memref<1x1x204x32xf32, #tpu.memory_space<vmem>> -> memref<204x32xf32, #tpu.memory_space<vmem>>
        tpu.wait_dma2 semaphore(%arg16 : memref<!tpu.dma_semaphore, #tpu.memory_space<semaphore_mem>>) src(%dma_wait3A_663 : memref<204x32xf32, #tpu.memory_space<vmem>>) dst(%dma_wait3A_659 : memref<204x32xf32, #tpu.memory_space<hbm>>)
        %dma_wait3A_664 = arith.constant 1 : i32
        %dma_wait3A_665 = arith.constant 3 : i32
        %dma_wait3A_666 = arith.constant 0 : i32
        %dma_wait3A_667 = arith.constant 0 : i32
        %dma_wait3A_668 = tpu.memref_slice %arg9[%dma_wait3A_664, %dma_wait3A_665, %dma_wait3A_666, %dma_wait3A_667] : memref<2x4x204x32xf32, #tpu.memory_space<vmem>> -> memref<1x1x204x32xf32, #tpu.memory_space<vmem>>
        %dma_wait3A_669 = tpu.memref_squeeze %dma_wait3A_668 : memref<1x1x204x32xf32, #tpu.memory_space<vmem>> -> memref<204x32xf32, #tpu.memory_space<vmem>>
        %dma_wait3A_670 = arith.constant 0 : i32
        %dma_wait3A_671 = arith.constant 0 : i32
        %dma_wait3A_672 = tpu.memref_slice %arg6[%dma_wait3A_670, %dma_wait3A_671] : memref<3342336x32xf32, #tpu.memory_space<hbm>> -> memref<204x32xf32, #tpu.memory_space<hbm>>
        %dma_wait3A_673 = arith.constant 0 : i32
        %dma_wait3A_674 = arith.constant 0 : i32
        %dma_wait3A_675 = tpu.memref_slice %arg6[%dma_wait3A_673, %dma_wait3A_674] : memref<3342336x32xf32, #tpu.memory_space<hbm>> -> memref<204x32xf32, #tpu.memory_space<hbm>>
        %dma_wait3A_676 = arith.constant 0 : i32
        %dma_wait3A_677 = arith.constant 0 : i32
        %dma_wait3A_678 = tpu.memref_slice %arg9[%dma_wait3A_664, %dma_wait3A_665, %dma_wait3A_676, %dma_wait3A_677] : memref<2x4x204x32xf32, #tpu.memory_space<vmem>> -> memref<1x1x204x32xf32, #tpu.memory_space<vmem>>
        %dma_wait3A_679 = tpu.memref_squeeze %dma_wait3A_678 : memref<1x1x204x32xf32, #tpu.memory_space<vmem>> -> memref<204x32xf32, #tpu.memory_space<vmem>>
        tpu.wait_dma2 semaphore(%arg16 : memref<!tpu.dma_semaphore, #tpu.memory_space<semaphore_mem>>) src(%dma_wait3A_679 : memref<204x32xf32, #tpu.memory_space<vmem>>) dst(%dma_wait3A_675 : memref<204x32xf32, #tpu.memory_space<hbm>>)
      } else {
      }
      %dma_start3A_428 = arith.constant 1 : i32
      %dma_start3A_429 = arith.constant 1 : i32
      %dma_start3A_430 = arith.constant 0 : i32
      %dma_start3A_431 = arith.constant 2 : i32
      %dma_start3A_432 = arith.constant 0 : i32
      %dma_start3A_433 = tpu.memref_slice %arg9[%dma_start3A_429, %dma_start3A_430, %dma_start3A_431, %dma_start3A_432] : memref<2x4x204x32xf32, #tpu.memory_space<vmem>> -> memref<1x1x200x32xf32, #tpu.memory_space<vmem>>
      %dma_start3A_434 = tpu.memref_squeeze %dma_start3A_433 : memref<1x1x200x32xf32, #tpu.memory_space<vmem>> -> memref<200x32xf32, #tpu.memory_space<vmem>>
      %dma_start3A_435 = arith.constant 0 : i32
      %dma_start3A_436 = tpu.memref_slice %arg8[%dma_start3A_428, %dma_start3A_435] : memref<2x800xi32, #tpu.memory_space<vmem>> -> memref<1x200xi32, #tpu.memory_space<vmem>>
      %dma_start3A_437 = tpu.memref_squeeze %dma_start3A_436 : memref<1x200xi32, #tpu.memory_space<vmem>> -> memref<200xi32, #tpu.memory_space<vmem>>
      %dma_start3A_438 = arith.constant 0 : i32
      %dma_start3A_439 = arith.constant 0 : i32
      %dma_start3A_440 = tpu.memref_slice %arg4[%dma_start3A_438, %dma_start3A_439] : memref<256x32xf32, #tpu.memory_space<hbm>> -> memref<256x32xf32, #tpu.memory_space<hbm>>
      tpu.enqueue_indirect_dma source(%dma_start3A_440 : memref<256x32xf32, #tpu.memory_space<hbm>>) target(%dma_start3A_434 : memref<200x32xf32, #tpu.memory_space<vmem>>) offsets(%dma_start3A_437 : memref<200xi32, #tpu.memory_space<vmem>>) semaphore(%arg14 : memref<!tpu.dma_semaphore, #tpu.memory_space<semaphore_mem>>)
      %dma_start3A_441 = arith.constant 1 : i32
      %dma_start3A_442 = arith.constant 1 : i32
      %dma_start3A_443 = arith.constant 1 : i32
      %dma_start3A_444 = arith.constant 2 : i32
      %dma_start3A_445 = arith.constant 0 : i32
      %dma_start3A_446 = tpu.memref_slice %arg9[%dma_start3A_442, %dma_start3A_443, %dma_start3A_444, %dma_start3A_445] : memref<2x4x204x32xf32, #tpu.memory_space<vmem>> -> memref<1x1x200x32xf32, #tpu.memory_space<vmem>>
      %dma_start3A_447 = tpu.memref_squeeze %dma_start3A_446 : memref<1x1x200x32xf32, #tpu.memory_space<vmem>> -> memref<200x32xf32, #tpu.memory_space<vmem>>
      %dma_start3A_448 = arith.constant 200 : i32
      %dma_start3A_449 = tpu.memref_slice %arg8[%dma_start3A_441, %dma_start3A_448] : memref<2x800xi32, #tpu.memory_space<vmem>> -> memref<1x200xi32, #tpu.memory_space<vmem>>
      %dma_start3A_450 = tpu.memref_squeeze %dma_start3A_449 : memref<1x200xi32, #tpu.memory_space<vmem>> -> memref<200xi32, #tpu.memory_space<vmem>>
      %dma_start3A_451 = arith.constant 0 : i32
      %dma_start3A_452 = arith.constant 0 : i32
      %dma_start3A_453 = tpu.memref_slice %arg4[%dma_start3A_451, %dma_start3A_452] : memref<256x32xf32, #tpu.memory_space<hbm>> -> memref<256x32xf32, #tpu.memory_space<hbm>>
      tpu.enqueue_indirect_dma source(%dma_start3A_453 : memref<256x32xf32, #tpu.memory_space<hbm>>) target(%dma_start3A_447 : memref<200x32xf32, #tpu.memory_space<vmem>>) offsets(%dma_start3A_450 : memref<200xi32, #tpu.memory_space<vmem>>) semaphore(%arg14 : memref<!tpu.dma_semaphore, #tpu.memory_space<semaphore_mem>>)
      %dma_start3A_454 = arith.constant 1 : i32
      %dma_start3A_455 = arith.constant 1 : i32
      %dma_start3A_456 = arith.constant 2 : i32
      %dma_start3A_457 = arith.constant 2 : i32
      %dma_start3A_458 = arith.constant 0 : i32
      %dma_start3A_459 = tpu.memref_slice %arg9[%dma_start3A_455, %dma_start3A_456, %dma_start3A_457, %dma_start3A_458] : memref<2x4x204x32xf32, #tpu.memory_space<vmem>> -> memref<1x1x200x32xf32, #tpu.memory_space<vmem>>
      %dma_start3A_460 = tpu.memref_squeeze %dma_start3A_459 : memref<1x1x200x32xf32, #tpu.memory_space<vmem>> -> memref<200x32xf32, #tpu.memory_space<vmem>>
      %dma_start3A_461 = arith.constant 400 : i32
      %dma_start3A_462 = tpu.memref_slice %arg8[%dma_start3A_454, %dma_start3A_461] : memref<2x800xi32, #tpu.memory_space<vmem>> -> memref<1x200xi32, #tpu.memory_space<vmem>>
      %dma_start3A_463 = tpu.memref_squeeze %dma_start3A_462 : memref<1x200xi32, #tpu.memory_space<vmem>> -> memref<200xi32, #tpu.memory_space<vmem>>
      %dma_start3A_464 = arith.constant 0 : i32
      %dma_start3A_465 = arith.constant 0 : i32
      %dma_start3A_466 = tpu.memref_slice %arg4[%dma_start3A_464, %dma_start3A_465] : memref<256x32xf32, #tpu.memory_space<hbm>> -> memref<256x32xf32, #tpu.memory_space<hbm>>
      tpu.enqueue_indirect_dma source(%dma_start3A_466 : memref<256x32xf32, #tpu.memory_space<hbm>>) target(%dma_start3A_460 : memref<200x32xf32, #tpu.memory_space<vmem>>) offsets(%dma_start3A_463 : memref<200xi32, #tpu.memory_space<vmem>>) semaphore(%arg14 : memref<!tpu.dma_semaphore, #tpu.memory_space<semaphore_mem>>)
      %dma_start3A_467 = arith.constant 1 : i32
      %dma_start3A_468 = arith.constant 1 : i32
      %dma_start3A_469 = arith.constant 3 : i32
      %dma_start3A_470 = arith.constant 2 : i32
      %dma_start3A_471 = arith.constant 0 : i32
      %dma_start3A_472 = tpu.memref_slice %arg9[%dma_start3A_468, %dma_start3A_469, %dma_start3A_470, %dma_start3A_471] : memref<2x4x204x32xf32, #tpu.memory_space<vmem>> -> memref<1x1x200x32xf32, #tpu.memory_space<vmem>>
      %dma_start3A_473 = tpu.memref_squeeze %dma_start3A_472 : memref<1x1x200x32xf32, #tpu.memory_space<vmem>> -> memref<200x32xf32, #tpu.memory_space<vmem>>
      %dma_start3A_474 = arith.constant 600 : i32
      %dma_start3A_475 = tpu.memref_slice %arg8[%dma_start3A_467, %dma_start3A_474] : memref<2x800xi32, #tpu.memory_space<vmem>> -> memref<1x200xi32, #tpu.memory_space<vmem>>
      %dma_start3A_476 = tpu.memref_squeeze %dma_start3A_475 : memref<1x200xi32, #tpu.memory_space<vmem>> -> memref<200xi32, #tpu.memory_space<vmem>>
      %dma_start3A_477 = arith.constant 0 : i32
      %dma_start3A_478 = arith.constant 0 : i32
      %dma_start3A_479 = tpu.memref_slice %arg4[%dma_start3A_477, %dma_start3A_478] : memref<256x32xf32, #tpu.memory_space<hbm>> -> memref<256x32xf32, #tpu.memory_space<hbm>>
      tpu.enqueue_indirect_dma source(%dma_start3A_479 : memref<256x32xf32, #tpu.memory_space<hbm>>) target(%dma_start3A_473 : memref<200x32xf32, #tpu.memory_space<vmem>>) offsets(%dma_start3A_476 : memref<200xi32, #tpu.memory_space<vmem>>) semaphore(%arg14 : memref<!tpu.dma_semaphore, #tpu.memory_space<semaphore_mem>>)
      %lt3A_480 = arith.constant 63 : i32
      %lt3A_481 = arith.cmpi slt, %scan3A_317, %lt3A_480 : i32
      %convert_element_type3A_482 = arith.extui %lt3A_481 : i1 to i32
      %cond3A_483 = arith.constant 0 : i32
      %cond3A_484 = arith.cmpi ne, %convert_element_type3A_482, %cond3A_483 : i32
      scf.if %cond3A_484 {
        %add3A_616 = arith.constant 2 : i32
        %add3A_617 = arith.addi %add3A_405, %add3A_616 : i32
        %mul3A_618 = arith.constant 102400 : i32
        %mul3A_619 = arith.muli %add3A, %mul3A_618 : i32
        %mul3A_620 = arith.constant 800 : i32
        %mul3A_621 = arith.muli %add3A_617, %mul3A_620 : i32
        %add3A_622 = arith.addi %mul3A_619, %mul3A_621 : i32
        %dma_start3A_623 = arith.constant 1 : i32
        %dma_start3A_624 = arith.constant 0 : i32
        %dma_start3A_625 = tpu.memref_slice %arg7[%dma_start3A_623, %dma_start3A_624] : memref<2x800xf32, #tpu.memory_space<vmem>> -> memref<1x800xf32, #tpu.memory_space<vmem>>
        %dma_start3A_626 = tpu.memref_squeeze %dma_start3A_625 : memref<1x800xf32, #tpu.memory_space<vmem>> -> memref<800xf32, #tpu.memory_space<vmem>>
        %dma_start3A_627 = tpu.memref_slice %arg2[%add3A_622] : memref<3276800xf32, #tpu.memory_space<hbm>> -> memref<800xf32, #tpu.memory_space<hbm>>
        %dma_start3A_628 = arith.constant 0 : i32
        %dma_start3A_629 = tpu.memref_slice %arg7[%dma_start3A_623, %dma_start3A_628] : memref<2x800xf32, #tpu.memory_space<vmem>> -> memref<1x800xf32, #tpu.memory_space<vmem>>
        %dma_start3A_630 = tpu.memref_squeeze %dma_start3A_629 : memref<1x800xf32, #tpu.memory_space<vmem>> -> memref<800xf32, #tpu.memory_space<vmem>>
        %dma_start3A_631 = tpu.memref_slice %arg2[%add3A_622] : memref<3276800xf32, #tpu.memory_space<hbm>> -> memref<800xf32, #tpu.memory_space<hbm>>
        tpu.enqueue_dma source(%dma_start3A_631 : memref<800xf32, #tpu.memory_space<hbm>>) target(%dma_start3A_630 : memref<800xf32, #tpu.memory_space<vmem>>) target_semaphore(%arg12 : memref<!tpu.dma_semaphore, #tpu.memory_space<semaphore_mem>>)
      } else {
      }
      %dma_wait3A_485 = arith.constant 0 : i32
      %dma_wait3A_486 = arith.constant 0 : i32
      %dma_wait3A_487 = arith.constant 0 : i32
      %dma_wait3A_488 = arith.constant 2 : i32
      %dma_wait3A_489 = arith.constant 0 : i32
      %dma_wait3A_490 = tpu.memref_slice %arg9[%dma_wait3A_486, %dma_wait3A_487, %dma_wait3A_488, %dma_wait3A_489] : memref<2x4x204x32xf32, #tpu.memory_space<vmem>> -> memref<1x1x200x32xf32, #tpu.memory_space<vmem>>
      %dma_wait3A_491 = tpu.memref_squeeze %dma_wait3A_490 : memref<1x1x200x32xf32, #tpu.memory_space<vmem>> -> memref<200x32xf32, #tpu.memory_space<vmem>>
      %dma_wait3A_492 = arith.constant 0 : i32
      %dma_wait3A_493 = tpu.memref_slice %arg8[%dma_wait3A_485, %dma_wait3A_492] : memref<2x800xi32, #tpu.memory_space<vmem>> -> memref<1x200xi32, #tpu.memory_space<vmem>>
      %dma_wait3A_494 = tpu.memref_squeeze %dma_wait3A_493 : memref<1x200xi32, #tpu.memory_space<vmem>> -> memref<200xi32, #tpu.memory_space<vmem>>
      %dma_wait3A_495 = arith.constant 0 : i32
      %dma_wait3A_496 = arith.constant 0 : i32
      %dma_wait3A_497 = tpu.memref_slice %arg4[%dma_wait3A_495, %dma_wait3A_496] : memref<256x32xf32, #tpu.memory_space<hbm>> -> memref<256x32xf32, #tpu.memory_space<hbm>>
      tpu.wait_indirect_dma semaphore(%arg13 : memref<!tpu.dma_semaphore, #tpu.memory_space<semaphore_mem>>) src(%dma_wait3A_497 : memref<256x32xf32, #tpu.memory_space<hbm>>) dst(%dma_wait3A_491 : memref<200x32xf32, #tpu.memory_space<vmem>>)
      %dma_wait3A_498 = arith.constant 0 : i32
      %dma_wait3A_499 = arith.constant 0 : i32
      %dma_wait3A_500 = arith.constant 1 : i32
      %dma_wait3A_501 = arith.constant 2 : i32
      %dma_wait3A_502 = arith.constant 0 : i32
      %dma_wait3A_503 = tpu.memref_slice %arg9[%dma_wait3A_499, %dma_wait3A_500, %dma_wait3A_501, %dma_wait3A_502] : memref<2x4x204x32xf32, #tpu.memory_space<vmem>> -> memref<1x1x200x32xf32, #tpu.memory_space<vmem>>
      %dma_wait3A_504 = tpu.memref_squeeze %dma_wait3A_503 : memref<1x1x200x32xf32, #tpu.memory_space<vmem>> -> memref<200x32xf32, #tpu.memory_space<vmem>>
      %dma_wait3A_505 = arith.constant 200 : i32
      %dma_wait3A_506 = tpu.memref_slice %arg8[%dma_wait3A_498, %dma_wait3A_505] : memref<2x800xi32, #tpu.memory_space<vmem>> -> memref<1x200xi32, #tpu.memory_space<vmem>>
      %dma_wait3A_507 = tpu.memref_squeeze %dma_wait3A_506 : memref<1x200xi32, #tpu.memory_space<vmem>> -> memref<200xi32, #tpu.memory_space<vmem>>
      %dma_wait3A_508 = arith.constant 0 : i32
      %dma_wait3A_509 = arith.constant 0 : i32
      %dma_wait3A_510 = tpu.memref_slice %arg4[%dma_wait3A_508, %dma_wait3A_509] : memref<256x32xf32, #tpu.memory_space<hbm>> -> memref<256x32xf32, #tpu.memory_space<hbm>>
      tpu.wait_indirect_dma semaphore(%arg13 : memref<!tpu.dma_semaphore, #tpu.memory_space<semaphore_mem>>) src(%dma_wait3A_510 : memref<256x32xf32, #tpu.memory_space<hbm>>) dst(%dma_wait3A_504 : memref<200x32xf32, #tpu.memory_space<vmem>>)
      %dma_wait3A_511 = arith.constant 0 : i32
      %dma_wait3A_512 = arith.constant 0 : i32
      %dma_wait3A_513 = arith.constant 2 : i32
      %dma_wait3A_514 = arith.constant 2 : i32
      %dma_wait3A_515 = arith.constant 0 : i32
      %dma_wait3A_516 = tpu.memref_slice %arg9[%dma_wait3A_512, %dma_wait3A_513, %dma_wait3A_514, %dma_wait3A_515] : memref<2x4x204x32xf32, #tpu.memory_space<vmem>> -> memref<1x1x200x32xf32, #tpu.memory_space<vmem>>
      %dma_wait3A_517 = tpu.memref_squeeze %dma_wait3A_516 : memref<1x1x200x32xf32, #tpu.memory_space<vmem>> -> memref<200x32xf32, #tpu.memory_space<vmem>>
      %dma_wait3A_518 = arith.constant 400 : i32
      %dma_wait3A_519 = tpu.memref_slice %arg8[%dma_wait3A_511, %dma_wait3A_518] : memref<2x800xi32, #tpu.memory_space<vmem>> -> memref<1x200xi32, #tpu.memory_space<vmem>>
      %dma_wait3A_520 = tpu.memref_squeeze %dma_wait3A_519 : memref<1x200xi32, #tpu.memory_space<vmem>> -> memref<200xi32, #tpu.memory_space<vmem>>
      %dma_wait3A_521 = arith.constant 0 : i32
      %dma_wait3A_522 = arith.constant 0 : i32
      %dma_wait3A_523 = tpu.memref_slice %arg4[%dma_wait3A_521, %dma_wait3A_522] : memref<256x32xf32, #tpu.memory_space<hbm>> -> memref<256x32xf32, #tpu.memory_space<hbm>>
      tpu.wait_indirect_dma semaphore(%arg13 : memref<!tpu.dma_semaphore, #tpu.memory_space<semaphore_mem>>) src(%dma_wait3A_523 : memref<256x32xf32, #tpu.memory_space<hbm>>) dst(%dma_wait3A_517 : memref<200x32xf32, #tpu.memory_space<vmem>>)
      %dma_wait3A_524 = arith.constant 0 : i32
      %dma_wait3A_525 = arith.constant 0 : i32
      %dma_wait3A_526 = arith.constant 3 : i32
      %dma_wait3A_527 = arith.constant 2 : i32
      %dma_wait3A_528 = arith.constant 0 : i32
      %dma_wait3A_529 = tpu.memref_slice %arg9[%dma_wait3A_525, %dma_wait3A_526, %dma_wait3A_527, %dma_wait3A_528] : memref<2x4x204x32xf32, #tpu.memory_space<vmem>> -> memref<1x1x200x32xf32, #tpu.memory_space<vmem>>
      %dma_wait3A_530 = tpu.memref_squeeze %dma_wait3A_529 : memref<1x1x200x32xf32, #tpu.memory_space<vmem>> -> memref<200x32xf32, #tpu.memory_space<vmem>>
      %dma_wait3A_531 = arith.constant 600 : i32
      %dma_wait3A_532 = tpu.memref_slice %arg8[%dma_wait3A_524, %dma_wait3A_531] : memref<2x800xi32, #tpu.memory_space<vmem>> -> memref<1x200xi32, #tpu.memory_space<vmem>>
      %dma_wait3A_533 = tpu.memref_squeeze %dma_wait3A_532 : memref<1x200xi32, #tpu.memory_space<vmem>> -> memref<200xi32, #tpu.memory_space<vmem>>
      %dma_wait3A_534 = arith.constant 0 : i32
      %dma_wait3A_535 = arith.constant 0 : i32
      %dma_wait3A_536 = tpu.memref_slice %arg4[%dma_wait3A_534, %dma_wait3A_535] : memref<256x32xf32, #tpu.memory_space<hbm>> -> memref<256x32xf32, #tpu.memory_space<hbm>>
      tpu.wait_indirect_dma semaphore(%arg13 : memref<!tpu.dma_semaphore, #tpu.memory_space<semaphore_mem>>) src(%dma_wait3A_536 : memref<256x32xf32, #tpu.memory_space<hbm>>) dst(%dma_wait3A_530 : memref<200x32xf32, #tpu.memory_space<vmem>>)
      %mul3A_537 = arith.constant 2 : i32
      %mul3A_538 = arith.muli %mul3A_537, %scan3A_317 : i32
      %mul3A_539 = arith.constant 512 : i32
      %mul3A_540 = arith.muli %add3A, %mul3A_539 : i32
      %mul3A_541 = arith.constant 4 : i32
      %mul3A_542 = arith.muli %mul3A_538, %mul3A_541 : i32
      %add3A_543 = arith.addi %mul3A_540, %mul3A_542 : i32
      %add3A_544 = arith.constant 0 : i32
      %add3A_545 = arith.addi %add3A_543, %add3A_544 : i32
      %mul3A_546 = arith.constant 204 : i32
      %mul3A_547 = arith.muli %add3A_545, %mul3A_546 : i32
      %dma_start3A_548 = arith.constant 0 : i32
      %dma_start3A_549 = arith.constant 0 : i32
      %dma_start3A_550 = arith.constant 0 : i32
      %dma_start3A_551 = arith.constant 0 : i32
      %dma_start3A_552 = tpu.memref_slice %arg9[%dma_start3A_548, %dma_start3A_549, %dma_start3A_550, %dma_start3A_551] : memref<2x4x204x32xf32, #tpu.memory_space<vmem>> -> memref<1x1x204x32xf32, #tpu.memory_space<vmem>>
      %dma_start3A_553 = tpu.memref_squeeze %dma_start3A_552 : memref<1x1x204x32xf32, #tpu.memory_space<vmem>> -> memref<204x32xf32, #tpu.memory_space<vmem>>
      %dma_start3A_554 = arith.constant 0 : i32
      %dma_start3A_555 = tpu.memref_slice %arg6[%mul3A_547, %dma_start3A_554] : memref<3342336x32xf32, #tpu.memory_space<hbm>> -> memref<204x32xf32, #tpu.memory_space<hbm>>
      %dma_start3A_556 = arith.constant 0 : i32
      %dma_start3A_557 = tpu.memref_slice %arg6[%mul3A_547, %dma_start3A_556] : memref<3342336x32xf32, #tpu.memory_space<hbm>> -> memref<204x32xf32, #tpu.memory_space<hbm>>
      %dma_start3A_558 = arith.constant 0 : i32
      %dma_start3A_559 = arith.constant 0 : i32
      %dma_start3A_560 = tpu.memref_slice %arg9[%dma_start3A_548, %dma_start3A_549, %dma_start3A_558, %dma_start3A_559] : memref<2x4x204x32xf32, #tpu.memory_space<vmem>> -> memref<1x1x204x32xf32, #tpu.memory_space<vmem>>
      %dma_start3A_561 = tpu.memref_squeeze %dma_start3A_560 : memref<1x1x204x32xf32, #tpu.memory_space<vmem>> -> memref<204x32xf32, #tpu.memory_space<vmem>>
      tpu.enqueue_dma source(%dma_start3A_561 : memref<204x32xf32, #tpu.memory_space<vmem>>) target(%dma_start3A_557 : memref<204x32xf32, #tpu.memory_space<hbm>>) target_semaphore(%arg15 : memref<!tpu.dma_semaphore, #tpu.memory_space<semaphore_mem>>)
      %add3A_562 = arith.constant 1 : i32
      %add3A_563 = arith.addi %add3A_543, %add3A_562 : i32
      %mul3A_564 = arith.constant 204 : i32
      %mul3A_565 = arith.muli %add3A_563, %mul3A_564 : i32
      %dma_start3A_566 = arith.constant 0 : i32
      %dma_start3A_567 = arith.constant 1 : i32
      %dma_start3A_568 = arith.constant 0 : i32
      %dma_start3A_569 = arith.constant 0 : i32
      %dma_start3A_570 = tpu.memref_slice %arg9[%dma_start3A_566, %dma_start3A_567, %dma_start3A_568, %dma_start3A_569] : memref<2x4x204x32xf32, #tpu.memory_space<vmem>> -> memref<1x1x204x32xf32, #tpu.memory_space<vmem>>
      %dma_start3A_571 = tpu.memref_squeeze %dma_start3A_570 : memref<1x1x204x32xf32, #tpu.memory_space<vmem>> -> memref<204x32xf32, #tpu.memory_space<vmem>>
      %dma_start3A_572 = arith.constant 0 : i32
      %dma_start3A_573 = tpu.memref_slice %arg6[%mul3A_565, %dma_start3A_572] : memref<3342336x32xf32, #tpu.memory_space<hbm>> -> memref<204x32xf32, #tpu.memory_space<hbm>>
      %dma_start3A_574 = arith.constant 0 : i32
      %dma_start3A_575 = tpu.memref_slice %arg6[%mul3A_565, %dma_start3A_574] : memref<3342336x32xf32, #tpu.memory_space<hbm>> -> memref<204x32xf32, #tpu.memory_space<hbm>>
      %dma_start3A_576 = arith.constant 0 : i32
      %dma_start3A_577 = arith.constant 0 : i32
      %dma_start3A_578 = tpu.memref_slice %arg9[%dma_start3A_566, %dma_start3A_567, %dma_start3A_576, %dma_start3A_577] : memref<2x4x204x32xf32, #tpu.memory_space<vmem>> -> memref<1x1x204x32xf32, #tpu.memory_space<vmem>>
      %dma_start3A_579 = tpu.memref_squeeze %dma_start3A_578 : memref<1x1x204x32xf32, #tpu.memory_space<vmem>> -> memref<204x32xf32, #tpu.memory_space<vmem>>
      tpu.enqueue_dma source(%dma_start3A_579 : memref<204x32xf32, #tpu.memory_space<vmem>>) target(%dma_start3A_575 : memref<204x32xf32, #tpu.memory_space<hbm>>) target_semaphore(%arg15 : memref<!tpu.dma_semaphore, #tpu.memory_space<semaphore_mem>>)
      %add3A_580 = arith.constant 2 : i32
      %add3A_581 = arith.addi %add3A_543, %add3A_580 : i32
      %mul3A_582 = arith.constant 204 : i32
      %mul3A_583 = arith.muli %add3A_581, %mul3A_582 : i32
      %dma_start3A_584 = arith.constant 0 : i32
      %dma_start3A_585 = arith.constant 2 : i32
      %dma_start3A_586 = arith.constant 0 : i32
      %dma_start3A_587 = arith.constant 0 : i32
      %dma_start3A_588 = tpu.memref_slice %arg9[%dma_start3A_584, %dma_start3A_585, %dma_start3A_586, %dma_start3A_587] : memref<2x4x204x32xf32, #tpu.memory_space<vmem>> -> memref<1x1x204x32xf32, #tpu.memory_space<vmem>>
      %dma_start3A_589 = tpu.memref_squeeze %dma_start3A_588 : memref<1x1x204x32xf32, #tpu.memory_space<vmem>> -> memref<204x32xf32, #tpu.memory_space<vmem>>
      %dma_start3A_590 = arith.constant 0 : i32
      %dma_start3A_591 = tpu.memref_slice %arg6[%mul3A_583, %dma_start3A_590] : memref<3342336x32xf32, #tpu.memory_space<hbm>> -> memref<204x32xf32, #tpu.memory_space<hbm>>
      %dma_start3A_592 = arith.constant 0 : i32
      %dma_start3A_593 = tpu.memref_slice %arg6[%mul3A_583, %dma_start3A_592] : memref<3342336x32xf32, #tpu.memory_space<hbm>> -> memref<204x32xf32, #tpu.memory_space<hbm>>
      %dma_start3A_594 = arith.constant 0 : i32
      %dma_start3A_595 = arith.constant 0 : i32
      %dma_start3A_596 = tpu.memref_slice %arg9[%dma_start3A_584, %dma_start3A_585, %dma_start3A_594, %dma_start3A_595] : memref<2x4x204x32xf32, #tpu.memory_space<vmem>> -> memref<1x1x204x32xf32, #tpu.memory_space<vmem>>
      %dma_start3A_597 = tpu.memref_squeeze %dma_start3A_596 : memref<1x1x204x32xf32, #tpu.memory_space<vmem>> -> memref<204x32xf32, #tpu.memory_space<vmem>>
      tpu.enqueue_dma source(%dma_start3A_597 : memref<204x32xf32, #tpu.memory_space<vmem>>) target(%dma_start3A_593 : memref<204x32xf32, #tpu.memory_space<hbm>>) target_semaphore(%arg15 : memref<!tpu.dma_semaphore, #tpu.memory_space<semaphore_mem>>)
      %add3A_598 = arith.constant 3 : i32
      %add3A_599 = arith.addi %add3A_543, %add3A_598 : i32
      %mul3A_600 = arith.constant 204 : i32
      %mul3A_601 = arith.muli %add3A_599, %mul3A_600 : i32
      %dma_start3A_602 = arith.constant 0 : i32
      %dma_start3A_603 = arith.constant 3 : i32
      %dma_start3A_604 = arith.constant 0 : i32
      %dma_start3A_605 = arith.constant 0 : i32
      %dma_start3A_606 = tpu.memref_slice %arg9[%dma_start3A_602, %dma_start3A_603, %dma_start3A_604, %dma_start3A_605] : memref<2x4x204x32xf32, #tpu.memory_space<vmem>> -> memref<1x1x204x32xf32, #tpu.memory_space<vmem>>
      %dma_start3A_607 = tpu.memref_squeeze %dma_start3A_606 : memref<1x1x204x32xf32, #tpu.memory_space<vmem>> -> memref<204x32xf32, #tpu.memory_space<vmem>>
      %dma_start3A_608 = arith.constant 0 : i32
      %dma_start3A_609 = tpu.memref_slice %arg6[%mul3A_601, %dma_start3A_608] : memref<3342336x32xf32, #tpu.memory_space<hbm>> -> memref<204x32xf32, #tpu.memory_space<hbm>>
      %dma_start3A_610 = arith.constant 0 : i32
      %dma_start3A_611 = tpu.memref_slice %arg6[%mul3A_601, %dma_start3A_610] : memref<3342336x32xf32, #tpu.memory_space<hbm>> -> memref<204x32xf32, #tpu.memory_space<hbm>>
      %dma_start3A_612 = arith.constant 0 : i32
      %dma_start3A_613 = arith.constant 0 : i32
      %dma_start3A_614 = tpu.memref_slice %arg9[%dma_start3A_602, %dma_start3A_603, %dma_start3A_612, %dma_start3A_613] : memref<2x4x204x32xf32, #tpu.memory_space<vmem>> -> memref<1x1x204x32xf32, #tpu.memory_space<vmem>>
      %dma_start3A_615 = tpu.memref_squeeze %dma_start3A_614 : memref<1x1x204x32xf32, #tpu.memory_space<vmem>> -> memref<204x32xf32, #tpu.memory_space<vmem>>
      tpu.enqueue_dma source(%dma_start3A_615 : memref<204x32xf32, #tpu.memory_space<vmem>>) target(%dma_start3A_611 : memref<204x32xf32, #tpu.memory_space<hbm>>) target_semaphore(%arg15 : memref<!tpu.dma_semaphore, #tpu.memory_space<semaphore_mem>>)
    }
    %scan3A_61 = arith.constant 64 : i32
    %dma_wait3A = arith.constant 1 : i32
    %dma_wait3A_62 = arith.constant 1 : i32
    %dma_wait3A_63 = arith.constant 0 : i32
    %dma_wait3A_64 = arith.constant 2 : i32
    %dma_wait3A_65 = arith.constant 0 : i32
    %dma_wait3A_66 = tpu.memref_slice %arg9[%dma_wait3A_62, %dma_wait3A_63, %dma_wait3A_64, %dma_wait3A_65] : memref<2x4x204x32xf32, #tpu.memory_space<vmem>> -> memref<1x1x200x32xf32, #tpu.memory_space<vmem>>
    %dma_wait3A_67 = tpu.memref_squeeze %dma_wait3A_66 : memref<1x1x200x32xf32, #tpu.memory_space<vmem>> -> memref<200x32xf32, #tpu.memory_space<vmem>>
    %dma_wait3A_68 = arith.constant 0 : i32
    %dma_wait3A_69 = tpu.memref_slice %arg8[%dma_wait3A, %dma_wait3A_68] : memref<2x800xi32, #tpu.memory_space<vmem>> -> memref<1x200xi32, #tpu.memory_space<vmem>>
    %dma_wait3A_70 = tpu.memref_squeeze %dma_wait3A_69 : memref<1x200xi32, #tpu.memory_space<vmem>> -> memref<200xi32, #tpu.memory_space<vmem>>
    %dma_wait3A_71 = arith.constant 0 : i32
    %dma_wait3A_72 = arith.constant 0 : i32
    %dma_wait3A_73 = tpu.memref_slice %arg4[%dma_wait3A_71, %dma_wait3A_72] : memref<256x32xf32, #tpu.memory_space<hbm>> -> memref<256x32xf32, #tpu.memory_space<hbm>>
    tpu.wait_indirect_dma semaphore(%arg14 : memref<!tpu.dma_semaphore, #tpu.memory_space<semaphore_mem>>) src(%dma_wait3A_73 : memref<256x32xf32, #tpu.memory_space<hbm>>) dst(%dma_wait3A_67 : memref<200x32xf32, #tpu.memory_space<vmem>>)
    %dma_wait3A_74 = arith.constant 1 : i32
    %dma_wait3A_75 = arith.constant 1 : i32
    %dma_wait3A_76 = arith.constant 1 : i32
    %dma_wait3A_77 = arith.constant 2 : i32
    %dma_wait3A_78 = arith.constant 0 : i32
    %dma_wait3A_79 = tpu.memref_slice %arg9[%dma_wait3A_75, %dma_wait3A_76, %dma_wait3A_77, %dma_wait3A_78] : memref<2x4x204x32xf32, #tpu.memory_space<vmem>> -> memref<1x1x200x32xf32, #tpu.memory_space<vmem>>
    %dma_wait3A_80 = tpu.memref_squeeze %dma_wait3A_79 : memref<1x1x200x32xf32, #tpu.memory_space<vmem>> -> memref<200x32xf32, #tpu.memory_space<vmem>>
    %dma_wait3A_81 = arith.constant 200 : i32
    %dma_wait3A_82 = tpu.memref_slice %arg8[%dma_wait3A_74, %dma_wait3A_81] : memref<2x800xi32, #tpu.memory_space<vmem>> -> memref<1x200xi32, #tpu.memory_space<vmem>>
    %dma_wait3A_83 = tpu.memref_squeeze %dma_wait3A_82 : memref<1x200xi32, #tpu.memory_space<vmem>> -> memref<200xi32, #tpu.memory_space<vmem>>
    %dma_wait3A_84 = arith.constant 0 : i32
    %dma_wait3A_85 = arith.constant 0 : i32
    %dma_wait3A_86 = tpu.memref_slice %arg4[%dma_wait3A_84, %dma_wait3A_85] : memref<256x32xf32, #tpu.memory_space<hbm>> -> memref<256x32xf32, #tpu.memory_space<hbm>>
    tpu.wait_indirect_dma semaphore(%arg14 : memref<!tpu.dma_semaphore, #tpu.memory_space<semaphore_mem>>) src(%dma_wait3A_86 : memref<256x32xf32, #tpu.memory_space<hbm>>) dst(%dma_wait3A_80 : memref<200x32xf32, #tpu.memory_space<vmem>>)
    %dma_wait3A_87 = arith.constant 1 : i32
    %dma_wait3A_88 = arith.constant 1 : i32
    %dma_wait3A_89 = arith.constant 2 : i32
    %dma_wait3A_90 = arith.constant 2 : i32
    %dma_wait3A_91 = arith.constant 0 : i32
    %dma_wait3A_92 = tpu.memref_slice %arg9[%dma_wait3A_88, %dma_wait3A_89, %dma_wait3A_90, %dma_wait3A_91] : memref<2x4x204x32xf32, #tpu.memory_space<vmem>> -> memref<1x1x200x32xf32, #tpu.memory_space<vmem>>
    %dma_wait3A_93 = tpu.memref_squeeze %dma_wait3A_92 : memref<1x1x200x32xf32, #tpu.memory_space<vmem>> -> memref<200x32xf32, #tpu.memory_space<vmem>>
    %dma_wait3A_94 = arith.constant 400 : i32
    %dma_wait3A_95 = tpu.memref_slice %arg8[%dma_wait3A_87, %dma_wait3A_94] : memref<2x800xi32, #tpu.memory_space<vmem>> -> memref<1x200xi32, #tpu.memory_space<vmem>>
    %dma_wait3A_96 = tpu.memref_squeeze %dma_wait3A_95 : memref<1x200xi32, #tpu.memory_space<vmem>> -> memref<200xi32, #tpu.memory_space<vmem>>
    %dma_wait3A_97 = arith.constant 0 : i32
    %dma_wait3A_98 = arith.constant 0 : i32
    %dma_wait3A_99 = tpu.memref_slice %arg4[%dma_wait3A_97, %dma_wait3A_98] : memref<256x32xf32, #tpu.memory_space<hbm>> -> memref<256x32xf32, #tpu.memory_space<hbm>>
    tpu.wait_indirect_dma semaphore(%arg14 : memref<!tpu.dma_semaphore, #tpu.memory_space<semaphore_mem>>) src(%dma_wait3A_99 : memref<256x32xf32, #tpu.memory_space<hbm>>) dst(%dma_wait3A_93 : memref<200x32xf32, #tpu.memory_space<vmem>>)
    %dma_wait3A_100 = arith.constant 1 : i32
    %dma_wait3A_101 = arith.constant 1 : i32
    %dma_wait3A_102 = arith.constant 3 : i32
    %dma_wait3A_103 = arith.constant 2 : i32
    %dma_wait3A_104 = arith.constant 0 : i32
    %dma_wait3A_105 = tpu.memref_slice %arg9[%dma_wait3A_101, %dma_wait3A_102, %dma_wait3A_103, %dma_wait3A_104] : memref<2x4x204x32xf32, #tpu.memory_space<vmem>> -> memref<1x1x200x32xf32, #tpu.memory_space<vmem>>
    %dma_wait3A_106 = tpu.memref_squeeze %dma_wait3A_105 : memref<1x1x200x32xf32, #tpu.memory_space<vmem>> -> memref<200x32xf32, #tpu.memory_space<vmem>>
    %dma_wait3A_107 = arith.constant 600 : i32
    %dma_wait3A_108 = tpu.memref_slice %arg8[%dma_wait3A_100, %dma_wait3A_107] : memref<2x800xi32, #tpu.memory_space<vmem>> -> memref<1x200xi32, #tpu.memory_space<vmem>>
    %dma_wait3A_109 = tpu.memref_squeeze %dma_wait3A_108 : memref<1x200xi32, #tpu.memory_space<vmem>> -> memref<200xi32, #tpu.memory_space<vmem>>
    %dma_wait3A_110 = arith.constant 0 : i32
    %dma_wait3A_111 = arith.constant 0 : i32
    %dma_wait3A_112 = tpu.memref_slice %arg4[%dma_wait3A_110, %dma_wait3A_111] : memref<256x32xf32, #tpu.memory_space<hbm>> -> memref<256x32xf32, #tpu.memory_space<hbm>>
    tpu.wait_indirect_dma semaphore(%arg14 : memref<!tpu.dma_semaphore, #tpu.memory_space<semaphore_mem>>) src(%dma_wait3A_112 : memref<256x32xf32, #tpu.memory_space<hbm>>) dst(%dma_wait3A_106 : memref<200x32xf32, #tpu.memory_space<vmem>>)
    %mul3A_113 = arith.constant 512 : i32
    %mul3A_114 = arith.muli %add3A, %mul3A_113 : i32
    %add3A_115 = arith.constant 508 : i32
    %add3A_116 = arith.addi %mul3A_114, %add3A_115 : i32
    %add3A_117 = arith.constant 0 : i32
    %add3A_118 = arith.addi %add3A_116, %add3A_117 : i32
    %mul3A_119 = arith.constant 204 : i32
    %mul3A_120 = arith.muli %add3A_118, %mul3A_119 : i32
    %dma_start3A_121 = arith.constant 1 : i32
    %dma_start3A_122 = arith.constant 0 : i32
    %dma_start3A_123 = arith.constant 0 : i32
    %dma_start3A_124 = arith.constant 0 : i32
    %dma_start3A_125 = tpu.memref_slice %arg9[%dma_start3A_121, %dma_start3A_122, %dma_start3A_123, %dma_start3A_124] : memref<2x4x204x32xf32, #tpu.memory_space<vmem>> -> memref<1x1x204x32xf32, #tpu.memory_space<vmem>>
    %dma_start3A_126 = tpu.memref_squeeze %dma_start3A_125 : memref<1x1x204x32xf32, #tpu.memory_space<vmem>> -> memref<204x32xf32, #tpu.memory_space<vmem>>
    %dma_start3A_127 = arith.constant 0 : i32
    %dma_start3A_128 = tpu.memref_slice %arg6[%mul3A_120, %dma_start3A_127] : memref<3342336x32xf32, #tpu.memory_space<hbm>> -> memref<204x32xf32, #tpu.memory_space<hbm>>
    %dma_start3A_129 = arith.constant 0 : i32
    %dma_start3A_130 = tpu.memref_slice %arg6[%mul3A_120, %dma_start3A_129] : memref<3342336x32xf32, #tpu.memory_space<hbm>> -> memref<204x32xf32, #tpu.memory_space<hbm>>
    %dma_start3A_131 = arith.constant 0 : i32
    %dma_start3A_132 = arith.constant 0 : i32
    %dma_start3A_133 = tpu.memref_slice %arg9[%dma_start3A_121, %dma_start3A_122, %dma_start3A_131, %dma_start3A_132] : memref<2x4x204x32xf32, #tpu.memory_space<vmem>> -> memref<1x1x204x32xf32, #tpu.memory_space<vmem>>
    %dma_start3A_134 = tpu.memref_squeeze %dma_start3A_133 : memref<1x1x204x32xf32, #tpu.memory_space<vmem>> -> memref<204x32xf32, #tpu.memory_space<vmem>>
    tpu.enqueue_dma source(%dma_start3A_134 : memref<204x32xf32, #tpu.memory_space<vmem>>) target(%dma_start3A_130 : memref<204x32xf32, #tpu.memory_space<hbm>>) target_semaphore(%arg16 : memref<!tpu.dma_semaphore, #tpu.memory_space<semaphore_mem>>)
    %add3A_135 = arith.constant 1 : i32
    %add3A_136 = arith.addi %add3A_116, %add3A_135 : i32
    %mul3A_137 = arith.constant 204 : i32
    %mul3A_138 = arith.muli %add3A_136, %mul3A_137 : i32
    %dma_start3A_139 = arith.constant 1 : i32
    %dma_start3A_140 = arith.constant 1 : i32
    %dma_start3A_141 = arith.constant 0 : i32
    %dma_start3A_142 = arith.constant 0 : i32
    %dma_start3A_143 = tpu.memref_slice %arg9[%dma_start3A_139, %dma_start3A_140, %dma_start3A_141, %dma_start3A_142] : memref<2x4x204x32xf32, #tpu.memory_space<vmem>> -> memref<1x1x204x32xf32, #tpu.memory_space<vmem>>
    %dma_start3A_144 = tpu.memref_squeeze %dma_start3A_143 : memref<1x1x204x32xf32, #tpu.memory_space<vmem>> -> memref<204x32xf32, #tpu.memory_space<vmem>>
    %dma_start3A_145 = arith.constant 0 : i32
    %dma_start3A_146 = tpu.memref_slice %arg6[%mul3A_138, %dma_start3A_145] : memref<3342336x32xf32, #tpu.memory_space<hbm>> -> memref<204x32xf32, #tpu.memory_space<hbm>>
    %dma_start3A_147 = arith.constant 0 : i32
    %dma_start3A_148 = tpu.memref_slice %arg6[%mul3A_138, %dma_start3A_147] : memref<3342336x32xf32, #tpu.memory_space<hbm>> -> memref<204x32xf32, #tpu.memory_space<hbm>>
    %dma_start3A_149 = arith.constant 0 : i32
    %dma_start3A_150 = arith.constant 0 : i32
    %dma_start3A_151 = tpu.memref_slice %arg9[%dma_start3A_139, %dma_start3A_140, %dma_start3A_149, %dma_start3A_150] : memref<2x4x204x32xf32, #tpu.memory_space<vmem>> -> memref<1x1x204x32xf32, #tpu.memory_space<vmem>>
    %dma_start3A_152 = tpu.memref_squeeze %dma_start3A_151 : memref<1x1x204x32xf32, #tpu.memory_space<vmem>> -> memref<204x32xf32, #tpu.memory_space<vmem>>
    tpu.enqueue_dma source(%dma_start3A_152 : memref<204x32xf32, #tpu.memory_space<vmem>>) target(%dma_start3A_148 : memref<204x32xf32, #tpu.memory_space<hbm>>) target_semaphore(%arg16 : memref<!tpu.dma_semaphore, #tpu.memory_space<semaphore_mem>>)
    %add3A_153 = arith.constant 2 : i32
    %add3A_154 = arith.addi %add3A_116, %add3A_153 : i32
    %mul3A_155 = arith.constant 204 : i32
    %mul3A_156 = arith.muli %add3A_154, %mul3A_155 : i32
    %dma_start3A_157 = arith.constant 1 : i32
    %dma_start3A_158 = arith.constant 2 : i32
    %dma_start3A_159 = arith.constant 0 : i32
    %dma_start3A_160 = arith.constant 0 : i32
    %dma_start3A_161 = tpu.memref_slice %arg9[%dma_start3A_157, %dma_start3A_158, %dma_start3A_159, %dma_start3A_160] : memref<2x4x204x32xf32, #tpu.memory_space<vmem>> -> memref<1x1x204x32xf32, #tpu.memory_space<vmem>>
    %dma_start3A_162 = tpu.memref_squeeze %dma_start3A_161 : memref<1x1x204x32xf32, #tpu.memory_space<vmem>> -> memref<204x32xf32, #tpu.memory_space<vmem>>
    %dma_start3A_163 = arith.constant 0 : i32
    %dma_start3A_164 = tpu.memref_slice %arg6[%mul3A_156, %dma_start3A_163] : memref<3342336x32xf32, #tpu.memory_space<hbm>> -> memref<204x32xf32, #tpu.memory_space<hbm>>
    %dma_start3A_165 = arith.constant 0 : i32
    %dma_start3A_166 = tpu.memref_slice %arg6[%mul3A_156, %dma_start3A_165] : memref<3342336x32xf32, #tpu.memory_space<hbm>> -> memref<204x32xf32, #tpu.memory_space<hbm>>
    %dma_start3A_167 = arith.constant 0 : i32
    %dma_start3A_168 = arith.constant 0 : i32
    %dma_start3A_169 = tpu.memref_slice %arg9[%dma_start3A_157, %dma_start3A_158, %dma_start3A_167, %dma_start3A_168] : memref<2x4x204x32xf32, #tpu.memory_space<vmem>> -> memref<1x1x204x32xf32, #tpu.memory_space<vmem>>
    %dma_start3A_170 = tpu.memref_squeeze %dma_start3A_169 : memref<1x1x204x32xf32, #tpu.memory_space<vmem>> -> memref<204x32xf32, #tpu.memory_space<vmem>>
    tpu.enqueue_dma source(%dma_start3A_170 : memref<204x32xf32, #tpu.memory_space<vmem>>) target(%dma_start3A_166 : memref<204x32xf32, #tpu.memory_space<hbm>>) target_semaphore(%arg16 : memref<!tpu.dma_semaphore, #tpu.memory_space<semaphore_mem>>)
    %add3A_171 = arith.constant 3 : i32
    %add3A_172 = arith.addi %add3A_116, %add3A_171 : i32
    %mul3A_173 = arith.constant 204 : i32
    %mul3A_174 = arith.muli %add3A_172, %mul3A_173 : i32
    %dma_start3A_175 = arith.constant 1 : i32
    %dma_start3A_176 = arith.constant 3 : i32
    %dma_start3A_177 = arith.constant 0 : i32
    %dma_start3A_178 = arith.constant 0 : i32
    %dma_start3A_179 = tpu.memref_slice %arg9[%dma_start3A_175, %dma_start3A_176, %dma_start3A_177, %dma_start3A_178] : memref<2x4x204x32xf32, #tpu.memory_space<vmem>> -> memref<1x1x204x32xf32, #tpu.memory_space<vmem>>
    %dma_start3A_180 = tpu.memref_squeeze %dma_start3A_179 : memref<1x1x204x32xf32, #tpu.memory_space<vmem>> -> memref<204x32xf32, #tpu.memory_space<vmem>>
    %dma_start3A_181 = arith.constant 0 : i32
    %dma_start3A_182 = tpu.memref_slice %arg6[%mul3A_174, %dma_start3A_181] : memref<3342336x32xf32, #tpu.memory_space<hbm>> -> memref<204x32xf32, #tpu.memory_space<hbm>>
    %dma_start3A_183 = arith.constant 0 : i32
    %dma_start3A_184 = tpu.memref_slice %arg6[%mul3A_174, %dma_start3A_183] : memref<3342336x32xf32, #tpu.memory_space<hbm>> -> memref<204x32xf32, #tpu.memory_space<hbm>>
    %dma_start3A_185 = arith.constant 0 : i32
    %dma_start3A_186 = arith.constant 0 : i32
    %dma_start3A_187 = tpu.memref_slice %arg9[%dma_start3A_175, %dma_start3A_176, %dma_start3A_185, %dma_start3A_186] : memref<2x4x204x32xf32, #tpu.memory_space<vmem>> -> memref<1x1x204x32xf32, #tpu.memory_space<vmem>>
    %dma_start3A_188 = tpu.memref_squeeze %dma_start3A_187 : memref<1x1x204x32xf32, #tpu.memory_space<vmem>> -> memref<204x32xf32, #tpu.memory_space<vmem>>
    tpu.enqueue_dma source(%dma_start3A_188 : memref<204x32xf32, #tpu.memory_space<vmem>>) target(%dma_start3A_184 : memref<204x32xf32, #tpu.memory_space<hbm>>) target_semaphore(%arg16 : memref<!tpu.dma_semaphore, #tpu.memory_space<semaphore_mem>>)
    %dma_wait3A_189 = arith.constant 0 : i32
    %dma_wait3A_190 = arith.constant 0 : i32
    %dma_wait3A_191 = arith.constant 0 : i32
    %dma_wait3A_192 = arith.constant 0 : i32
    %dma_wait3A_193 = tpu.memref_slice %arg9[%dma_wait3A_189, %dma_wait3A_190, %dma_wait3A_191, %dma_wait3A_192] : memref<2x4x204x32xf32, #tpu.memory_space<vmem>> -> memref<1x1x204x32xf32, #tpu.memory_space<vmem>>
    %dma_wait3A_194 = tpu.memref_squeeze %dma_wait3A_193 : memref<1x1x204x32xf32, #tpu.memory_space<vmem>> -> memref<204x32xf32, #tpu.memory_space<vmem>>
    %dma_wait3A_195 = arith.constant 0 : i32
    %dma_wait3A_196 = arith.constant 0 : i32
    %dma_wait3A_197 = tpu.memref_slice %arg6[%dma_wait3A_195, %dma_wait3A_196] : memref<3342336x32xf32, #tpu.memory_space<hbm>> -> memref<204x32xf32, #tpu.memory_space<hbm>>
    %dma_wait3A_198 = arith.constant 0 : i32
    %dma_wait3A_199 = arith.constant 0 : i32
    %dma_wait3A_200 = tpu.memref_slice %arg6[%dma_wait3A_198, %dma_wait3A_199] : memref<3342336x32xf32, #tpu.memory_space<hbm>> -> memref<204x32xf32, #tpu.memory_space<hbm>>
    %dma_wait3A_201 = arith.constant 0 : i32
    %dma_wait3A_202 = arith.constant 0 : i32
    %dma_wait3A_203 = tpu.memref_slice %arg9[%dma_wait3A_189, %dma_wait3A_190, %dma_wait3A_201, %dma_wait3A_202] : memref<2x4x204x32xf32, #tpu.memory_space<vmem>> -> memref<1x1x204x32xf32, #tpu.memory_space<vmem>>
    %dma_wait3A_204 = tpu.memref_squeeze %dma_wait3A_203 : memref<1x1x204x32xf32, #tpu.memory_space<vmem>> -> memref<204x32xf32, #tpu.memory_space<vmem>>
    tpu.wait_dma2 semaphore(%arg15 : memref<!tpu.dma_semaphore, #tpu.memory_space<semaphore_mem>>) src(%dma_wait3A_204 : memref<204x32xf32, #tpu.memory_space<vmem>>) dst(%dma_wait3A_200 : memref<204x32xf32, #tpu.memory_space<hbm>>)
    %dma_wait3A_205 = arith.constant 0 : i32
    %dma_wait3A_206 = arith.constant 1 : i32
    %dma_wait3A_207 = arith.constant 0 : i32
    %dma_wait3A_208 = arith.constant 0 : i32
    %dma_wait3A_209 = tpu.memref_slice %arg9[%dma_wait3A_205, %dma_wait3A_206, %dma_wait3A_207, %dma_wait3A_208] : memref<2x4x204x32xf32, #tpu.memory_space<vmem>> -> memref<1x1x204x32xf32, #tpu.memory_space<vmem>>
    %dma_wait3A_210 = tpu.memref_squeeze %dma_wait3A_209 : memref<1x1x204x32xf32, #tpu.memory_space<vmem>> -> memref<204x32xf32, #tpu.memory_space<vmem>>
    %dma_wait3A_211 = arith.constant 0 : i32
    %dma_wait3A_212 = arith.constant 0 : i32
    %dma_wait3A_213 = tpu.memref_slice %arg6[%dma_wait3A_211, %dma_wait3A_212] : memref<3342336x32xf32, #tpu.memory_space<hbm>> -> memref<204x32xf32, #tpu.memory_space<hbm>>
    %dma_wait3A_214 = arith.constant 0 : i32
    %dma_wait3A_215 = arith.constant 0 : i32
    %dma_wait3A_216 = tpu.memref_slice %arg6[%dma_wait3A_214, %dma_wait3A_215] : memref<3342336x32xf32, #tpu.memory_space<hbm>> -> memref<204x32xf32, #tpu.memory_space<hbm>>
    %dma_wait3A_217 = arith.constant 0 : i32
    %dma_wait3A_218 = arith.constant 0 : i32
    %dma_wait3A_219 = tpu.memref_slice %arg9[%dma_wait3A_205, %dma_wait3A_206, %dma_wait3A_217, %dma_wait3A_218] : memref<2x4x204x32xf32, #tpu.memory_space<vmem>> -> memref<1x1x204x32xf32, #tpu.memory_space<vmem>>
    %dma_wait3A_220 = tpu.memref_squeeze %dma_wait3A_219 : memref<1x1x204x32xf32, #tpu.memory_space<vmem>> -> memref<204x32xf32, #tpu.memory_space<vmem>>
    tpu.wait_dma2 semaphore(%arg15 : memref<!tpu.dma_semaphore, #tpu.memory_space<semaphore_mem>>) src(%dma_wait3A_220 : memref<204x32xf32, #tpu.memory_space<vmem>>) dst(%dma_wait3A_216 : memref<204x32xf32, #tpu.memory_space<hbm>>)
    %dma_wait3A_221 = arith.constant 0 : i32
    %dma_wait3A_222 = arith.constant 2 : i32
    %dma_wait3A_223 = arith.constant 0 : i32
    %dma_wait3A_224 = arith.constant 0 : i32
    %dma_wait3A_225 = tpu.memref_slice %arg9[%dma_wait3A_221, %dma_wait3A_222, %dma_wait3A_223, %dma_wait3A_224] : memref<2x4x204x32xf32, #tpu.memory_space<vmem>> -> memref<1x1x204x32xf32, #tpu.memory_space<vmem>>
    %dma_wait3A_226 = tpu.memref_squeeze %dma_wait3A_225 : memref<1x1x204x32xf32, #tpu.memory_space<vmem>> -> memref<204x32xf32, #tpu.memory_space<vmem>>
    %dma_wait3A_227 = arith.constant 0 : i32
    %dma_wait3A_228 = arith.constant 0 : i32
    %dma_wait3A_229 = tpu.memref_slice %arg6[%dma_wait3A_227, %dma_wait3A_228] : memref<3342336x32xf32, #tpu.memory_space<hbm>> -> memref<204x32xf32, #tpu.memory_space<hbm>>
    %dma_wait3A_230 = arith.constant 0 : i32
    %dma_wait3A_231 = arith.constant 0 : i32
    %dma_wait3A_232 = tpu.memref_slice %arg6[%dma_wait3A_230, %dma_wait3A_231] : memref<3342336x32xf32, #tpu.memory_space<hbm>> -> memref<204x32xf32, #tpu.memory_space<hbm>>
    %dma_wait3A_233 = arith.constant 0 : i32
    %dma_wait3A_234 = arith.constant 0 : i32
    %dma_wait3A_235 = tpu.memref_slice %arg9[%dma_wait3A_221, %dma_wait3A_222, %dma_wait3A_233, %dma_wait3A_234] : memref<2x4x204x32xf32, #tpu.memory_space<vmem>> -> memref<1x1x204x32xf32, #tpu.memory_space<vmem>>
    %dma_wait3A_236 = tpu.memref_squeeze %dma_wait3A_235 : memref<1x1x204x32xf32, #tpu.memory_space<vmem>> -> memref<204x32xf32, #tpu.memory_space<vmem>>
    tpu.wait_dma2 semaphore(%arg15 : memref<!tpu.dma_semaphore, #tpu.memory_space<semaphore_mem>>) src(%dma_wait3A_236 : memref<204x32xf32, #tpu.memory_space<vmem>>) dst(%dma_wait3A_232 : memref<204x32xf32, #tpu.memory_space<hbm>>)
    %dma_wait3A_237 = arith.constant 0 : i32
    %dma_wait3A_238 = arith.constant 3 : i32
    %dma_wait3A_239 = arith.constant 0 : i32
    %dma_wait3A_240 = arith.constant 0 : i32
    %dma_wait3A_241 = tpu.memref_slice %arg9[%dma_wait3A_237, %dma_wait3A_238, %dma_wait3A_239, %dma_wait3A_240] : memref<2x4x204x32xf32, #tpu.memory_space<vmem>> -> memref<1x1x204x32xf32, #tpu.memory_space<vmem>>
    %dma_wait3A_242 = tpu.memref_squeeze %dma_wait3A_241 : memref<1x1x204x32xf32, #tpu.memory_space<vmem>> -> memref<204x32xf32, #tpu.memory_space<vmem>>
    %dma_wait3A_243 = arith.constant 0 : i32
    %dma_wait3A_244 = arith.constant 0 : i32
    %dma_wait3A_245 = tpu.memref_slice %arg6[%dma_wait3A_243, %dma_wait3A_244] : memref<3342336x32xf32, #tpu.memory_space<hbm>> -> memref<204x32xf32, #tpu.memory_space<hbm>>
    %dma_wait3A_246 = arith.constant 0 : i32
    %dma_wait3A_247 = arith.constant 0 : i32
    %dma_wait3A_248 = tpu.memref_slice %arg6[%dma_wait3A_246, %dma_wait3A_247] : memref<3342336x32xf32, #tpu.memory_space<hbm>> -> memref<204x32xf32, #tpu.memory_space<hbm>>
    %dma_wait3A_249 = arith.constant 0 : i32
    %dma_wait3A_250 = arith.constant 0 : i32
    %dma_wait3A_251 = tpu.memref_slice %arg9[%dma_wait3A_237, %dma_wait3A_238, %dma_wait3A_249, %dma_wait3A_250] : memref<2x4x204x32xf32, #tpu.memory_space<vmem>> -> memref<1x1x204x32xf32, #tpu.memory_space<vmem>>
    %dma_wait3A_252 = tpu.memref_squeeze %dma_wait3A_251 : memref<1x1x204x32xf32, #tpu.memory_space<vmem>> -> memref<204x32xf32, #tpu.memory_space<vmem>>
    tpu.wait_dma2 semaphore(%arg15 : memref<!tpu.dma_semaphore, #tpu.memory_space<semaphore_mem>>) src(%dma_wait3A_252 : memref<204x32xf32, #tpu.memory_space<vmem>>) dst(%dma_wait3A_248 : memref<204x32xf32, #tpu.memory_space<hbm>>)
    %dma_wait3A_253 = arith.constant 1 : i32
    %dma_wait3A_254 = arith.constant 0 : i32
    %dma_wait3A_255 = arith.constant 0 : i32
    %dma_wait3A_256 = arith.constant 0 : i32
    %dma_wait3A_257 = tpu.memref_slice %arg9[%dma_wait3A_253, %dma_wait3A_254, %dma_wait3A_255, %dma_wait3A_256] : memref<2x4x204x32xf32, #tpu.memory_space<vmem>> -> memref<1x1x204x32xf32, #tpu.memory_space<vmem>>
    %dma_wait3A_258 = tpu.memref_squeeze %dma_wait3A_257 : memref<1x1x204x32xf32, #tpu.memory_space<vmem>> -> memref<204x32xf32, #tpu.memory_space<vmem>>
    %dma_wait3A_259 = arith.constant 0 : i32
    %dma_wait3A_260 = arith.constant 0 : i32
    %dma_wait3A_261 = tpu.memref_slice %arg6[%dma_wait3A_259, %dma_wait3A_260] : memref<3342336x32xf32, #tpu.memory_space<hbm>> -> memref<204x32xf32, #tpu.memory_space<hbm>>
    %dma_wait3A_262 = arith.constant 0 : i32
    %dma_wait3A_263 = arith.constant 0 : i32
    %dma_wait3A_264 = tpu.memref_slice %arg6[%dma_wait3A_262, %dma_wait3A_263] : memref<3342336x32xf32, #tpu.memory_space<hbm>> -> memref<204x32xf32, #tpu.memory_space<hbm>>
    %dma_wait3A_265 = arith.constant 0 : i32
    %dma_wait3A_266 = arith.constant 0 : i32
    %dma_wait3A_267 = tpu.memref_slice %arg9[%dma_wait3A_253, %dma_wait3A_254, %dma_wait3A_265, %dma_wait3A_266] : memref<2x4x204x32xf32, #tpu.memory_space<vmem>> -> memref<1x1x204x32xf32, #tpu.memory_space<vmem>>
    %dma_wait3A_268 = tpu.memref_squeeze %dma_wait3A_267 : memref<1x1x204x32xf32, #tpu.memory_space<vmem>> -> memref<204x32xf32, #tpu.memory_space<vmem>>
    tpu.wait_dma2 semaphore(%arg16 : memref<!tpu.dma_semaphore, #tpu.memory_space<semaphore_mem>>) src(%dma_wait3A_268 : memref<204x32xf32, #tpu.memory_space<vmem>>) dst(%dma_wait3A_264 : memref<204x32xf32, #tpu.memory_space<hbm>>)
    %dma_wait3A_269 = arith.constant 1 : i32
    %dma_wait3A_270 = arith.constant 1 : i32
    %dma_wait3A_271 = arith.constant 0 : i32
    %dma_wait3A_272 = arith.constant 0 : i32
    %dma_wait3A_273 = tpu.memref_slice %arg9[%dma_wait3A_269, %dma_wait3A_270, %dma_wait3A_271, %dma_wait3A_272] : memref<2x4x204x32xf32, #tpu.memory_space<vmem>> -> memref<1x1x204x32xf32, #tpu.memory_space<vmem>>
    %dma_wait3A_274 = tpu.memref_squeeze %dma_wait3A_273 : memref<1x1x204x32xf32, #tpu.memory_space<vmem>> -> memref<204x32xf32, #tpu.memory_space<vmem>>
    %dma_wait3A_275 = arith.constant 0 : i32
    %dma_wait3A_276 = arith.constant 0 : i32
    %dma_wait3A_277 = tpu.memref_slice %arg6[%dma_wait3A_275, %dma_wait3A_276] : memref<3342336x32xf32, #tpu.memory_space<hbm>> -> memref<204x32xf32, #tpu.memory_space<hbm>>
    %dma_wait3A_278 = arith.constant 0 : i32
    %dma_wait3A_279 = arith.constant 0 : i32
    %dma_wait3A_280 = tpu.memref_slice %arg6[%dma_wait3A_278, %dma_wait3A_279] : memref<3342336x32xf32, #tpu.memory_space<hbm>> -> memref<204x32xf32, #tpu.memory_space<hbm>>
    %dma_wait3A_281 = arith.constant 0 : i32
    %dma_wait3A_282 = arith.constant 0 : i32
    %dma_wait3A_283 = tpu.memref_slice %arg9[%dma_wait3A_269, %dma_wait3A_270, %dma_wait3A_281, %dma_wait3A_282] : memref<2x4x204x32xf32, #tpu.memory_space<vmem>> -> memref<1x1x204x32xf32, #tpu.memory_space<vmem>>
    %dma_wait3A_284 = tpu.memref_squeeze %dma_wait3A_283 : memref<1x1x204x32xf32, #tpu.memory_space<vmem>> -> memref<204x32xf32, #tpu.memory_space<vmem>>
    tpu.wait_dma2 semaphore(%arg16 : memref<!tpu.dma_semaphore, #tpu.memory_space<semaphore_mem>>) src(%dma_wait3A_284 : memref<204x32xf32, #tpu.memory_space<vmem>>) dst(%dma_wait3A_280 : memref<204x32xf32, #tpu.memory_space<hbm>>)
    %dma_wait3A_285 = arith.constant 1 : i32
    %dma_wait3A_286 = arith.constant 2 : i32
    %dma_wait3A_287 = arith.constant 0 : i32
    %dma_wait3A_288 = arith.constant 0 : i32
    %dma_wait3A_289 = tpu.memref_slice %arg9[%dma_wait3A_285, %dma_wait3A_286, %dma_wait3A_287, %dma_wait3A_288] : memref<2x4x204x32xf32, #tpu.memory_space<vmem>> -> memref<1x1x204x32xf32, #tpu.memory_space<vmem>>
    %dma_wait3A_290 = tpu.memref_squeeze %dma_wait3A_289 : memref<1x1x204x32xf32, #tpu.memory_space<vmem>> -> memref<204x32xf32, #tpu.memory_space<vmem>>
    %dma_wait3A_291 = arith.constant 0 : i32
    %dma_wait3A_292 = arith.constant 0 : i32
    %dma_wait3A_293 = tpu.memref_slice %arg6[%dma_wait3A_291, %dma_wait3A_292] : memref<3342336x32xf32, #tpu.memory_space<hbm>> -> memref<204x32xf32, #tpu.memory_space<hbm>>
    %dma_wait3A_294 = arith.constant 0 : i32
    %dma_wait3A_295 = arith.constant 0 : i32
    %dma_wait3A_296 = tpu.memref_slice %arg6[%dma_wait3A_294, %dma_wait3A_295] : memref<3342336x32xf32, #tpu.memory_space<hbm>> -> memref<204x32xf32, #tpu.memory_space<hbm>>
    %dma_wait3A_297 = arith.constant 0 : i32
    %dma_wait3A_298 = arith.constant 0 : i32
    %dma_wait3A_299 = tpu.memref_slice %arg9[%dma_wait3A_285, %dma_wait3A_286, %dma_wait3A_297, %dma_wait3A_298] : memref<2x4x204x32xf32, #tpu.memory_space<vmem>> -> memref<1x1x204x32xf32, #tpu.memory_space<vmem>>
    %dma_wait3A_300 = tpu.memref_squeeze %dma_wait3A_299 : memref<1x1x204x32xf32, #tpu.memory_space<vmem>> -> memref<204x32xf32, #tpu.memory_space<vmem>>
    tpu.wait_dma2 semaphore(%arg16 : memref<!tpu.dma_semaphore, #tpu.memory_space<semaphore_mem>>) src(%dma_wait3A_300 : memref<204x32xf32, #tpu.memory_space<vmem>>) dst(%dma_wait3A_296 : memref<204x32xf32, #tpu.memory_space<hbm>>)
    %dma_wait3A_301 = arith.constant 1 : i32
    %dma_wait3A_302 = arith.constant 3 : i32
    %dma_wait3A_303 = arith.constant 0 : i32
    %dma_wait3A_304 = arith.constant 0 : i32
    %dma_wait3A_305 = tpu.memref_slice %arg9[%dma_wait3A_301, %dma_wait3A_302, %dma_wait3A_303, %dma_wait3A_304] : memref<2x4x204x32xf32, #tpu.memory_space<vmem>> -> memref<1x1x204x32xf32, #tpu.memory_space<vmem>>
    %dma_wait3A_306 = tpu.memref_squeeze %dma_wait3A_305 : memref<1x1x204x32xf32, #tpu.memory_space<vmem>> -> memref<204x32xf32, #tpu.memory_space<vmem>>
    %dma_wait3A_307 = arith.constant 0 : i32
    %dma_wait3A_308 = arith.constant 0 : i32
    %dma_wait3A_309 = tpu.memref_slice %arg6[%dma_wait3A_307, %dma_wait3A_308] : memref<3342336x32xf32, #tpu.memory_space<hbm>> -> memref<204x32xf32, #tpu.memory_space<hbm>>
    %dma_wait3A_310 = arith.constant 0 : i32
    %dma_wait3A_311 = arith.constant 0 : i32
    %dma_wait3A_312 = tpu.memref_slice %arg6[%dma_wait3A_310, %dma_wait3A_311] : memref<3342336x32xf32, #tpu.memory_space<hbm>> -> memref<204x32xf32, #tpu.memory_space<hbm>>
    %dma_wait3A_313 = arith.constant 0 : i32
    %dma_wait3A_314 = arith.constant 0 : i32
    %dma_wait3A_315 = tpu.memref_slice %arg9[%dma_wait3A_301, %dma_wait3A_302, %dma_wait3A_313, %dma_wait3A_314] : memref<2x4x204x32xf32, #tpu.memory_space<vmem>> -> memref<1x1x204x32xf32, #tpu.memory_space<vmem>>
    %dma_wait3A_316 = tpu.memref_squeeze %dma_wait3A_315 : memref<1x1x204x32xf32, #tpu.memory_space<vmem>> -> memref<204x32xf32, #tpu.memory_space<vmem>>
    tpu.wait_dma2 semaphore(%arg16 : memref<!tpu.dma_semaphore, #tpu.memory_space<semaphore_mem>>) src(%dma_wait3A_316 : memref<204x32xf32, #tpu.memory_space<vmem>>) dst(%dma_wait3A_312 : memref<204x32xf32, #tpu.memory_space<hbm>>)
    return
  }
}

module attributes {stable_mosaic.version = 14 : i64} {
  func.func @_tc_conv_body(%arg0: i32, %arg1: memref<128x6528xf32, #tpu.memory_space<vmem>>, %arg2: memref<384x256xbf16, #tpu.memory_space<vmem>>, %arg3: memref<1x256xf32, #tpu.memory_space<vmem>>, %arg4: memref<128x6400xf32, #tpu.memory_space<vmem>>) attributes {dimension_semantics = [#tpu.dimension_semantics<arbitrary>], iteration_bounds = array<i64: 128>, scalar_prefetch = 0 : i64, scratch_operands = 0 : i64, tpu.core_type = #tpu.core_type<tc>, window_params = [{transform_indices = @transform_0, window_bounds = array<i64: 128, 6528>}, {pipeline_mode = #tpu.pipeline_mode<synchronous>, transform_indices = @transform_1, window_bounds = array<i64: 384, 256>}, {pipeline_mode = #tpu.pipeline_mode<synchronous>, transform_indices = @transform_2, window_bounds = array<i64: 1, 256>}, {transform_indices = @transform_3, window_bounds = array<i64: 128, 6400>}]} {
    %get3A = arith.constant 0 : index
    %get3A_0 = arith.constant 0 : index
    %get3A_1 = vector.load %arg2[%get3A, %get3A_0] : memref<384x256xbf16, #tpu.memory_space<vmem>>, vector<384x256xbf16>
    %get3A_2 = arith.constant 0 : index
    %get3A_3 = arith.constant 0 : index
    %get3A_4 = vector.load %arg3[%get3A_2, %get3A_3] : memref<1x256xf32, #tpu.memory_space<vmem>>, vector<1x256xf32>
    %get3A_5 = arith.constant 0 : index
    %get3A_6 = arith.constant 0 : index
    %get3A_7 = vector.load %arg1[%get3A_5, %get3A_6] : memref<128x6528xf32, #tpu.memory_space<vmem>>, vector<128x384xf32>
    %convert_element_type3A = arith.truncf %get3A_7 : vector<128x384xf32> to vector<128x384xbf16>
    %dot_general3A = arith.constant dense<0.000000e+00> : vector<128x256xf32>
    %dot_general3A_8 = tpu.matmul %convert_element_type3A, %get3A_1, %dot_general3A {dimension_numbers = #tpu.dot_dimension_numbers<[1], [0], [0], [1], [0, 0, 1, 1], [], []>, transpose_lhs_hint = false} : vector<128x384xbf16>, vector<384x256xbf16>, vector<128x256xf32> -> vector<128x256xf32>
    %add3A = vector.broadcast %get3A_4 : vector<1x256xf32> to vector<128x256xf32>
    %add3A_9 = arith.addf %dot_general3A_8, %add3A : vector<128x256xf32>
    %tanh3A = math.tanh %add3A_9 : vector<128x256xf32>
    %swap3A = arith.constant 0 : index
    %swap3A_10 = arith.constant 0 : index
    %swap3A_11 = vector.load %arg4[%swap3A, %swap3A_10] : memref<128x6400xf32, #tpu.memory_space<vmem>>, vector<128x256xf32>
    tpu.vector_store %arg4[%swap3A, %swap3A_10], %tanh3A {strides = array<i32>} : memref<128x6400xf32, #tpu.memory_space<vmem>>, vector<128x256xf32>,
    %get3A_12 = arith.constant 0 : index
    %get3A_13 = arith.constant 256 : index
    %get3A_14 = vector.load %arg1[%get3A_12, %get3A_13] : memref<128x6528xf32, #tpu.memory_space<vmem>>, vector<128x384xf32>
    %convert_element_type3A_15 = arith.truncf %get3A_14 : vector<128x384xf32> to vector<128x384xbf16>
    %dot_general3A_16 = arith.constant dense<0.000000e+00> : vector<128x256xf32>
    %dot_general3A_17 = tpu.matmul %convert_element_type3A_15, %get3A_1, %dot_general3A_16 {dimension_numbers = #tpu.dot_dimension_numbers<[1], [0], [0], [1], [0, 0, 1, 1], [], []>, transpose_lhs_hint = false} : vector<128x384xbf16>, vector<384x256xbf16>, vector<128x256xf32> -> vector<128x256xf32>
    %add3A_18 = vector.broadcast %get3A_4 : vector<1x256xf32> to vector<128x256xf32>
    %add3A_19 = arith.addf %dot_general3A_17, %add3A_18 : vector<128x256xf32>
    %tanh3A_20 = math.tanh %add3A_19 : vector<128x256xf32>
    %swap3A_21 = arith.constant 0 : index
    %swap3A_22 = arith.constant 256 : index
    %swap3A_23 = vector.load %arg4[%swap3A_21, %swap3A_22] : memref<128x6400xf32, #tpu.memory_space<vmem>>, vector<128x256xf32>
    tpu.vector_store %arg4[%swap3A_21, %swap3A_22], %tanh3A_20 {strides = array<i32>} : memref<128x6400xf32, #tpu.memory_space<vmem>>, vector<128x256xf32>,
    %get3A_24 = arith.constant 0 : index
    %get3A_25 = arith.constant 512 : index
    %get3A_26 = vector.load %arg1[%get3A_24, %get3A_25] : memref<128x6528xf32, #tpu.memory_space<vmem>>, vector<128x384xf32>
    %convert_element_type3A_27 = arith.truncf %get3A_26 : vector<128x384xf32> to vector<128x384xbf16>
    %dot_general3A_28 = arith.constant dense<0.000000e+00> : vector<128x256xf32>
    %dot_general3A_29 = tpu.matmul %convert_element_type3A_27, %get3A_1, %dot_general3A_28 {dimension_numbers = #tpu.dot_dimension_numbers<[1], [0], [0], [1], [0, 0, 1, 1], [], []>, transpose_lhs_hint = false} : vector<128x384xbf16>, vector<384x256xbf16>, vector<128x256xf32> -> vector<128x256xf32>
    %add3A_30 = vector.broadcast %get3A_4 : vector<1x256xf32> to vector<128x256xf32>
    %add3A_31 = arith.addf %dot_general3A_29, %add3A_30 : vector<128x256xf32>
    %tanh3A_32 = math.tanh %add3A_31 : vector<128x256xf32>
    %swap3A_33 = arith.constant 0 : index
    %swap3A_34 = arith.constant 512 : index
    %swap3A_35 = vector.load %arg4[%swap3A_33, %swap3A_34] : memref<128x6400xf32, #tpu.memory_space<vmem>>, vector<128x256xf32>
    tpu.vector_store %arg4[%swap3A_33, %swap3A_34], %tanh3A_32 {strides = array<i32>} : memref<128x6400xf32, #tpu.memory_space<vmem>>, vector<128x256xf32>,
    %get3A_36 = arith.constant 0 : index
    %get3A_37 = arith.constant 768 : index
    %get3A_38 = vector.load %arg1[%get3A_36, %get3A_37] : memref<128x6528xf32, #tpu.memory_space<vmem>>, vector<128x384xf32>
    %convert_element_type3A_39 = arith.truncf %get3A_38 : vector<128x384xf32> to vector<128x384xbf16>
    %dot_general3A_40 = arith.constant dense<0.000000e+00> : vector<128x256xf32>
    %dot_general3A_41 = tpu.matmul %convert_element_type3A_39, %get3A_1, %dot_general3A_40 {dimension_numbers = #tpu.dot_dimension_numbers<[1], [0], [0], [1], [0, 0, 1, 1], [], []>, transpose_lhs_hint = false} : vector<128x384xbf16>, vector<384x256xbf16>, vector<128x256xf32> -> vector<128x256xf32>
    %add3A_42 = vector.broadcast %get3A_4 : vector<1x256xf32> to vector<128x256xf32>
    %add3A_43 = arith.addf %dot_general3A_41, %add3A_42 : vector<128x256xf32>
    %tanh3A_44 = math.tanh %add3A_43 : vector<128x256xf32>
    %swap3A_45 = arith.constant 0 : index
    %swap3A_46 = arith.constant 768 : index
    %swap3A_47 = vector.load %arg4[%swap3A_45, %swap3A_46] : memref<128x6400xf32, #tpu.memory_space<vmem>>, vector<128x256xf32>
    tpu.vector_store %arg4[%swap3A_45, %swap3A_46], %tanh3A_44 {strides = array<i32>} : memref<128x6400xf32, #tpu.memory_space<vmem>>, vector<128x256xf32>,
    %get3A_48 = arith.constant 0 : index
    %get3A_49 = arith.constant 1024 : index
    %get3A_50 = vector.load %arg1[%get3A_48, %get3A_49] : memref<128x6528xf32, #tpu.memory_space<vmem>>, vector<128x384xf32>
    %convert_element_type3A_51 = arith.truncf %get3A_50 : vector<128x384xf32> to vector<128x384xbf16>
    %dot_general3A_52 = arith.constant dense<0.000000e+00> : vector<128x256xf32>
    %dot_general3A_53 = tpu.matmul %convert_element_type3A_51, %get3A_1, %dot_general3A_52 {dimension_numbers = #tpu.dot_dimension_numbers<[1], [0], [0], [1], [0, 0, 1, 1], [], []>, transpose_lhs_hint = false} : vector<128x384xbf16>, vector<384x256xbf16>, vector<128x256xf32> -> vector<128x256xf32>
    %add3A_54 = vector.broadcast %get3A_4 : vector<1x256xf32> to vector<128x256xf32>
    %add3A_55 = arith.addf %dot_general3A_53, %add3A_54 : vector<128x256xf32>
    %tanh3A_56 = math.tanh %add3A_55 : vector<128x256xf32>
    %swap3A_57 = arith.constant 0 : index
    %swap3A_58 = arith.constant 1024 : index
    %swap3A_59 = vector.load %arg4[%swap3A_57, %swap3A_58] : memref<128x6400xf32, #tpu.memory_space<vmem>>, vector<128x256xf32>
    tpu.vector_store %arg4[%swap3A_57, %swap3A_58], %tanh3A_56 {strides = array<i32>} : memref<128x6400xf32, #tpu.memory_space<vmem>>, vector<128x256xf32>,
    %get3A_60 = arith.constant 0 : index
    %get3A_61 = arith.constant 1280 : index
    %get3A_62 = vector.load %arg1[%get3A_60, %get3A_61] : memref<128x6528xf32, #tpu.memory_space<vmem>>, vector<128x384xf32>
    %convert_element_type3A_63 = arith.truncf %get3A_62 : vector<128x384xf32> to vector<128x384xbf16>
    %dot_general3A_64 = arith.constant dense<0.000000e+00> : vector<128x256xf32>
    %dot_general3A_65 = tpu.matmul %convert_element_type3A_63, %get3A_1, %dot_general3A_64 {dimension_numbers = #tpu.dot_dimension_numbers<[1], [0], [0], [1], [0, 0, 1, 1], [], []>, transpose_lhs_hint = false} : vector<128x384xbf16>, vector<384x256xbf16>, vector<128x256xf32> -> vector<128x256xf32>
    %add3A_66 = vector.broadcast %get3A_4 : vector<1x256xf32> to vector<128x256xf32>
    %add3A_67 = arith.addf %dot_general3A_65, %add3A_66 : vector<128x256xf32>
    %tanh3A_68 = math.tanh %add3A_67 : vector<128x256xf32>
    %swap3A_69 = arith.constant 0 : index
    %swap3A_70 = arith.constant 1280 : index
    %swap3A_71 = vector.load %arg4[%swap3A_69, %swap3A_70] : memref<128x6400xf32, #tpu.memory_space<vmem>>, vector<128x256xf32>
    tpu.vector_store %arg4[%swap3A_69, %swap3A_70], %tanh3A_68 {strides = array<i32>} : memref<128x6400xf32, #tpu.memory_space<vmem>>, vector<128x256xf32>,
    %get3A_72 = arith.constant 0 : index
    %get3A_73 = arith.constant 1536 : index
    %get3A_74 = vector.load %arg1[%get3A_72, %get3A_73] : memref<128x6528xf32, #tpu.memory_space<vmem>>, vector<128x384xf32>
    %convert_element_type3A_75 = arith.truncf %get3A_74 : vector<128x384xf32> to vector<128x384xbf16>
    %dot_general3A_76 = arith.constant dense<0.000000e+00> : vector<128x256xf32>
    %dot_general3A_77 = tpu.matmul %convert_element_type3A_75, %get3A_1, %dot_general3A_76 {dimension_numbers = #tpu.dot_dimension_numbers<[1], [0], [0], [1], [0, 0, 1, 1], [], []>, transpose_lhs_hint = false} : vector<128x384xbf16>, vector<384x256xbf16>, vector<128x256xf32> -> vector<128x256xf32>
    %add3A_78 = vector.broadcast %get3A_4 : vector<1x256xf32> to vector<128x256xf32>
    %add3A_79 = arith.addf %dot_general3A_77, %add3A_78 : vector<128x256xf32>
    %tanh3A_80 = math.tanh %add3A_79 : vector<128x256xf32>
    %swap3A_81 = arith.constant 0 : index
    %swap3A_82 = arith.constant 1536 : index
    %swap3A_83 = vector.load %arg4[%swap3A_81, %swap3A_82] : memref<128x6400xf32, #tpu.memory_space<vmem>>, vector<128x256xf32>
    tpu.vector_store %arg4[%swap3A_81, %swap3A_82], %tanh3A_80 {strides = array<i32>} : memref<128x6400xf32, #tpu.memory_space<vmem>>, vector<128x256xf32>,
    %get3A_84 = arith.constant 0 : index
    %get3A_85 = arith.constant 1792 : index
    %get3A_86 = vector.load %arg1[%get3A_84, %get3A_85] : memref<128x6528xf32, #tpu.memory_space<vmem>>, vector<128x384xf32>
    %convert_element_type3A_87 = arith.truncf %get3A_86 : vector<128x384xf32> to vector<128x384xbf16>
    %dot_general3A_88 = arith.constant dense<0.000000e+00> : vector<128x256xf32>
    %dot_general3A_89 = tpu.matmul %convert_element_type3A_87, %get3A_1, %dot_general3A_88 {dimension_numbers = #tpu.dot_dimension_numbers<[1], [0], [0], [1], [0, 0, 1, 1], [], []>, transpose_lhs_hint = false} : vector<128x384xbf16>, vector<384x256xbf16>, vector<128x256xf32> -> vector<128x256xf32>
    %add3A_90 = vector.broadcast %get3A_4 : vector<1x256xf32> to vector<128x256xf32>
    %add3A_91 = arith.addf %dot_general3A_89, %add3A_90 : vector<128x256xf32>
    %tanh3A_92 = math.tanh %add3A_91 : vector<128x256xf32>
    %swap3A_93 = arith.constant 0 : index
    %swap3A_94 = arith.constant 1792 : index
    %swap3A_95 = vector.load %arg4[%swap3A_93, %swap3A_94] : memref<128x6400xf32, #tpu.memory_space<vmem>>, vector<128x256xf32>
    tpu.vector_store %arg4[%swap3A_93, %swap3A_94], %tanh3A_92 {strides = array<i32>} : memref<128x6400xf32, #tpu.memory_space<vmem>>, vector<128x256xf32>,
    %get3A_96 = arith.constant 0 : index
    %get3A_97 = arith.constant 2048 : index
    %get3A_98 = vector.load %arg1[%get3A_96, %get3A_97] : memref<128x6528xf32, #tpu.memory_space<vmem>>, vector<128x384xf32>
    %convert_element_type3A_99 = arith.truncf %get3A_98 : vector<128x384xf32> to vector<128x384xbf16>
    %dot_general3A_100 = arith.constant dense<0.000000e+00> : vector<128x256xf32>
    %dot_general3A_101 = tpu.matmul %convert_element_type3A_99, %get3A_1, %dot_general3A_100 {dimension_numbers = #tpu.dot_dimension_numbers<[1], [0], [0], [1], [0, 0, 1, 1], [], []>, transpose_lhs_hint = false} : vector<128x384xbf16>, vector<384x256xbf16>, vector<128x256xf32> -> vector<128x256xf32>
    %add3A_102 = vector.broadcast %get3A_4 : vector<1x256xf32> to vector<128x256xf32>
    %add3A_103 = arith.addf %dot_general3A_101, %add3A_102 : vector<128x256xf32>
    %tanh3A_104 = math.tanh %add3A_103 : vector<128x256xf32>
    %swap3A_105 = arith.constant 0 : index
    %swap3A_106 = arith.constant 2048 : index
    %swap3A_107 = vector.load %arg4[%swap3A_105, %swap3A_106] : memref<128x6400xf32, #tpu.memory_space<vmem>>, vector<128x256xf32>
    tpu.vector_store %arg4[%swap3A_105, %swap3A_106], %tanh3A_104 {strides = array<i32>} : memref<128x6400xf32, #tpu.memory_space<vmem>>, vector<128x256xf32>,
    %get3A_108 = arith.constant 0 : index
    %get3A_109 = arith.constant 2304 : index
    %get3A_110 = vector.load %arg1[%get3A_108, %get3A_109] : memref<128x6528xf32, #tpu.memory_space<vmem>>, vector<128x384xf32>
    %convert_element_type3A_111 = arith.truncf %get3A_110 : vector<128x384xf32> to vector<128x384xbf16>
    %dot_general3A_112 = arith.constant dense<0.000000e+00> : vector<128x256xf32>
    %dot_general3A_113 = tpu.matmul %convert_element_type3A_111, %get3A_1, %dot_general3A_112 {dimension_numbers = #tpu.dot_dimension_numbers<[1], [0], [0], [1], [0, 0, 1, 1], [], []>, transpose_lhs_hint = false} : vector<128x384xbf16>, vector<384x256xbf16>, vector<128x256xf32> -> vector<128x256xf32>
    %add3A_114 = vector.broadcast %get3A_4 : vector<1x256xf32> to vector<128x256xf32>
    %add3A_115 = arith.addf %dot_general3A_113, %add3A_114 : vector<128x256xf32>
    %tanh3A_116 = math.tanh %add3A_115 : vector<128x256xf32>
    %swap3A_117 = arith.constant 0 : index
    %swap3A_118 = arith.constant 2304 : index
    %swap3A_119 = vector.load %arg4[%swap3A_117, %swap3A_118] : memref<128x6400xf32, #tpu.memory_space<vmem>>, vector<128x256xf32>
    tpu.vector_store %arg4[%swap3A_117, %swap3A_118], %tanh3A_116 {strides = array<i32>} : memref<128x6400xf32, #tpu.memory_space<vmem>>, vector<128x256xf32>,
    %get3A_120 = arith.constant 0 : index
    %get3A_121 = arith.constant 2560 : index
    %get3A_122 = vector.load %arg1[%get3A_120, %get3A_121] : memref<128x6528xf32, #tpu.memory_space<vmem>>, vector<128x384xf32>
    %convert_element_type3A_123 = arith.truncf %get3A_122 : vector<128x384xf32> to vector<128x384xbf16>
    %dot_general3A_124 = arith.constant dense<0.000000e+00> : vector<128x256xf32>
    %dot_general3A_125 = tpu.matmul %convert_element_type3A_123, %get3A_1, %dot_general3A_124 {dimension_numbers = #tpu.dot_dimension_numbers<[1], [0], [0], [1], [0, 0, 1, 1], [], []>, transpose_lhs_hint = false} : vector<128x384xbf16>, vector<384x256xbf16>, vector<128x256xf32> -> vector<128x256xf32>
    %add3A_126 = vector.broadcast %get3A_4 : vector<1x256xf32> to vector<128x256xf32>
    %add3A_127 = arith.addf %dot_general3A_125, %add3A_126 : vector<128x256xf32>
    %tanh3A_128 = math.tanh %add3A_127 : vector<128x256xf32>
    %swap3A_129 = arith.constant 0 : index
    %swap3A_130 = arith.constant 2560 : index
    %swap3A_131 = vector.load %arg4[%swap3A_129, %swap3A_130] : memref<128x6400xf32, #tpu.memory_space<vmem>>, vector<128x256xf32>
    tpu.vector_store %arg4[%swap3A_129, %swap3A_130], %tanh3A_128 {strides = array<i32>} : memref<128x6400xf32, #tpu.memory_space<vmem>>, vector<128x256xf32>,
    %get3A_132 = arith.constant 0 : index
    %get3A_133 = arith.constant 2816 : index
    %get3A_134 = vector.load %arg1[%get3A_132, %get3A_133] : memref<128x6528xf32, #tpu.memory_space<vmem>>, vector<128x384xf32>
    %convert_element_type3A_135 = arith.truncf %get3A_134 : vector<128x384xf32> to vector<128x384xbf16>
    %dot_general3A_136 = arith.constant dense<0.000000e+00> : vector<128x256xf32>
    %dot_general3A_137 = tpu.matmul %convert_element_type3A_135, %get3A_1, %dot_general3A_136 {dimension_numbers = #tpu.dot_dimension_numbers<[1], [0], [0], [1], [0, 0, 1, 1], [], []>, transpose_lhs_hint = false} : vector<128x384xbf16>, vector<384x256xbf16>, vector<128x256xf32> -> vector<128x256xf32>
    %add3A_138 = vector.broadcast %get3A_4 : vector<1x256xf32> to vector<128x256xf32>
    %add3A_139 = arith.addf %dot_general3A_137, %add3A_138 : vector<128x256xf32>
    %tanh3A_140 = math.tanh %add3A_139 : vector<128x256xf32>
    %swap3A_141 = arith.constant 0 : index
    %swap3A_142 = arith.constant 2816 : index
    %swap3A_143 = vector.load %arg4[%swap3A_141, %swap3A_142] : memref<128x6400xf32, #tpu.memory_space<vmem>>, vector<128x256xf32>
    tpu.vector_store %arg4[%swap3A_141, %swap3A_142], %tanh3A_140 {strides = array<i32>} : memref<128x6400xf32, #tpu.memory_space<vmem>>, vector<128x256xf32>,
    %get3A_144 = arith.constant 0 : index
    %get3A_145 = arith.constant 3072 : index
    %get3A_146 = vector.load %arg1[%get3A_144, %get3A_145] : memref<128x6528xf32, #tpu.memory_space<vmem>>, vector<128x384xf32>
    %convert_element_type3A_147 = arith.truncf %get3A_146 : vector<128x384xf32> to vector<128x384xbf16>
    %dot_general3A_148 = arith.constant dense<0.000000e+00> : vector<128x256xf32>
    %dot_general3A_149 = tpu.matmul %convert_element_type3A_147, %get3A_1, %dot_general3A_148 {dimension_numbers = #tpu.dot_dimension_numbers<[1], [0], [0], [1], [0, 0, 1, 1], [], []>, transpose_lhs_hint = false} : vector<128x384xbf16>, vector<384x256xbf16>, vector<128x256xf32> -> vector<128x256xf32>
    %add3A_150 = vector.broadcast %get3A_4 : vector<1x256xf32> to vector<128x256xf32>
    %add3A_151 = arith.addf %dot_general3A_149, %add3A_150 : vector<128x256xf32>
    %tanh3A_152 = math.tanh %add3A_151 : vector<128x256xf32>
    %swap3A_153 = arith.constant 0 : index
    %swap3A_154 = arith.constant 3072 : index
    %swap3A_155 = vector.load %arg4[%swap3A_153, %swap3A_154] : memref<128x6400xf32, #tpu.memory_space<vmem>>, vector<128x256xf32>
    tpu.vector_store %arg4[%swap3A_153, %swap3A_154], %tanh3A_152 {strides = array<i32>} : memref<128x6400xf32, #tpu.memory_space<vmem>>, vector<128x256xf32>,
    %get3A_156 = arith.constant 0 : index
    %get3A_157 = arith.constant 3328 : index
    %get3A_158 = vector.load %arg1[%get3A_156, %get3A_157] : memref<128x6528xf32, #tpu.memory_space<vmem>>, vector<128x384xf32>
    %convert_element_type3A_159 = arith.truncf %get3A_158 : vector<128x384xf32> to vector<128x384xbf16>
    %dot_general3A_160 = arith.constant dense<0.000000e+00> : vector<128x256xf32>
    %dot_general3A_161 = tpu.matmul %convert_element_type3A_159, %get3A_1, %dot_general3A_160 {dimension_numbers = #tpu.dot_dimension_numbers<[1], [0], [0], [1], [0, 0, 1, 1], [], []>, transpose_lhs_hint = false} : vector<128x384xbf16>, vector<384x256xbf16>, vector<128x256xf32> -> vector<128x256xf32>
    %add3A_162 = vector.broadcast %get3A_4 : vector<1x256xf32> to vector<128x256xf32>
    %add3A_163 = arith.addf %dot_general3A_161, %add3A_162 : vector<128x256xf32>
    %tanh3A_164 = math.tanh %add3A_163 : vector<128x256xf32>
    %swap3A_165 = arith.constant 0 : index
    %swap3A_166 = arith.constant 3328 : index
    %swap3A_167 = vector.load %arg4[%swap3A_165, %swap3A_166] : memref<128x6400xf32, #tpu.memory_space<vmem>>, vector<128x256xf32>
    tpu.vector_store %arg4[%swap3A_165, %swap3A_166], %tanh3A_164 {strides = array<i32>} : memref<128x6400xf32, #tpu.memory_space<vmem>>, vector<128x256xf32>,
    %get3A_168 = arith.constant 0 : index
    %get3A_169 = arith.constant 3584 : index
    %get3A_170 = vector.load %arg1[%get3A_168, %get3A_169] : memref<128x6528xf32, #tpu.memory_space<vmem>>, vector<128x384xf32>
    %convert_element_type3A_171 = arith.truncf %get3A_170 : vector<128x384xf32> to vector<128x384xbf16>
    %dot_general3A_172 = arith.constant dense<0.000000e+00> : vector<128x256xf32>
    %dot_general3A_173 = tpu.matmul %convert_element_type3A_171, %get3A_1, %dot_general3A_172 {dimension_numbers = #tpu.dot_dimension_numbers<[1], [0], [0], [1], [0, 0, 1, 1], [], []>, transpose_lhs_hint = false} : vector<128x384xbf16>, vector<384x256xbf16>, vector<128x256xf32> -> vector<128x256xf32>
    %add3A_174 = vector.broadcast %get3A_4 : vector<1x256xf32> to vector<128x256xf32>
    %add3A_175 = arith.addf %dot_general3A_173, %add3A_174 : vector<128x256xf32>
    %tanh3A_176 = math.tanh %add3A_175 : vector<128x256xf32>
    %swap3A_177 = arith.constant 0 : index
    %swap3A_178 = arith.constant 3584 : index
    %swap3A_179 = vector.load %arg4[%swap3A_177, %swap3A_178] : memref<128x6400xf32, #tpu.memory_space<vmem>>, vector<128x256xf32>
    tpu.vector_store %arg4[%swap3A_177, %swap3A_178], %tanh3A_176 {strides = array<i32>} : memref<128x6400xf32, #tpu.memory_space<vmem>>, vector<128x256xf32>,
    %get3A_180 = arith.constant 0 : index
    %get3A_181 = arith.constant 3840 : index
    %get3A_182 = vector.load %arg1[%get3A_180, %get3A_181] : memref<128x6528xf32, #tpu.memory_space<vmem>>, vector<128x384xf32>
    %convert_element_type3A_183 = arith.truncf %get3A_182 : vector<128x384xf32> to vector<128x384xbf16>
    %dot_general3A_184 = arith.constant dense<0.000000e+00> : vector<128x256xf32>
    %dot_general3A_185 = tpu.matmul %convert_element_type3A_183, %get3A_1, %dot_general3A_184 {dimension_numbers = #tpu.dot_dimension_numbers<[1], [0], [0], [1], [0, 0, 1, 1], [], []>, transpose_lhs_hint = false} : vector<128x384xbf16>, vector<384x256xbf16>, vector<128x256xf32> -> vector<128x256xf32>
    %add3A_186 = vector.broadcast %get3A_4 : vector<1x256xf32> to vector<128x256xf32>
    %add3A_187 = arith.addf %dot_general3A_185, %add3A_186 : vector<128x256xf32>
    %tanh3A_188 = math.tanh %add3A_187 : vector<128x256xf32>
    %swap3A_189 = arith.constant 0 : index
    %swap3A_190 = arith.constant 3840 : index
    %swap3A_191 = vector.load %arg4[%swap3A_189, %swap3A_190] : memref<128x6400xf32, #tpu.memory_space<vmem>>, vector<128x256xf32>
    tpu.vector_store %arg4[%swap3A_189, %swap3A_190], %tanh3A_188 {strides = array<i32>} : memref<128x6400xf32, #tpu.memory_space<vmem>>, vector<128x256xf32>,
    %get3A_192 = arith.constant 0 : index
    %get3A_193 = arith.constant 4096 : index
    %get3A_194 = vector.load %arg1[%get3A_192, %get3A_193] : memref<128x6528xf32, #tpu.memory_space<vmem>>, vector<128x384xf32>
    %convert_element_type3A_195 = arith.truncf %get3A_194 : vector<128x384xf32> to vector<128x384xbf16>
    %dot_general3A_196 = arith.constant dense<0.000000e+00> : vector<128x256xf32>
    %dot_general3A_197 = tpu.matmul %convert_element_type3A_195, %get3A_1, %dot_general3A_196 {dimension_numbers = #tpu.dot_dimension_numbers<[1], [0], [0], [1], [0, 0, 1, 1], [], []>, transpose_lhs_hint = false} : vector<128x384xbf16>, vector<384x256xbf16>, vector<128x256xf32> -> vector<128x256xf32>
    %add3A_198 = vector.broadcast %get3A_4 : vector<1x256xf32> to vector<128x256xf32>
    %add3A_199 = arith.addf %dot_general3A_197, %add3A_198 : vector<128x256xf32>
    %tanh3A_200 = math.tanh %add3A_199 : vector<128x256xf32>
    %swap3A_201 = arith.constant 0 : index
    %swap3A_202 = arith.constant 4096 : index
    %swap3A_203 = vector.load %arg4[%swap3A_201, %swap3A_202] : memref<128x6400xf32, #tpu.memory_space<vmem>>, vector<128x256xf32>
    tpu.vector_store %arg4[%swap3A_201, %swap3A_202], %tanh3A_200 {strides = array<i32>} : memref<128x6400xf32, #tpu.memory_space<vmem>>, vector<128x256xf32>,
    %get3A_204 = arith.constant 0 : index
    %get3A_205 = arith.constant 4352 : index
    %get3A_206 = vector.load %arg1[%get3A_204, %get3A_205] : memref<128x6528xf32, #tpu.memory_space<vmem>>, vector<128x384xf32>
    %convert_element_type3A_207 = arith.truncf %get3A_206 : vector<128x384xf32> to vector<128x384xbf16>
    %dot_general3A_208 = arith.constant dense<0.000000e+00> : vector<128x256xf32>
    %dot_general3A_209 = tpu.matmul %convert_element_type3A_207, %get3A_1, %dot_general3A_208 {dimension_numbers = #tpu.dot_dimension_numbers<[1], [0], [0], [1], [0, 0, 1, 1], [], []>, transpose_lhs_hint = false} : vector<128x384xbf16>, vector<384x256xbf16>, vector<128x256xf32> -> vector<128x256xf32>
    %add3A_210 = vector.broadcast %get3A_4 : vector<1x256xf32> to vector<128x256xf32>
    %add3A_211 = arith.addf %dot_general3A_209, %add3A_210 : vector<128x256xf32>
    %tanh3A_212 = math.tanh %add3A_211 : vector<128x256xf32>
    %swap3A_213 = arith.constant 0 : index
    %swap3A_214 = arith.constant 4352 : index
    %swap3A_215 = vector.load %arg4[%swap3A_213, %swap3A_214] : memref<128x6400xf32, #tpu.memory_space<vmem>>, vector<128x256xf32>
    tpu.vector_store %arg4[%swap3A_213, %swap3A_214], %tanh3A_212 {strides = array<i32>} : memref<128x6400xf32, #tpu.memory_space<vmem>>, vector<128x256xf32>,
    %get3A_216 = arith.constant 0 : index
    %get3A_217 = arith.constant 4608 : index
    %get3A_218 = vector.load %arg1[%get3A_216, %get3A_217] : memref<128x6528xf32, #tpu.memory_space<vmem>>, vector<128x384xf32>
    %convert_element_type3A_219 = arith.truncf %get3A_218 : vector<128x384xf32> to vector<128x384xbf16>
    %dot_general3A_220 = arith.constant dense<0.000000e+00> : vector<128x256xf32>
    %dot_general3A_221 = tpu.matmul %convert_element_type3A_219, %get3A_1, %dot_general3A_220 {dimension_numbers = #tpu.dot_dimension_numbers<[1], [0], [0], [1], [0, 0, 1, 1], [], []>, transpose_lhs_hint = false} : vector<128x384xbf16>, vector<384x256xbf16>, vector<128x256xf32> -> vector<128x256xf32>
    %add3A_222 = vector.broadcast %get3A_4 : vector<1x256xf32> to vector<128x256xf32>
    %add3A_223 = arith.addf %dot_general3A_221, %add3A_222 : vector<128x256xf32>
    %tanh3A_224 = math.tanh %add3A_223 : vector<128x256xf32>
    %swap3A_225 = arith.constant 0 : index
    %swap3A_226 = arith.constant 4608 : index
    %swap3A_227 = vector.load %arg4[%swap3A_225, %swap3A_226] : memref<128x6400xf32, #tpu.memory_space<vmem>>, vector<128x256xf32>
    tpu.vector_store %arg4[%swap3A_225, %swap3A_226], %tanh3A_224 {strides = array<i32>} : memref<128x6400xf32, #tpu.memory_space<vmem>>, vector<128x256xf32>,
    %get3A_228 = arith.constant 0 : index
    %get3A_229 = arith.constant 4864 : index
    %get3A_230 = vector.load %arg1[%get3A_228, %get3A_229] : memref<128x6528xf32, #tpu.memory_space<vmem>>, vector<128x384xf32>
    %convert_element_type3A_231 = arith.truncf %get3A_230 : vector<128x384xf32> to vector<128x384xbf16>
    %dot_general3A_232 = arith.constant dense<0.000000e+00> : vector<128x256xf32>
    %dot_general3A_233 = tpu.matmul %convert_element_type3A_231, %get3A_1, %dot_general3A_232 {dimension_numbers = #tpu.dot_dimension_numbers<[1], [0], [0], [1], [0, 0, 1, 1], [], []>, transpose_lhs_hint = false} : vector<128x384xbf16>, vector<384x256xbf16>, vector<128x256xf32> -> vector<128x256xf32>
    %add3A_234 = vector.broadcast %get3A_4 : vector<1x256xf32> to vector<128x256xf32>
    %add3A_235 = arith.addf %dot_general3A_233, %add3A_234 : vector<128x256xf32>
    %tanh3A_236 = math.tanh %add3A_235 : vector<128x256xf32>
    %swap3A_237 = arith.constant 0 : index
    %swap3A_238 = arith.constant 4864 : index
    %swap3A_239 = vector.load %arg4[%swap3A_237, %swap3A_238] : memref<128x6400xf32, #tpu.memory_space<vmem>>, vector<128x256xf32>
    tpu.vector_store %arg4[%swap3A_237, %swap3A_238], %tanh3A_236 {strides = array<i32>} : memref<128x6400xf32, #tpu.memory_space<vmem>>, vector<128x256xf32>,
    %get3A_240 = arith.constant 0 : index
    %get3A_241 = arith.constant 5120 : index
    %get3A_242 = vector.load %arg1[%get3A_240, %get3A_241] : memref<128x6528xf32, #tpu.memory_space<vmem>>, vector<128x384xf32>
    %convert_element_type3A_243 = arith.truncf %get3A_242 : vector<128x384xf32> to vector<128x384xbf16>
    %dot_general3A_244 = arith.constant dense<0.000000e+00> : vector<128x256xf32>
    %dot_general3A_245 = tpu.matmul %convert_element_type3A_243, %get3A_1, %dot_general3A_244 {dimension_numbers = #tpu.dot_dimension_numbers<[1], [0], [0], [1], [0, 0, 1, 1], [], []>, transpose_lhs_hint = false} : vector<128x384xbf16>, vector<384x256xbf16>, vector<128x256xf32> -> vector<128x256xf32>
    %add3A_246 = vector.broadcast %get3A_4 : vector<1x256xf32> to vector<128x256xf32>
    %add3A_247 = arith.addf %dot_general3A_245, %add3A_246 : vector<128x256xf32>
    %tanh3A_248 = math.tanh %add3A_247 : vector<128x256xf32>
    %swap3A_249 = arith.constant 0 : index
    %swap3A_250 = arith.constant 5120 : index
    %swap3A_251 = vector.load %arg4[%swap3A_249, %swap3A_250] : memref<128x6400xf32, #tpu.memory_space<vmem>>, vector<128x256xf32>
    tpu.vector_store %arg4[%swap3A_249, %swap3A_250], %tanh3A_248 {strides = array<i32>} : memref<128x6400xf32, #tpu.memory_space<vmem>>, vector<128x256xf32>,
    %get3A_252 = arith.constant 0 : index
    %get3A_253 = arith.constant 5376 : index
    %get3A_254 = vector.load %arg1[%get3A_252, %get3A_253] : memref<128x6528xf32, #tpu.memory_space<vmem>>, vector<128x384xf32>
    %convert_element_type3A_255 = arith.truncf %get3A_254 : vector<128x384xf32> to vector<128x384xbf16>
    %dot_general3A_256 = arith.constant dense<0.000000e+00> : vector<128x256xf32>
    %dot_general3A_257 = tpu.matmul %convert_element_type3A_255, %get3A_1, %dot_general3A_256 {dimension_numbers = #tpu.dot_dimension_numbers<[1], [0], [0], [1], [0, 0, 1, 1], [], []>, transpose_lhs_hint = false} : vector<128x384xbf16>, vector<384x256xbf16>, vector<128x256xf32> -> vector<128x256xf32>
    %add3A_258 = vector.broadcast %get3A_4 : vector<1x256xf32> to vector<128x256xf32>
    %add3A_259 = arith.addf %dot_general3A_257, %add3A_258 : vector<128x256xf32>
    %tanh3A_260 = math.tanh %add3A_259 : vector<128x256xf32>
    %swap3A_261 = arith.constant 0 : index
    %swap3A_262 = arith.constant 5376 : index
    %swap3A_263 = vector.load %arg4[%swap3A_261, %swap3A_262] : memref<128x6400xf32, #tpu.memory_space<vmem>>, vector<128x256xf32>
    tpu.vector_store %arg4[%swap3A_261, %swap3A_262], %tanh3A_260 {strides = array<i32>} : memref<128x6400xf32, #tpu.memory_space<vmem>>, vector<128x256xf32>,
    %get3A_264 = arith.constant 0 : index
    %get3A_265 = arith.constant 5632 : index
    %get3A_266 = vector.load %arg1[%get3A_264, %get3A_265] : memref<128x6528xf32, #tpu.memory_space<vmem>>, vector<128x384xf32>
    %convert_element_type3A_267 = arith.truncf %get3A_266 : vector<128x384xf32> to vector<128x384xbf16>
    %dot_general3A_268 = arith.constant dense<0.000000e+00> : vector<128x256xf32>
    %dot_general3A_269 = tpu.matmul %convert_element_type3A_267, %get3A_1, %dot_general3A_268 {dimension_numbers = #tpu.dot_dimension_numbers<[1], [0], [0], [1], [0, 0, 1, 1], [], []>, transpose_lhs_hint = false} : vector<128x384xbf16>, vector<384x256xbf16>, vector<128x256xf32> -> vector<128x256xf32>
    %add3A_270 = vector.broadcast %get3A_4 : vector<1x256xf32> to vector<128x256xf32>
    %add3A_271 = arith.addf %dot_general3A_269, %add3A_270 : vector<128x256xf32>
    %tanh3A_272 = math.tanh %add3A_271 : vector<128x256xf32>
    %swap3A_273 = arith.constant 0 : index
    %swap3A_274 = arith.constant 5632 : index
    %swap3A_275 = vector.load %arg4[%swap3A_273, %swap3A_274] : memref<128x6400xf32, #tpu.memory_space<vmem>>, vector<128x256xf32>
    tpu.vector_store %arg4[%swap3A_273, %swap3A_274], %tanh3A_272 {strides = array<i32>} : memref<128x6400xf32, #tpu.memory_space<vmem>>, vector<128x256xf32>,
    %get3A_276 = arith.constant 0 : index
    %get3A_277 = arith.constant 5888 : index
    %get3A_278 = vector.load %arg1[%get3A_276, %get3A_277] : memref<128x6528xf32, #tpu.memory_space<vmem>>, vector<128x384xf32>
    %convert_element_type3A_279 = arith.truncf %get3A_278 : vector<128x384xf32> to vector<128x384xbf16>
    %dot_general3A_280 = arith.constant dense<0.000000e+00> : vector<128x256xf32>
    %dot_general3A_281 = tpu.matmul %convert_element_type3A_279, %get3A_1, %dot_general3A_280 {dimension_numbers = #tpu.dot_dimension_numbers<[1], [0], [0], [1], [0, 0, 1, 1], [], []>, transpose_lhs_hint = false} : vector<128x384xbf16>, vector<384x256xbf16>, vector<128x256xf32> -> vector<128x256xf32>
    %add3A_282 = vector.broadcast %get3A_4 : vector<1x256xf32> to vector<128x256xf32>
    %add3A_283 = arith.addf %dot_general3A_281, %add3A_282 : vector<128x256xf32>
    %tanh3A_284 = math.tanh %add3A_283 : vector<128x256xf32>
    %swap3A_285 = arith.constant 0 : index
    %swap3A_286 = arith.constant 5888 : index
    %swap3A_287 = vector.load %arg4[%swap3A_285, %swap3A_286] : memref<128x6400xf32, #tpu.memory_space<vmem>>, vector<128x256xf32>
    tpu.vector_store %arg4[%swap3A_285, %swap3A_286], %tanh3A_284 {strides = array<i32>} : memref<128x6400xf32, #tpu.memory_space<vmem>>, vector<128x256xf32>,
    %get3A_288 = arith.constant 0 : index
    %get3A_289 = arith.constant 6144 : index
    %get3A_290 = vector.load %arg1[%get3A_288, %get3A_289] : memref<128x6528xf32, #tpu.memory_space<vmem>>, vector<128x384xf32>
    %convert_element_type3A_291 = arith.truncf %get3A_290 : vector<128x384xf32> to vector<128x384xbf16>
    %dot_general3A_292 = arith.constant dense<0.000000e+00> : vector<128x256xf32>
    %dot_general3A_293 = tpu.matmul %convert_element_type3A_291, %get3A_1, %dot_general3A_292 {dimension_numbers = #tpu.dot_dimension_numbers<[1], [0], [0], [1], [0, 0, 1, 1], [], []>, transpose_lhs_hint = false} : vector<128x384xbf16>, vector<384x256xbf16>, vector<128x256xf32> -> vector<128x256xf32>
    %add3A_294 = vector.broadcast %get3A_4 : vector<1x256xf32> to vector<128x256xf32>
    %add3A_295 = arith.addf %dot_general3A_293, %add3A_294 : vector<128x256xf32>
    %tanh3A_296 = math.tanh %add3A_295 : vector<128x256xf32>
    %swap3A_297 = arith.constant 0 : index
    %swap3A_298 = arith.constant 6144 : index
    %swap3A_299 = vector.load %arg4[%swap3A_297, %swap3A_298] : memref<128x6400xf32, #tpu.memory_space<vmem>>, vector<128x256xf32>
    tpu.vector_store %arg4[%swap3A_297, %swap3A_298], %tanh3A_296 {strides = array<i32>} : memref<128x6400xf32, #tpu.memory_space<vmem>>, vector<128x256xf32>,
    return
  }
  func.func @transform_0(%arg0: i32) -> (i32, i32) {
    %c0_i32 = arith.constant 0 : i32
    %c0_i32_0 = arith.constant 0 : i32
    return %arg0, %c0_i32 : i32, i32
  }
  func.func @transform_1(%arg0: i32) -> (i32, i32) {
    %c0_i32 = arith.constant 0 : i32
    %c0_i32_0 = arith.constant 0 : i32
    %c0_i32_1 = arith.constant 0 : i32
    return %c0_i32, %c0_i32_0 : i32, i32
  }
  func.func @transform_2(%arg0: i32) -> (i32, i32) {
    %c0_i32 = arith.constant 0 : i32
    %c0_i32_0 = arith.constant 0 : i32
    %c0_i32_1 = arith.constant 0 : i32
    return %c0_i32, %c0_i32_0 : i32, i32
  }
  func.func @transform_3(%arg0: i32) -> (i32, i32) {
    %c0_i32 = arith.constant 0 : i32
    %c0_i32_0 = arith.constant 0 : i32
    return %arg0, %c0_i32 : i32, i32
  }
}

</mosaic_0001>

<sc_bundles>
// kernel: kernel.4.cloned.1.call-start
scs
__scs_entry_jumppad:
0x0: {  	(pc) =	sbr.rel $0x88, $3  }
0x1: {  	(tag) =	ssettag $0x0;
	lr =	simm.s32 $0x1  }
0x2: {  	[smem:$0x3F9D] =	sst lr;
	_ =	strace $0xD0000000  }
0x3: {  	_ = 	snop  }
0x4: {  	_ = 	snop  }
0x5: {  	_ = 	snop  }
0x6: {  	_ = 	snop  }
0x7: {  	_ = 	snop  }
__scs_overlays_trampoline_lowered:
0x8: {  	[smem:$0x3FAC] =	sst s0  }
0x9: {  	[smem:$0x3FAD] =	sst s1  }
0xa: {  	[smem:$0x3FAE] =	sst s2  }
0xb: {  	[smem:$0x3FAF] =	sst s3  }
0xc: {  	[smem:$0x3FB0] =	sst s4  }
0xd: {  	[smem:$0x3FB1] =	sst s5  }
0xe: {  	[smem:$0x3FB2] =	sst s6  }
0xf: {  	[smem:$0x3FB3] =	sst s7  }
0x10: {  	[smem:$0x3FB4] =	sst s8  }
0x11: {  	[smem:$0x3FB5] =	sst s9;
	s0 =	simm.s32 @!p0 $0x0  }
0x12: {  	s1 =	sld [smem:$0x3F9B];
	s0 =	simm.s32 @p0 $0x1  }
0x13: {  	[smem:$0x3FB6] =	sst s0;
	s0 =	simm.s32 @!p1 $0x0  }
0x14: {  	s2 =	sld [smem:$0x3F9A];
	s0 =	simm.s32 @p1 $0x1  }
0x15: {  	[smem:$0x3FB7] =	sst s0;
	s0 =	simm.s32 @!p2 $0x0  }
0x16: {  	s3 =	sld [smem:$0x3FDB];
	s0 =	simm.s32 @p2 $0x1  }
0x17: {  	s4 =	simm.s32 $0x1BF5;
	[smem:$0x3FB9] =	sst s0  }
0x18: {  	s0 =	sld [smem:$0x3F9C];
	_ =	swait.ge [sflag:s4], $0x0  }
0x19: {  	s7 =	sld [smem:$0x3F9D]  }
0x1a: {  	s8 =	sadd.s32 $0xFFFFE003, lr  }
0x1b: {  	s9 =	sadd.s32 $0xFFFFFEF7, lr;
	s5 =	simm.s32 $0xFFFFFFFF;
	p2 =	slt.u32 s8, $0xFFFFF086  }
0x1c: {  	p1 =	slt.u32 s9, $0xF7A;
	s5 =	simm.s32 @!p2 $0x0  }
0x1d: {  	s5 =	simm.s32 @p1 $0x1;
	p0 =	seq.s32 s7, s2  }
0x1e: {  	s7 =	smul.u32 @!p0 $0xF7A, s2;
	p2 =	seq.s32 @!p0 s5, $0x0  }
0x1f: {  	s9 =	smul.u32 $0xF7A, s1;
	s8 =	simm.s32 @!p0 $0x1BF5;
	p2 =	por !p2, p0  }
0x20: {  	[sflag:s8] =	ssyncset.s32 @!p0 $0xFFFFF086;
	s6 =	sadd.s32 @!p0 s3, s7;
	s7 =	simm.s32 @!p0 $0x108  }
0x21: {  	s3 =	sadd.s32 s3, s9;
	s6 =	sadd.s32 @!p0 $0x88, s6;
	s7 =	simm.s32 @p2 $0x1082  }
0x22: {  	[simem:s7], [sflag:s8] =	dma.local @!p0 [hbm:s6], $0xF7A  }
0x23: {  	s9 =	sor.u32 $0xD0000000, s2;
	s6 =	simm.s32 $0x108;
	_ =	swait.ge @!p0 [sflag:s8], $0x0  }
0x24: {  	s3 =	sadd.s32 $0x88, s3;
	s6 =	simm.s32 @!p1 $0x1082;
	[sflag:s4] =	ssyncset.s32 $0xFFFFF086  }
0x25: {  	[simem:s6], [sflag:s4] =	dma.local [hbm:s3], $0xF7A  }
0x26: {  	[smem:$0x3F9D] =	sst s1;
	(tag) =	ssettag s2;
	_ =	strace s9  }
0x27: {  	s1 =	sld [smem:$0x3FAD]  }
0x28: {  	s2 =	sld [smem:$0x3FAE]  }
0x29: {  	s4 =	sld [smem:$0x3FB0]  }
0x2a: {  	p0 =	seq.s32 s5, $0x0;
	s5 =	sld [smem:$0x3FB1]  }
0x2b: {  	s6 =	sld [smem:$0x3FB2]  }
0x2c: {  	s7 =	sld [smem:$0x3FB3]  }
0x2d: {  	s3 =	simm.s32 $0x108;
	s8 =	sld [smem:$0x3FB4]  }
0x2e: {  	s3 =	simm.s32 @!p0 $0x1082;
	s9 =	sld [smem:$0x3FB5]  }
0x2f: {  	lr =	sadd.s32 s0, s3;
	s0 =	sld [smem:$0x3FAC]  }
0x30: {  	s3 =	sld [smem:$0x3FAF]  }
0x31: {  	[smem:$0x3FB8] =	sst s10  }
0x32: {  	s10 =	sld [smem:$0x3FB6];
	_ =	sdelay $0x3  }
0x33: {  	p0 =	seq.s32 s10, $0x1;
	s10 =	sld [smem:$0x3FB8];
	_ =	sdelay $0x3  }
0x34: {  	[smem:$0x3FB8] =	sst s10  }
0x35: {  	s10 =	sld [smem:$0x3FB7];
	_ =	sdelay $0x3  }
0x36: {  	p1 =	seq.s32 s10, $0x1;
	s10 =	sld [smem:$0x3FB8];
	_ =	sdelay $0x3  }
0x37: {  	[smem:$0x3FB8] =	sst s10  }
0x38: {  	s10 =	sld [smem:$0x3FB9]  }
0x39: {  	_ = 	snop;
	(pc) =	sbr.ind lr, $3  }
0x3a: {  	_ = 	snop  }
0x3b: {  	_ = 	snop  }
0x3c: {  	p2 =	seq.s32 s10, $0x1;
	s10 =	sld [smem:$0x3FB8]  }
0x3d: {  	_ =	shalt  }
0x3e: {  	_ =	shalt  }
0x3f: {  	_ =	shalt  }
0x40: {  	_ =	shalt  }
0x41: {  	_ =	shalt  }
0x42: {  	_ =	shalt  }
0x43: {  	_ =	shalt  }
0x44: {  	_ =	shalt  }
0x45: {  	_ =	shalt  }
0x46: {  	_ =	shalt  }
0x47: {  	_ =	shalt  }
0x48: {  	_ =	shalt  }
0x49: {  	_ =	shalt  }
0x4a: {  	_ =	shalt  }
0x4b: {  	_ =	shalt  }
0x4c: {  	_ =	shalt  }
0x4d: {  	_ =	shalt  }
0x4e: {  	_ =	shalt  }
0x4f: {  	_ =	shalt  }
0x50: {  	_ =	shalt  }
0x51: {  	_ =	shalt  }
0x52: {  	_ =	shalt  }
0x53: {  	_ =	shalt  }
0x54: {  	_ =	shalt  }
0x55: {  	_ =	shalt  }
0x56: {  	_ =	shalt  }
0x57: {  	_ =	shalt  }
0x58: {  	_ =	shalt  }
0x59: {  	_ =	shalt  }
0x5a: {  	_ =	shalt  }
0x5b: {  	_ =	shalt  }
0x5c: {  	_ =	shalt  }
0x5d: {  	_ =	shalt  }
0x5e: {  	_ =	shalt  }
0x5f: {  	_ =	shalt  }
0x60: {  	_ =	shalt  }
0x61: {  	_ =	shalt  }
0x62: {  	_ =	shalt  }
0x63: {  	_ =	shalt  }
0x64: {  	_ =	shalt  }
0x65: {  	_ =	shalt  }
0x66: {  	_ =	shalt  }
0x67: {  	_ =	shalt  }
0x68: {  	_ =	shalt  }
0x69: {  	_ =	shalt  }
0x6a: {  	_ =	shalt  }
0x6b: {  	_ =	shalt  }
0x6c: {  	_ =	shalt  }
0x6d: {  	_ =	shalt  }
0x6e: {  	_ =	shalt  }
0x6f: {  	_ =	shalt  }
0x70: {  	_ =	shalt  }
0x71: {  	_ =	shalt  }
0x72: {  	_ =	shalt  }
0x73: {  	_ =	shalt  }
0x74: {  	_ =	shalt  }
0x75: {  	_ =	shalt  }
0x76: {  	_ =	shalt  }
0x77: {  	_ =	shalt  }
0x78: {  	_ =	shalt  }
0x79: {  	_ =	shalt  }
0x7a: {  	_ =	shalt  }
0x7b: {  	_ =	shalt  }
0x7c: {  	_ =	shalt  }
0x7d: {  	_ =	shalt  }
0x7e: {  	_ =	shalt  }
0x7f: {  	_ =	shalt  }
0x80: {  	_ =	shalt  }
0x81: {  	_ =	shalt  }
0x82: {  	_ =	shalt  }
0x83: {  	_ =	shalt  }
0x84: {  	_ =	shalt  }
0x85: {  	_ =	shalt  }
0x86: {  	_ =	shalt  }
0x87: {  	_ =	shalt  }
.Lfunc_end0:
.L_simem_size_0:
called_computation_lowered:
.L_overlay_start_0:
0x88: {  	s2 =	sld [smem:$0x3FD9]  }
0x89: {  	s3 =	sld [smem:$0x3FFE];
	_ =	sdelay $0x1  }
0x8a: {  	s1 =	srdreg.scid  }
0x8b: {  	s0 =	sand.u32 $0x1, s1  }
0x8c: {  	s17 =	sshll.u32 s0, $0xA;
	s2 =	sadd.s32 s3, s2  }
0x8d: {  	s2 =	sadd.s32 s2, s17  }
0x8e: {  	[smem:$0x3FC4] =	sst s2  }
0x8f: {  	_ = 	snop  }
0x90: {  	s2 =	sld [smem:$0x3FD0];
	(tm) =	ssettm $0x1  }
0x91: {  	s18 =	sld [smem:$0x3FFB];
	_ =	sdelay $0x3  }
0x92: {  	_ =	strace s18  }
0x93: {  	s3 =	sld [smem:$0x3FFC];
	_ =	sdelay $0x3  }
0x94: {  	_ =	strace s3  }
0x95: {  	s3 =	sld [smem:$0x3FFD];
	_ =	sdelay $0x3  }
0x96: {  	_ =	strace s3  }
0x97: {  	_ =	strace $0x8FFFFFFF  }
0x98: {  	s19 =	sld [smem:$0x3FDB];
	_ =	sdelay $0x1  }
0x99: {  	s4 =	simm.s32 $_scs_section_size  }
0x9a: {  	s5 =	simm.s32 $_size__tile_overlayer_lowered;
	s6 =	simm.s32 $_tile_overlayer_lowered  }
0x9b: {  	s22 =	simm.s32 $0x1BFF;
	s21 =	sshll.u32 s6, $0x1;
	s3 =	sadd.s32 s4, s19  }
0x9c: {  	s7 =	simm.s32 $0x0;
	s20 =	sshll.u32 s5, $0x1;
	s5 =	sadd.s32 s21, s3  }
0x9d: {  	[timem:s7], [sflag:s22] =	dma.local [hbm:s5], s20  }
0x9e: {  	_ =	swait.ge [sflag:s22], s20  }
0x9f: {  	s4 =	ssub.s32 $0x0, s20;
	[sflag:s22] =	ssyncset.done $0x0  }
0xa0: {  	[sflag:s22] =	ssyncadd.s32 s4;
	_ =	sdelay $0x1  }
0xa1: {  	s23 =	simm.s32 $0x1B8B  }
0xa2: {  	_ =	swait.ge [sflag:s23], $0x1  }
0xa3: {  	[sflag:s23] =	ssyncset.done $0x0  }
0xa4: {  	s25 =	simm.s32 $0x1B8E;
	s24 =	sld [smem:$0x3FFE];
	[sflag:s23] =	ssyncadd.s32 $0xFFFFFFFF  }
0xa5: {  	s26 =	simm.s32 $execute0_lowered;
	[smem:$0x3FD2] =	sst s25  }
0xa6: {  	s5 =	sshll.u32 s26, $0x1;
	_ =	strace $0x80000046;
	[dreg:$0x1] =	wrdreg $0xFFFFFFFF  }
0xa7: {  	s28 =	simm.s32 $_size_execute0_lowered;
	s3 =	sadd.s32 s3, s5;
	[dreg:$0x0] =	wrdreg $0x0  }
0xa8: {  	s5 =	sshll.u32 s28, $0x1;
	[dreg:$0x2] =	wrdreg s3  }
0xa9: {  	[dreg:$0x3] =	wrdreg s5  }
0xaa: {  	[dreg:$0x4] =	wrdreg $0xC0  }
0xab: {  	_ =	task [dreg:s7], $0x5FFFF  }
0xac: {  	[dreg:$0x1] =	wrdreg $0xFFFFFFFF  }
0xad: {  	[dreg:$0x0] =	wrdreg $0x60  }
0xae: {  	[dreg:$0x2] =	wrdreg s2  }
0xaf: {  	[dreg:$0x3] =	wrdreg s24  }
0xb0: {  	[dreg:$0x4] =	wrdreg $0x9  }
0xb1: {  	_ =	task.clear_ibuf [dreg:s7], $0x5FFFF;
	_ =	strace $0x90000046  }
0xb2: {  	s29 =	simm.s32 $0x9;
	_ =	strace $0x80000048  }
0xb3: {  	_ =	swait.ge [sflag:s29], $0x1  }
0xb4: {  	[sflag:s29] =	ssyncadd.s32 $0xFFFFFFFF  }
0xb5: {  	_ =	strace $0x90000048  }
0xb6: {  	_ =	sfence  }
0xb7: {  	s30 =	sld [smem:$0x0];
	_ =	sdelay $0x2  }
0xb8: {  	s31 =	sshll.u32 s1, $0xD;
	s1 =	sshrl.u32 s1, $0x2  }
0xb9: {  	s3 =	sand.u32 $0x4000, s31;
	s1 =	sadd.s32 s1, s30  }
0xba: {  	s0 =	sor.u32 s3, s0;
	s1 =	sshll.u32 s1, $0x11  }
0xbb: {  	s0 =	sor.u32 s1, s0  }
0xbc: {  	s0 =	sadd.s32 $0x8F2B, s0  }
0xbd: {  	[sflag:s0] =	ssyncadd.remote.s32 $0x1  }
0xbe: {  	_ =	sfence.sel $0xFFFF  }
0xbf: {  	[dreg:$0x0] =	wrdreg $0xFFFFFFFF;
	(pc) =	sbr.abs _section_cstart, $3  }
0xc0: {  	[dreg:$0x1] =	wrdreg $0xFFFFFFFF  }
0xc1: {  	_ =	task.clear_ibuf [dreg:s7], $0x2FFFF;
	_ =	strace $0x9FFFFFFF  }
0xc2: {  	(tm) =	ssettm $0x7FFFFFFF  }
0xc3: {  	_ =	shalt  }
tec
execute0_lowered:
.L_overlay_start_1:
0x0: {  	(tag) =	ssettag $0x1  }
0x1: {  	s2 =	rddreg [dreg:$0x0];
	s0 =	srdreg.scid  }
0x2: {  	s3 =	stileid.u32;
	s1 =	rddreg [dreg:$0x1];
	s19 =	simm.s32 $0xD880  }
0x3: {  	s20 =	simm.s32 $0x7;
	s14 =	simm.s32 $0x7280;
	s15 =	simm.s32 $0x8C00  }
0x4: {  	s28 =	simm.s32 $0xBF00;
	s16 =	simm.s32 $0x898;
	s17 =	simm.s32 $0x5940  }
0x5: {  	s18 =	simm.s32 $0x2;
	s30 =	simm.s32 $0x72C0;
	s21 =	simm.s32 $0xBB8  }
0x6: {  	s29 =	simm.s32 $0x3;
	s31 =	simm.s32 $0x4;
	s0 =	sand.u32 $0x1, s0  }
0x7: {  	s4 =	sshll.u32 s3, $0x1;
	s3 =	simm.s32 $0x0;
	s5 =	sadd.s32 $0x1000, s1  }
0x8: {  	s7 =	sadd.s32 $0x1200, s1;
	s8 =	sadd.s32 $0x1400, s1;
	s4 =	sor.u32 s0, s4  }
0x9: {  	[smem:$0x7FF] =	sst s3;
	s0 =	ssub.s32 $0x2, s0;
	s6 =	smul.u32 $0x19000, s4  }
0xa: {  	_ =	strace $0x80000047;
	[dreg:$0x3] =	wrdreg s5;
	s5 =	sadd.s32 $0xC00, s1  }
0xb: {  	s9 =	sshrl.u32 s0, $0x1;
	s23 =	smul.u32 $0x330000, s4;
	s11 =	sshll.u32 s4, $0x9  }
0xc: {  	[dreg:$0x4] =	wrdreg s7;
	s0 =	ssub.s32 s0, s9;
	s12 =	sadd.s32 $0xFFFFFFFC, s11  }
0xd: {  	s9 =	simm.s32 $0x0;
	s22 =	sshrl.u32 s6, $0x3;
	s25 =	sshrl.u32 s23, $0x3  }
0xe: {  	s13 =	sor.u32 $0x960, s6;
	s0 =	smax.u32 s0, $0x1;
	[dreg:$0xc] =	wrdreg s9  }
0xf: {  	s23 =	simm.s32 $0xBF40;
	s10 =	sadd.s32 s2, s22;
	[dreg:$0xb] =	wrdreg s0  }
0x10: {  	s1 =	sadd.s32 s8, s25;
	[dreg:$0x5] =	wrdreg s10;
	s24 =	sadd.s32 $0x64, s10  }
0x11: {  	s25 =	simm.s32 $0xA580;
	s26 =	sadd.s32 $0x65340, s1;
	[dreg:$0x6] =	wrdreg s24  }
0x12: {  	s10 =	sor.u32 $0x640, s6;
	s6 =	sadd.s32 $0x65670, s1;
	[dreg:$0x7] =	wrdreg s26  }
0x13: {  	s0 =	simm.s32 $0x1;
	s7 =	sadd.s32 $0x659A0, s1;
	[dreg:$0x8] =	wrdreg s6  }
0x14: {  	s22 =	simm.s32 $0x8C40;
	s1 =	sadd.s32 $0x65CD0, s1;
	[dreg:$0x9] =	wrdreg s7  }
0x15: {  	[dreg:$0xa] =	wrdreg s1;
	s24 =	simm.s32 $0xC8;
	s7 =	simm.s32 $0x960  }
0x16: {  	v0 =	vimm.s32 $0x0;
	s1 =	simm.s32 $0xA28;
	s26 =	simm.s32 $0xAF0;
	s6 =	simm.s32 $0xA5C0  }
.LBB2_1:
0x17: {  	s4 =	rddreg [dreg:$0x3]  }
0x18: {  	[tilespmem:s19], [sflag:$0x7] =	stream.linear.gather [hbm4b:s4+s3], $0x100, $0x38;
	[tilespmem:$0xD980] =	vst v63  }
0x19: {  	_ =	swait.ge [sflag:s20], $0x100  }
0x1a: {  	[sflag:s20] =	ssyncset.done $0x0  }
0x1b: {  	s9 =	simm.s32 $0xC80;
	s4 =	rddreg [dreg:$0x4];
	[sflag:s20] =	ssyncadd.s32 $0xFFFFFF00  }
0x1c: {  	[tilespmem:s9], [sflag:$0x7] =	stream.linear.gather [hbm4b:s4+s3], $0x40, $0x38;
	[tilespmem:$0xD980] =	vst v63  }
0x1d: {  	_ =	swait.ge [sflag:s20], $0x40  }
0x1e: {  	[sflag:s20] =	ssyncset.done $0x0  }
0x1f: {  	s9 =	simm.s32 $0x25C0;
	[sflag:s20] =	ssyncadd.s32 $0xFFFFFFC0  }
0x20: {  	[tilespmem:s9], [sflag:$0x7] =	stream.linear.gather [hbm4b:s4+s3], $0x40, $0x38;
	[tilespmem:$0xD980] =	vst v63  }
0x21: {  	_ =	swait.ge [sflag:s20], $0x40  }
0x22: {  	[sflag:s20] =	ssyncset.done $0x0  }
0x23: {  	s9 =	simm.s32 $0x2600;
	[sflag:s20] =	ssyncadd.s32 $0xFFFFFFC0  }
0x24: {  	[tilespmem:s9], [sflag:$0x7] =	stream.linear.gather [hbm4b:s4+s3], $0x40, $0x38;
	[tilespmem:$0xD980] =	vst v63  }
0x25: {  	_ =	swait.ge [sflag:s20], $0x40  }
0x26: {  	[sflag:s20] =	ssyncset.done $0x0  }
0x27: {  	s9 =	simm.s32 $0x3F40;
	[sflag:s20] =	ssyncadd.s32 $0xFFFFFFC0  }
0x28: {  	[tilespmem:s9], [sflag:$0x7] =	stream.linear.gather [hbm4b:s4+s3], $0x40, $0x38;
	[tilespmem:$0xD980] =	vst v63  }
0x29: {  	_ =	swait.ge [sflag:s20], $0x40  }
0x2a: {  	[sflag:s20] =	ssyncset.done $0x0  }
0x2b: {  	s9 =	simm.s32 $0x3F80;
	[sflag:s20] =	ssyncadd.s32 $0xFFFFFFC0  }
0x2c: {  	[tilespmem:s9], [sflag:$0x7] =	stream.linear.gather [hbm4b:s4+s3], $0x40, $0x38;
	[tilespmem:$0xD980] =	vst v63  }
0x2d: {  	_ =	swait.ge [sflag:s20], $0x40  }
0x2e: {  	[sflag:s20] =	ssyncset.done $0x0  }
0x2f: {  	s9 =	simm.s32 $0x58C0;
	[sflag:s20] =	ssyncadd.s32 $0xFFFFFFC0  }
0x30: {  	[tilespmem:s9], [sflag:$0x7] =	stream.linear.gather [hbm4b:s4+s3], $0x40, $0x38;
	[tilespmem:$0xD980] =	vst v63  }
0x31: {  	_ =	swait.ge [sflag:s20], $0x40  }
0x32: {  	[sflag:s20] =	ssyncset.done $0x0  }
0x33: {  	s9 =	simm.s32 $0x5900;
	[sflag:s20] =	ssyncadd.s32 $0xFFFFFFC0  }
0x34: {  	[tilespmem:s9], [sflag:$0x7] =	stream.linear.gather [hbm4b:s4+s3], $0x40, $0x38;
	[tilespmem:$0xD980] =	vst v63  }
0x35: {  	_ =	swait.ge [sflag:s20], $0x40  }
0x36: {  	[sflag:s20] =	ssyncset.done $0x0  }
0x37: {  	s9 =	simm.s32 $0x7240;
	[sflag:s20] =	ssyncadd.s32 $0xFFFFFFC0  }
0x38: {  	[tilespmem:s9], [sflag:$0x7] =	stream.linear.gather [hbm4b:s4+s3], $0x40, $0x38;
	[tilespmem:$0xD980] =	vst v63  }
0x39: {  	_ =	swait.ge [sflag:s20], $0x40  }
0x3a: {  	[sflag:s20] =	ssyncset.done $0x0  }
0x3b: {  	[sflag:s20] =	ssyncadd.s32 $0xFFFFFFC0  }
0x3c: {  	[tilespmem:s14], [sflag:$0x7] =	stream.linear.gather [hbm4b:s4+s3], $0x40, $0x38;
	[tilespmem:$0xD980] =	vst v63  }
0x3d: {  	_ =	swait.ge [sflag:s20], $0x40  }
0x3e: {  	[sflag:s20] =	ssyncset.done $0x0  }
0x3f: {  	s14 =	simm.s32 $0x8BC0;
	[sflag:s20] =	ssyncadd.s32 $0xFFFFFFC0  }
0x40: {  	[tilespmem:s14], [sflag:$0x7] =	stream.linear.gather [hbm4b:s4+s3], $0x40, $0x38;
	[tilespmem:$0xD980] =	vst v63  }
0x41: {  	_ =	swait.ge [sflag:s20], $0x40  }
0x42: {  	[sflag:s20] =	ssyncset.done $0x0  }
0x43: {  	[sflag:s20] =	ssyncadd.s32 $0xFFFFFFC0  }
0x44: {  	[tilespmem:s15], [sflag:$0x7] =	stream.linear.gather [hbm4b:s4+s3], $0x40, $0x38;
	[tilespmem:$0xD980] =	vst v63  }
0x45: {  	_ =	swait.ge [sflag:s20], $0x40  }
0x46: {  	[sflag:s20] =	ssyncset.done $0x0  }
0x47: {  	s15 =	simm.s32 $0xA540;
	[sflag:s20] =	ssyncadd.s32 $0xFFFFFFC0  }
0x48: {  	[tilespmem:s15], [sflag:$0x7] =	stream.linear.gather [hbm4b:s4+s3], $0x40, $0x38;
	[tilespmem:$0xD980] =	vst v63  }
0x49: {  	_ =	swait.ge [sflag:s20], $0x40  }
0x4a: {  	[sflag:s20] =	ssyncset.done $0x0  }
0x4b: {  	[sflag:s20] =	ssyncadd.s32 $0xFFFFFFC0  }
0x4c: {  	[tilespmem:s25], [sflag:$0x7] =	stream.linear.gather [hbm4b:s4+s3], $0x40, $0x38;
	[tilespmem:$0xD980] =	vst v63  }
0x4d: {  	_ =	swait.ge [sflag:s20], $0x40  }
0x4e: {  	[sflag:s20] =	ssyncset.done $0x0  }
0x4f: {  	s25 =	simm.s32 $0xBEC0;
	[sflag:s20] =	ssyncadd.s32 $0xFFFFFFC0  }
0x50: {  	[tilespmem:s25], [sflag:$0x7] =	stream.linear.gather [hbm4b:s4+s3], $0x40, $0x38;
	[tilespmem:$0xD980] =	vst v63  }
0x51: {  	_ =	swait.ge [sflag:s20], $0x40  }
0x52: {  	[sflag:s20] =	ssyncset.done $0x0  }
0x53: {  	[sflag:s20] =	ssyncadd.s32 $0xFFFFFFC0  }
0x54: {  	[tilespmem:s28], [sflag:$0x7] =	stream.linear.gather [hbm4b:s4+s3], $0x40, $0x38;
	[tilespmem:$0xD980] =	vst v63  }
0x55: {  	_ =	swait.ge [sflag:s20], $0x40  }
0x56: {  	[sflag:s20] =	ssyncset.done $0x0  }
0x57: {  	s14 =	simm.s32 $0xD840;
	[sflag:s20] =	ssyncadd.s32 $0xFFFFFFC0  }
0x58: {  	[tilespmem:s14], [sflag:$0x7] =	stream.linear.gather [hbm4b:s4+s3], $0x40, $0x38;
	[tilespmem:$0xD980] =	vst v63  }
0x59: {  	_ =	swait.ge [sflag:s20], $0x40  }
0x5a: {  	[sflag:s20] =	ssyncset.done $0x0  }
0x5b: {  	s15 =	rddreg [dreg:$0x5];
	[sflag:s20] =	ssyncadd.s32 $0xFFFFFFC0  }
0x5c: {  	[tilespmem:s3], [sflag:$0x1] =	stream.linear.gather [hbm4b:s15+s3], $0x320, $0x38;
	[tilespmem:$0xD980] =	vst v63  }
0x5d: {  	s28 =	simm.s32 $0x320;
	s25 =	rddreg [dreg:$0x6]  }
0x5e: {  	[tilespmem:s28], [sflag:$0x2] =	stream.linear.gather [hbm4b:s25+s3], $0x320, $0x38;
	[tilespmem:$0xD980] =	vst v63  }
0x5f: {  	s25 =	simm.s32 $0x0  }
.LBB2_2:
0x60: {  	_ =	swait.ge [sflag:s0], $0x320  }
0x61: {  	[sflag:s0] =	ssyncset.done $0x0  }
0x62: {  	s9 =	simm.s32 $0x0;
	[sflag:s0] =	ssyncadd.s32 $0xFFFFFCE0  }
0x63: {  	v2 =	vld [tilespmem:s9+$0x0];
	_ =	sdelay $0x4  }
0x64: {  	v1 =	vmul.f32 $2.540000000e+02, v2;
	_ =	sdelay $0x1  }
0x65: {  	v3 =	vtrunc.f32 v1  }
0x66: {  	v4 =	vcvt.f32.s32 v3;
	vm0 =	vgt.f32 v1, v3  }
0x67: {  	v1 =	vsel vm0, $0x1, v0  }
0x68: {  	v1 =	vadd.s32 v4, v1  }
0x69: {  	vm12 =	vgt.s32 v1, $0x0  }
0x6a: {  	s4 =	simm.s32 $0x10;
	v1 =	vnsel vm12, $0x0, v1  }
0x6b: {  	v3 =	vmin.u32 v1, $0xFE;
	v1 =	vld [tilespmem:s4+$0x0];
	_ =	sdelay $0x1  }
0x6c: {  	v4 =	vadd.s32 $0x1, v3;
	_ =	sdelay $0x2  }
0x6d: {  	v5 =	vmul.f32 $2.540000000e+02, v1  }
0x6e: {  	v6 =	vld.idx.msk [tilespmem:v3+s19+$0x0], $0xffff  }
0x6f: {  	v4 =	vld.idx.msk [tilespmem:v4+s19+$0x0], $0xffff;
	v7 =	vtrunc.f32 v5  }
0x70: {  	v8 =	vcvt.f32.s32 v7;
	vm13 =	vgt.f32 v5, v7  }
0x71: {  	v5 =	vsel vm13, $0x1, v0  }
0x72: {  	v5 =	vadd.s32 v8, v5  }
0x73: {  	vm14 =	vgt.s32 v5, $0x0  }
0x74: {  	vm1 =	vle.f32 v2, v6;
	vm15 =	vgt.f32 v2, v4;
	v5 =	vnsel vm14, $0x0, v5  }
0x75: {  	s28 =	simm.s32 $0x20;
	v7 =	vsel vm1, $0xFFFFFFFF, v0;
	v6 =	vsel vm15, $0x1, v0;
	v4 =	vmin.u32 v5, $0xFE  }
0x76: {  	s14 =	simm.s32 $0xC0;
	v2 =	vld [tilespmem:s28+$0x0];
	v6 =	vadd.s32 v7, v6;
	v5 =	vadd.s32 $0x1, v4  }
.LBB2_3:
0x77: {  	p0 =	sne.s32 s14, $0xC40;
	v6 =	vadd.s32 v3, v6;
	v3 =	vmov v4  }
0x78: {  	vm0 =	vgt.s32 v6, $0x0  }
0x79: {  	v4 =	vnsel vm0, $0x0, v6  }
0x7a: {  	[tilespmem:s9+$0x640] =	vst v4;
	s9 =	smov.u32 s4;
	s4 =	smov.u32 s28  }
0x7b: {  	v4 =	vmul.f32 $2.540000000e+02, v2;
	v5 =	vld.idx.msk [tilespmem:v5+s19+$0x0], $0xffff  }
0x7c: {  	v6 =	vld.idx.msk [tilespmem:v3+s19+$0x0], $0xffff  }
0x7d: {  	v7 =	vtrunc.f32 v4  }
0x7e: {  	v8 =	vcvt.f32.s32 v7;
	vm0 =	vgt.f32 v4, v7  }
0x7f: {  	v4 =	vsel vm0, $0x1, v0  }
.Ltmp0:
0x80: {  	v4 =	vadd.s32 v8, v4;
	(pc) =	sbr.rel @p0 .LBB2_3-.Ltmp0, $4  }
0x81: {  	vm0 =	vgt.s32 v4, $0x0  }
0x82: {  	vm1 =	vle.f32 v1, v6;
	v4 =	vnsel vm0, $0x0, v4;
	vm0 =	vgt.f32 v1, v5;
	v1 =	vmovc v2  }
0x83: {  	s28 =	sshra.s32 s14, $0x2;
	v7 =	vsel vm1, $0xFFFFFFFF, v0;
	v4 =	vmin.u32 v4, $0xFE;
	v6 =	vsel vm0, $0x1, v0  }
0x84: {  	s14 =	sadd.s32 $0x40, s14;
	v2 =	vld [tilespmem:s28+$0x0];
	v5 =	vadd.s32 $0x1, v4;
	v6 =	vadd.s32 v7, v6  }
0x85: {  	_ = 	snop  }
0x86: {  	v3 =	vadd.s32 v3, v6  }
0x87: {  	vm0 =	vgt.s32 v3, $0x0  }
0x88: {  	v3 =	vnsel vm0, $0x0, v3  }
0x89: {  	[tilespmem:s9+$0x640] =	vst v3;
	v3 =	vmul.f32 $2.540000000e+02, v2  }
0x8a: {  	v5 =	vld.idx.msk [tilespmem:v5+s19+$0x0], $0xffff  }
0x8b: {  	v6 =	vld.idx.msk [tilespmem:v4+s19+$0x0], $0xffff;
	v7 =	vtrunc.f32 v3  }
0x8c: {  	v8 =	vcvt.f32.s32 v7;
	vm15 =	vgt.f32 v3, v7  }
0x8d: {  	v3 =	vsel vm15, $0x1, v0  }
0x8e: {  	v3 =	vadd.s32 v8, v3  }
0x8f: {  	vm4 =	vgt.s32 v3, $0x0  }
0x90: {  	vm5 =	vgt.f32 v1, v5;
	vm1 =	vle.f32 v1, v6;
	v3 =	vnsel vm4, $0x0, v3  }
0x91: {  	v5 =	vsel vm1, $0xFFFFFFFF, v0;
	v1 =	vmin.u32 v3, $0xFE;
	v3 =	vsel vm5, $0x1, v0  }
0x92: {  	v6 =	vadd.s32 $0x1, v1;
	v3 =	vadd.s32 v5, v3  }
0x93: {  	v3 =	vadd.s32 v4, v3  }
0x94: {  	vm6 =	vgt.s32 v3, $0x0  }
0x95: {  	v3 =	vnsel vm6, $0x0, v3  }
0x96: {  	[tilespmem:s4+$0x640] =	vst v3  }
0x97: {  	v3 =	vld.idx.msk [tilespmem:v6+s19+$0x0], $0xffff  }
0x98: {  	v4 =	vld.idx.msk [tilespmem:v1+s19+$0x0], $0xffff;
	_ =	sdelay $0x4  }
0x99: {  	vm7 =	vgt.f32 v2, v3;
	vm8 =	vle.f32 v2, v4  }
0x9a: {  	v2 =	vsel vm7, $0x1, v0;
	v3 =	vsel vm8, $0xFFFFFFFF, v0  }
0x9b: {  	v2 =	vadd.s32 v3, v2  }
0x9c: {  	v1 =	vadd.s32 v1, v2  }
0x9d: {  	vm9 =	vgt.s32 v1, $0x0  }
0x9e: {  	p0 =	seq.s32 s25, $0x0;
	v1 =	vnsel vm9, $0x0, v1  }
0x9f: {  	s4 =	simm.s32 @!p0 $0x5;
	[tilespmem:s28+$0x640] =	vst v1  }
0xa0: {  	_ =	swait.ge @!p0 [sflag:s4], $0x1980  }
0xa1: {  	[sflag:s4] =	ssyncset.done @!p0 $0x0  }
0xa2: {  	[sflag:s4] =	ssyncadd.s32 @!p0 $0xFFFFE680  }
0xa3: {  	_ =	swait.ge @!p0 [sflag:s4], $0x1980  }
0xa4: {  	[sflag:s4] =	ssyncset.done @!p0 $0x0  }
0xa5: {  	[sflag:s4] =	ssyncadd.s32 @!p0 $0xFFFFE680  }
0xa6: {  	_ =	swait.ge @!p0 [sflag:s4], $0x1980  }
0xa7: {  	[sflag:s4] =	ssyncset.done @!p0 $0x0  }
0xa8: {  	[sflag:s4] =	ssyncadd.s32 @!p0 $0xFFFFE680  }
0xa9: {  	_ =	swait.ge @!p0 [sflag:s4], $0x1980  }
0xaa: {  	s14 =	simm.s32 $0x640;
	[sflag:s4] =	ssyncset.done @!p0 $0x0  }
0xab: {  	s15 =	simm.s32 $0xCC0;
	p1 =	seq.s32 s25, $0x3F;
	[sflag:s4] =	ssyncadd.s32 @!p0 $0xFFFFE680  }
0xac: {  	[tilespmem:s15], [sflag:$0x3] =	stream.indirect.gather [hbm4b:s5+s24], $0x20, s14, s24, $0xb8;
	[tilespmem:$0xD980] =	vst v63  }
0xad: {  	s4 =	smul.u32 @!p1 $0x640, s25;
	s14 =	simm.s32 $0x708;
	s15 =	simm.s32 $0x2640  }
0xae: {  	[tilespmem:s15], [sflag:$0x3] =	stream.indirect.gather [hbm4b:s5+s24], $0x20, s14, s24, $0xb8;
	[tilespmem:$0xD980] =	vst v63  }
0xaf: {  	s9 =	sadd.s32 @!p1 s4, s10;
	s14 =	simm.s32 $0x7D0;
	s15 =	simm.s32 $0x3FC0  }
0xb0: {  	[tilespmem:s15], [sflag:$0x3] =	stream.indirect.gather [hbm4b:s5+s24], $0x20, s14, s24, $0xb8;
	[tilespmem:$0xD980] =	vst v63  }
0xb1: {  	p2 =	seq.s32 @!p1 s25, $0x0;
	s9 =	sshrl.u32 @!p1 s9, $0x3  }
0xb2: {  	[tilespmem:s17], [sflag:$0x3] =	stream.indirect.gather [hbm4b:s5+s24], $0x20, s16, s24, $0xb8;
	[tilespmem:$0xD980] =	vst v63  }
0xb3: {  	p2 =	por p1, !p2;
	s9 =	sadd.s32 @!p1 s2, s9;
	s14 =	simm.s32 @!p1 $0x0  }
0xb4: {  	[tilespmem:s14], [sflag:$0x1] =	stream.linear.gather @!p1 [hbm4b:s9+s14], $0x320, $0x38;
	[tilespmem:$0xD980] =	vst v63  }
0xb5: {  	_ =	swait.ge @p2 [sflag:s31], $0x1900  }
0xb6: {  	[sflag:s31] =	ssyncset.done @p2 $0x0  }
0xb7: {  	[sflag:s31] =	ssyncadd.s32 @p2 $0xFFFFE700  }
0xb8: {  	_ =	swait.ge @p2 [sflag:s31], $0x1900  }
0xb9: {  	[sflag:s31] =	ssyncset.done @p2 $0x0  }
0xba: {  	s9 =	sshll.u32 @p2 s25, $0x3;
	[sflag:s31] =	ssyncadd.s32 @p2 $0xFFFFE700  }
0xbb: {  	s9 =	sadd.s32 @p2 s9, s12;
	_ =	swait.ge @p2 [sflag:s31], $0x1900  }
0xbc: {  	s14 =	smul.u32 @p2 $0x330, s9;
	[sflag:s31] =	ssyncset.done @p2 $0x0  }
0xbd: {  	s9 =	smul.u32 @p2 $0x1980, s9;
	[sflag:s31] =	ssyncadd.s32 @p2 $0xFFFFE700  }
0xbe: {  	_ =	swait.ge @p2 [sflag:s31], $0x1900  }
0xbf: {  	s15 =	simm.s32 @p2 $0x7280;
	s9 =	sshrl.u32 @p2 s9, $0x3;
	[sflag:s31] =	ssyncset.done @p2 $0x0  }
0xc0: {  	s14 =	sadd.s32 @p2 s8, s14;
	s9 =	sadd.s32 @p2 s8, s9;
	[sflag:s31] =	ssyncadd.s32 @p2 $0xFFFFE700  }
0xc1: {  	[hbm4b:s14+s3] =	stream.linear.scatter @p2 [tilespmem:s15], [sflag:$0x6], $0x1980, $0x38;
	[tilespmem:$0xD980] =	vst v63  }
0xc2: {  	s14 =	sadd.s32 @p2 $0x330, s9;
	s15 =	simm.s32 @p2 $0x8C00  }
0xc3: {  	[hbm4b:s14+s3] =	stream.linear.scatter @p2 [tilespmem:s15], [sflag:$0x6], $0x1980, $0x38;
	[tilespmem:$0xD980] =	vst v63  }
0xc4: {  	s14 =	sadd.s32 @p2 $0x660, s9;
	s15 =	simm.s32 @p2 $0xA580  }
0xc5: {  	[hbm4b:s14+s3] =	stream.linear.scatter @p2 [tilespmem:s15], [sflag:$0x6], $0x1980, $0x38;
	[tilespmem:$0xD980] =	vst v63  }
0xc6: {  	s9 =	sadd.s32 @p2 $0x990, s9;
	s14 =	simm.s32 @p2 $0xBF00  }
0xc7: {  	[hbm4b:s9+s3] =	stream.linear.scatter @p2 [tilespmem:s14], [sflag:$0x6], $0x1980, $0x38;
	[tilespmem:$0xD980] =	vst v63  }
0xc8: {  	_ =	swait.ge [sflag:s18], $0x320  }
0xc9: {  	[sflag:s18] =	ssyncset.done $0x0  }
0xca: {  	s28 =	simm.s32 $0x0;
	[sflag:s18] =	ssyncadd.s32 $0xFFFFFCE0  }
0xcb: {  	v2 =	vld [tilespmem:s28+$0x320];
	_ =	sdelay $0x4  }
0xcc: {  	v1 =	vmul.f32 $2.540000000e+02, v2;
	_ =	sdelay $0x1  }
0xcd: {  	v3 =	vtrunc.f32 v1  }
0xce: {  	v4 =	vcvt.f32.s32 v3;
	vm10 =	vgt.f32 v1, v3  }
0xcf: {  	v1 =	vsel vm10, $0x1, v0  }
0xd0: {  	v1 =	vadd.s32 v4, v1  }
0xd1: {  	vm11 =	vgt.s32 v1, $0x0  }
0xd2: {  	s9 =	simm.s32 $0x10;
	v1 =	vnsel vm11, $0x0, v1  }
0xd3: {  	v3 =	vmin.u32 v1, $0xFE;
	v1 =	vld [tilespmem:s9+$0x320];
	_ =	sdelay $0x1  }
0xd4: {  	v4 =	vadd.s32 $0x1, v3;
	_ =	sdelay $0x2  }
0xd5: {  	v5 =	vmul.f32 $2.540000000e+02, v1  }
0xd6: {  	v6 =	vld.idx.msk [tilespmem:v3+s19+$0x0], $0xffff  }
0xd7: {  	v4 =	vld.idx.msk [tilespmem:v4+s19+$0x0], $0xffff;
	v7 =	vtrunc.f32 v5  }
0xd8: {  	v8 =	vcvt.f32.s32 v7;
	vm12 =	vgt.f32 v5, v7  }
0xd9: {  	v5 =	vsel vm12, $0x1, v0  }
0xda: {  	v5 =	vadd.s32 v8, v5  }
0xdb: {  	vm13 =	vgt.s32 v5, $0x0  }
0xdc: {  	vm15 =	vle.f32 v2, v6;
	vm14 =	vgt.f32 v2, v4;
	v5 =	vnsel vm13, $0x0, v5  }
0xdd: {  	s14 =	simm.s32 $0x20;
	v7 =	vsel vm15, $0xFFFFFFFF, v0;
	v6 =	vsel vm14, $0x1, v0;
	v4 =	vmin.u32 v5, $0xFE  }
0xde: {  	s15 =	simm.s32 $0xC0;
	v2 =	vld [tilespmem:s14+$0x320];
	v6 =	vadd.s32 v7, v6;
	v5 =	vadd.s32 $0x1, v4  }
.LBB2_5:
0xdf: {  	p2 =	sne.s32 s15, $0xC40;
	v6 =	vadd.s32 v3, v6;
	v3 =	vmov v4  }
0xe0: {  	vm0 =	vgt.s32 v6, $0x0  }
0xe1: {  	v4 =	vnsel vm0, $0x0, v6  }
0xe2: {  	[tilespmem:s28+$0x960] =	vst v4;
	s28 =	smov.u32 s9;
	s9 =	smov.u32 s14  }
0xe3: {  	v4 =	vmul.f32 $2.540000000e+02, v2;
	v5 =	vld.idx.msk [tilespmem:v5+s19+$0x0], $0xffff  }
0xe4: {  	v6 =	vld.idx.msk [tilespmem:v3+s19+$0x0], $0xffff  }
0xe5: {  	v7 =	vtrunc.f32 v4  }
0xe6: {  	v8 =	vcvt.f32.s32 v7;
	vm0 =	vgt.f32 v4, v7  }
0xe7: {  	v4 =	vsel vm0, $0x1, v0  }
.Ltmp1:
0xe8: {  	v4 =	vadd.s32 v8, v4;
	(pc) =	sbr.rel @p2 .LBB2_5-.Ltmp1, $4  }
0xe9: {  	vm0 =	vgt.s32 v4, $0x0  }
0xea: {  	vm1 =	vle.f32 v1, v6;
	v4 =	vnsel vm0, $0x0, v4;
	vm0 =	vgt.f32 v1, v5;
	v1 =	vmovc v2  }
0xeb: {  	s14 =	sshra.s32 s15, $0x2;
	v7 =	vsel vm1, $0xFFFFFFFF, v0;
	v4 =	vmin.u32 v4, $0xFE;
	v6 =	vsel vm0, $0x1, v0  }
0xec: {  	s15 =	sadd.s32 $0x40, s15;
	v2 =	vld [tilespmem:s14+$0x320];
	v5 =	vadd.s32 $0x1, v4;
	v6 =	vadd.s32 v7, v6  }
0xed: {  	_ = 	snop  }
0xee: {  	v3 =	vadd.s32 v3, v6  }
0xef: {  	vm0 =	vgt.s32 v3, $0x0  }
0xf0: {  	v3 =	vnsel vm0, $0x0, v3  }
0xf1: {  	[tilespmem:s28+$0x960] =	vst v3;
	v3 =	vmul.f32 $2.540000000e+02, v2  }
0xf2: {  	v5 =	vld.idx.msk [tilespmem:v5+s19+$0x0], $0xffff  }
0xf3: {  	v60 =	vld.idx.msk [tilespmem:v4+s19+$0x0], $0xffff;
	v7 =	vtrunc.f32 v3  }
0xf4: {  	v8 =	vcvt.f32.s32 v7;
	vm9 =	vgt.f32 v3, v7  }
0xf5: {  	v3 =	vsel vm9, $0x1, v0  }
0xf6: {  	v3 =	vadd.s32 v8, v3  }
0xf7: {  	vm10 =	vgt.s32 v3, $0x0  }
0xf8: {  	vm11 =	vgt.f32 v1, v5;
	vm1 =	vle.f32 v1, v60;
	v3 =	vnsel vm10, $0x0, v3  }
0xf9: {  	v61 =	vsel vm1, $0xFFFFFFFF, v0;
	v1 =	vmin.u32 v3, $0xFE;
	v3 =	vsel vm11, $0x1, v0  }
0xfa: {  	v62 =	vadd.s32 $0x1, v1;
	v3 =	vadd.s32 v61, v3  }
0xfb: {  	v3 =	vadd.s32 v4, v3  }
0xfc: {  	vm12 =	vgt.s32 v3, $0x0  }
0xfd: {  	v3 =	vnsel vm12, $0x0, v3  }
0xfe: {  	[tilespmem:s9+$0x960] =	vst v3  }
0xff: {  	v3 =	vld.idx.msk [tilespmem:v62+s19+$0x0], $0xffff  }
0x100: {  	v63 =	vld.idx.msk [tilespmem:v1+s19+$0x0], $0xffff;
	_ =	sdelay $0x4  }
0x101: {  	vm13 =	vgt.f32 v2, v3;
	vm14 =	vle.f32 v2, v63  }
0x102: {  	v2 =	vsel vm13, $0x1, v0;
	v3 =	vsel vm14, $0xFFFFFFFF, v0  }
0x103: {  	v2 =	vadd.s32 v3, v2  }
0x104: {  	v1 =	vadd.s32 v1, v2  }
0x105: {  	vm15 =	vgt.s32 v1, $0x0  }
0x106: {  	v1 =	vnsel vm15, $0x0, v1  }
0x107: {  	s9 =	simm.s32 @!p0 $0x6;
	[tilespmem:s14+$0x960] =	vst v1  }
0x108: {  	_ =	swait.ge @!p0 [sflag:s9], $0x1980  }
0x109: {  	[sflag:s9] =	ssyncset.done @!p0 $0x0  }
0x10a: {  	[sflag:s9] =	ssyncadd.s32 @!p0 $0xFFFFE680  }
0x10b: {  	_ =	swait.ge @!p0 [sflag:s9], $0x1980  }
0x10c: {  	[sflag:s9] =	ssyncset.done @!p0 $0x0  }
0x10d: {  	[sflag:s9] =	ssyncadd.s32 @!p0 $0xFFFFE680  }
0x10e: {  	_ =	swait.ge @!p0 [sflag:s9], $0x1980  }
0x10f: {  	[sflag:s9] =	ssyncset.done @!p0 $0x0  }
0x110: {  	[sflag:s9] =	ssyncadd.s32 @!p0 $0xFFFFE680  }
0x111: {  	_ =	swait.ge @!p0 [sflag:s9], $0x1980  }
0x112: {  	[sflag:s9] =	ssyncset.done @!p0 $0x0  }
0x113: {  	[sflag:s9] =	ssyncadd.s32 @!p0 $0xFFFFE680  }
0x114: {  	[tilespmem:s30], [sflag:$0x4] =	stream.indirect.gather [hbm4b:s5+s24], $0x20, s7, s24, $0xb8;
	[tilespmem:$0xD980] =	vst v63  }
0x115: {  	_ = 	snop  }
0x116: {  	[tilespmem:s22], [sflag:$0x4] =	stream.indirect.gather [hbm4b:s5+s24], $0x20, s1, s24, $0xb8;
	[tilespmem:$0xD980] =	vst v63  }
0x117: {  	s4 =	sadd.s32 @!p1 s4, s13  }
0x118: {  	[tilespmem:s6], [sflag:$0x4] =	stream.indirect.gather [hbm4b:s5+s24], $0x20, s26, s24, $0xb8;
	[tilespmem:$0xD980] =	vst v63  }
0x119: {  	s4 =	sshrl.u32 @!p1 s4, $0x3  }
0x11a: {  	[tilespmem:s23], [sflag:$0x4] =	stream.indirect.gather [hbm4b:s5+s24], $0x20, s21, s24, $0xb8;
	[tilespmem:$0xD980] =	vst v63  }
0x11b: {  	s4 =	sadd.s32 @!p1 s2, s4;
	s14 =	simm.s32 @!p1 $0x320;
	s9 =	simm.s32 @!p1 $0x0  }
0x11c: {  	[tilespmem:s14], [sflag:$0x2] =	stream.linear.gather @!p1 [hbm4b:s4+s9], $0x320, $0x38;
	[tilespmem:$0xD980] =	vst v63  }
0x11d: {  	_ =	swait.ge [sflag:s29], $0x1900  }
0x11e: {  	[sflag:s29] =	ssyncset.done $0x0  }
0x11f: {  	[sflag:s29] =	ssyncadd.s32 $0xFFFFE700  }
0x120: {  	_ =	swait.ge [sflag:s29], $0x1900  }
0x121: {  	[sflag:s29] =	ssyncset.done $0x0  }
0x122: {  	s14 =	sshll.u32 s25, $0x3;
	[sflag:s29] =	ssyncadd.s32 $0xFFFFE700  }
0x123: {  	s4 =	sadd.s32 s11, s14;
	_ =	swait.ge [sflag:s29], $0x1900  }
0x124: {  	s15 =	smul.u32 $0x330, s4;
	[sflag:s29] =	ssyncset.done $0x0  }
0x125: {  	s4 =	smul.u32 $0x1980, s4;
	[sflag:s29] =	ssyncadd.s32 $0xFFFFE700  }
0x126: {  	s28 =	simm.s32 $0xC80;
	_ =	swait.ge [sflag:s29], $0x1900  }
0x127: {  	s25 =	sadd.s32 $0x1, s25;
	s4 =	sshrl.u32 s4, $0x3;
	[sflag:s29] =	ssyncset.done $0x0  }
0x128: {  	s9 =	sadd.s32 s8, s15;
	s4 =	sadd.s32 s8, s4;
	[sflag:s29] =	ssyncadd.s32 $0xFFFFE700  }
0x129: {  	[hbm4b:s9+s3] =	stream.linear.scatter [tilespmem:s28], [sflag:$0x5], $0x1980, $0x38;
	[tilespmem:$0xD980] =	vst v63  }
0x12a: {  	p0 =	sne.s32 s25, $0x40;
	s15 =	sadd.s32 $0x330, s4;
	s28 =	simm.s32 $0x2600  }
0x12b: {  	[hbm4b:s15+s3] =	stream.linear.scatter [tilespmem:s28], [sflag:$0x5], $0x1980, $0x38;
	[tilespmem:$0xD980] =	vst v63  }
.Ltmp2:
0x12c: {  	_ = 	snop;
	(pc) =	sbr.rel @p0 .LBB2_2-.Ltmp2, $4  }
0x12d: {  	s14 =	sadd.s32 $0x660, s4;
	s15 =	simm.s32 $0x3F80  }
0x12e: {  	[hbm4b:s14+s3] =	stream.linear.scatter [tilespmem:s15], [sflag:$0x5], $0x1980, $0x38;
	[tilespmem:$0xD980] =	vst v63  }
0x12f: {  	s4 =	sadd.s32 $0x990, s4;
	s28 =	simm.s32 $0x5900  }
0x130: {  	[hbm4b:s4+s3] =	stream.linear.scatter [tilespmem:s28], [sflag:$0x5], $0x1980, $0x38;
	[tilespmem:$0xD980] =	vst v63  }
0x131: {  	_ =	swait.ge [sflag:s31], $0x1900  }
0x132: {  	[sflag:s31] =	ssyncset.done $0x0  }
0x133: {  	[sflag:s31] =	ssyncadd.s32 $0xFFFFE700  }
0x134: {  	_ =	swait.ge [sflag:s31], $0x1900  }
0x135: {  	[sflag:s31] =	ssyncset.done $0x0  }
0x136: {  	[sflag:s31] =	ssyncadd.s32 $0xFFFFE700  }
0x137: {  	_ =	swait.ge [sflag:s31], $0x1900  }
0x138: {  	[sflag:s31] =	ssyncset.done $0x0  }
0x139: {  	[sflag:s31] =	ssyncadd.s32 $0xFFFFE700  }
0x13a: {  	_ =	swait.ge [sflag:s31], $0x1900  }
0x13b: {  	[sflag:s31] =	ssyncset.done $0x0  }
0x13c: {  	s14 =	simm.s32 $0x7280;
	s4 =	rddreg [dreg:$0x7];
	[sflag:s31] =	ssyncadd.s32 $0xFFFFE700  }
0x13d: {  	[hbm4b:s4+s3] =	stream.linear.scatter [tilespmem:s14], [sflag:$0x6], $0x1980, $0x38;
	[tilespmem:$0xD980] =	vst v63  }
0x13e: {  	s15 =	simm.s32 $0x8C00;
	s9 =	rddreg [dreg:$0x8]  }
0x13f: {  	[hbm4b:s9+s3] =	stream.linear.scatter [tilespmem:s15], [sflag:$0x6], $0x1980, $0x38;
	[tilespmem:$0xD980] =	vst v63  }
0x140: {  	s25 =	simm.s32 $0xA580;
	s16 =	rddreg [dreg:$0x9]  }
0x141: {  	[hbm4b:s16+s3] =	stream.linear.scatter [tilespmem:s25], [sflag:$0x6], $0x1980, $0x38;
	[tilespmem:$0xD980] =	vst v63  }
0x142: {  	s28 =	simm.s32 $0xBF00;
	s9 =	rddreg [dreg:$0xa];
	s16 =	simm.s32 $0x5  }
0x143: {  	[hbm4b:s9+s3] =	stream.linear.scatter [tilespmem:s28], [sflag:$0x6], $0x1980, $0x38;
	[tilespmem:$0xD980] =	vst v63  }
0x144: {  	_ =	swait.ge [sflag:s16], $0x1980  }
0x145: {  	[sflag:s16] =	ssyncset.done $0x0  }
0x146: {  	[sflag:s16] =	ssyncadd.s32 $0xFFFFE680  }
0x147: {  	_ =	swait.ge [sflag:s16], $0x1980  }
0x148: {  	[sflag:s16] =	ssyncset.done $0x0  }
0x149: {  	[sflag:s16] =	ssyncadd.s32 $0xFFFFE680  }
0x14a: {  	_ =	swait.ge [sflag:s16], $0x1980  }
0x14b: {  	[sflag:s16] =	ssyncset.done $0x0  }
0x14c: {  	[sflag:s16] =	ssyncadd.s32 $0xFFFFE680  }
0x14d: {  	_ =	swait.ge [sflag:s16], $0x1980  }
0x14e: {  	[sflag:s16] =	ssyncset.done $0x0  }
0x14f: {  	s9 =	simm.s32 $0x6;
	[sflag:s16] =	ssyncadd.s32 $0xFFFFE680  }
0x150: {  	_ =	swait.ge [sflag:s9], $0x1980  }
0x151: {  	[sflag:s9] =	ssyncset.done $0x0  }
0x152: {  	[sflag:s9] =	ssyncadd.s32 $0xFFFFE680  }
0x153: {  	_ =	swait.ge [sflag:s9], $0x1980  }
0x154: {  	[sflag:s9] =	ssyncset.done $0x0  }
0x155: {  	[sflag:s9] =	ssyncadd.s32 $0xFFFFE680  }
0x156: {  	_ =	swait.ge [sflag:s9], $0x1980  }
0x157: {  	[sflag:s9] =	ssyncset.done $0x0  }
0x158: {  	[sflag:s9] =	ssyncadd.s32 $0xFFFFE680  }
0x159: {  	_ =	swait.ge [sflag:s9], $0x1980  }
0x15a: {  	s16 =	rddreg [dreg:$0xc]  }
0x15b: {  	s4 =	rddreg [dreg:$0xb];
	s16 =	sadd.s32 $0x1, s16  }
0x15c: {  	p0 =	sne.s32 s16, s4  }
.Ltmp3:
0x15d: {  	_ = 	snop;
	(pc) =	sbr.rel @p0 .LBB2_1-.Ltmp3, $3  }
0x15e: {  	_ =	sdelay $0x1  }
0x15f: {  	[sflag:s9] =	ssyncset.done $0x0  }
0x160: {  	[sflag:s9] =	ssyncadd.s32 $0xFFFFE680;
	[dreg:$0xc] =	wrdreg s16;
	s16 =	simm.s32 $0x898  }
0x161: {  	_ =	sfence.sel $0x180000  }
0x162: {  	[bflag:$0x0] =	sbarrier.arrive $0xFFFF  }
0x163: {  	_ =	strace $0x90000047  }
0x164: {  	s0 =	stileid.u32;
	[bflag:$0x2] =	sbarrier.arrive $0xFFFF  }
0x165: {  	p0 =	sne.s32 s0, $0x0;
	s0 =	rddreg [dreg:$0x2]  }
0x166: {  	s0 =	sadd.s32 @!p0 $0x100000, s0  }
0x167: {  	[sflag:s0] =	ssyncadd.tile.s32 @!p0 $0x1;
	_ =	shalt  }
.Lfunc_end2:
_tile_overlayer_lowered:
.L_overlay_start_2:
0x168: {  	(tag) =	ssettag $0x2  }
0x169: {  	s0 =	rddreg [dreg:$0x0];
	s2 =	stileid.u32  }
0x16a: {  	s1 =	rddreg [dreg:$0x1];
	p0 =	sne.s32 s2, $0x0  }
0x16b: {  	s3 =	rddreg [dreg:$0x2];
	[bflag:$0x3] =	sbarrier.arrive $0xFFFF;
	s2 =	simm.s32 @!p0 $0x1C07  }
0x16c: {  	[timem:s3], [sflag:s2] =	dma.local @!p0 [hbm:s0], s1  }
0x16d: {  	s0 =	simm.s32 @!p0 $0x7  }
0x16e: {  	_ =	swait.ge @!p0 [sflag:s0], s1  }
0x16f: {  	s1 =	ssub.s32 @!p0 $0x0, s1;
	[sflag:s0] =	ssyncset.done @!p0 $0x0  }
0x170: {  	[sflag:s0] =	ssyncadd.s32 @!p0 s1  }
0x171: {  	[bflag:$0x3] =	sbarrier.arrive $0xFFFF  }
0x172: {  	_ =	shalt  }

</sc_bundles>
